<compile_context>
chip_gen: v7x
topology: tpu7x:2x2x1
jax: 0.10.2.dev20260603
libtpu: 0.0.44.dev20260713+nightly
codegen_flags: <defaults>
</compile_context>

<pallas_src>
import functools

import jax
import jax.numpy as jnp
from jax import lax
from jax.experimental import pallas as pl
from jax.experimental.pallas import tpu as pltpu
from jax.experimental.pallas import tpu_sc as plsc

B = 16384
D = 64
NCUST = 1000000
NBOUND = 1100
OUT_D = 3 * D + 1 + D
L = 16
NC = 2
NS = 16
NW = NC * NS
ROWS_PER_W = B // NW
TILE_C = 128
NTILE = NCUST // TILE_C
TAIL0 = NTILE * TILE_C

_mesh = plsc.VectorSubcoreMesh(core_axis_name="c", subcore_axis_name="s")


@functools.partial(
    pl.kernel,
    out_type=jax.ShapeDtypeStruct((B, D), jnp.float32),
    mesh=_mesh,
    compiler_params=pltpu.CompilerParams(use_tc_tiling_on_sc=True,
                                         needs_layout_passes=False),
    scratch_types=[
        pltpu.VMEM((ROWS_PER_W,), jnp.int32),
        pltpu.VMEM((D, TILE_C), jnp.float32),
        pltpu.VMEM((D, TILE_C), jnp.float32),
        pltpu.VMEM((D, TILE_C), jnp.float32),
        pltpu.VMEM((D, TILE_C), jnp.float32),
        pltpu.VMEM((D, TILE_C), jnp.float32),
        pltpu.VMEM((D, TILE_C), jnp.float32),
        pltpu.VMEM((D, TILE_C), jnp.float32),
        pltpu.VMEM((D, TILE_C), jnp.float32),
        pltpu.VMEM((D, D), jnp.float32),
        pltpu.VMEM((ROWS_PER_W // 2, D), jnp.float32),
        pltpu.SemaphoreType.DMA,
        pltpu.SemaphoreType.DMA,
        pltpu.SemaphoreType.DMA,
        pltpu.SemaphoreType.DMA,
        pltpu.SemaphoreType.DMA,
        pltpu.SemaphoreType.DMA,
        pltpu.SemaphoreType.DMA,
        pltpu.SemaphoreType.DMA,
    ],
)
def _sc_customer(cidx_hbm, ctabT_hbm, tail_hbm, out_hbm,
                 cidx_s, tb0, tb1, tb2, tb3, tb4, tb5, tb6, tb7,
                 tail_v, rows_v,
                 sem0, sem1, sem2, sem3, sem4, sem5, sem6, sem7):
    wid = lax.axis_index("s") * NC + lax.axis_index("c")
    base_w = wid * ROWS_PER_W

    pltpu.sync_copy(cidx_hbm.at[pl.ds(base_w, ROWS_PER_W)], cidx_s)
    pltpu.sync_copy(tail_hbm, tail_v)

    def group(g, carry):
        gb = g * L
        hb = (g % (ROWS_PER_W // L // 2)) * L
        cv = cidx_s[pl.ds(gb, L)]
        tcv = jnp.minimum(lax.shift_right_logical(cv, 7), NTILE - 1)

        def fire(l, buf, sem):
            off = pl.multiple_of(tcv[l] * TILE_C, TILE_C)
            pltpu.async_copy(ctabT_hbm.at[:, pl.ds(off, TILE_C)], buf, sem)

        def extract(l, buf, sem):
            pltpu.make_async_copy(ctabT_hbm.at[:, pl.ds(0, TILE_C)], buf,
                                  sem).wait()
            c = cv[l]
            use_tail = jnp.full((L,), c >= TAIL0, jnp.bool_)
            col_a = jnp.full((L,), jnp.minimum(c - tcv[l] * TILE_C,
                                               TILE_C - 1), jnp.int32)
            col_t = jnp.full((L,), jnp.clip(c - TAIL0, 0, D - 1), jnp.int32)
            rvec = hb + l + jnp.zeros((L,), jnp.int32)
            for k in range(D // L):
                fvec = k * L + lax.iota(jnp.int32, L)
                va = plsc.load_gather(buf, [fvec, col_a])
                vt = plsc.load_gather(tail_v, [col_t, fvec])
                plsc.store_scatter(rows_v, [rvec, fvec],
                                   jnp.where(use_tail, vt, va))

        bufs = [(tb0, sem0), (tb1, sem1), (tb2, sem2), (tb3, sem3),
                (tb4, sem4), (tb5, sem5), (tb6, sem6), (tb7, sem7)]
        for l in range(8):
            fire(l, *bufs[l])
        for l in range(L - 8):
            buf, sem = bufs[l % 8]
            extract(l, buf, sem)
            fire(l + 8, buf, sem)
        for l in range(L - 8, L):
            extract(l, *bufs[l % 8])
        return carry

    HGRP = ROWS_PER_W // L // 2

    def half(h, carry):
        lax.fori_loop(h * HGRP, (h + 1) * HGRP, group, 0)
        pltpu.sync_copy(
            rows_v,
            out_hbm.at[pl.ds(base_w + h * (ROWS_PER_W // 2),
                             ROWS_PER_W // 2)])
        return carry

    lax.fori_loop(0, 2, half, 0)


TCB = 256
NBLK = B // TCB
NACT = 1000
NWT = 100


def _tc_rest_body(aidx_ref, widx_ref, times_ref, atab_ref, wtab_ref,
                  ttab_ref, bounds_ref, params_ref, out_ref):
    f32 = jnp.float32
    aidx = aidx_ref[0, 0, :]
    widx = widx_ref[0, 0, :]
    t = times_ref[0, 0, :]
    bounds = bounds_ref[0, :]
    mean = params_ref[0, 0]
    inv = params_ref[0, 1]

    dn = (((1,), (0,)), ((), ()))
    oh_a = (aidx[:, None] ==
            lax.broadcasted_iota(jnp.int32, (1, NACT), 1)).astype(f32)
    act = lax.dot_general(oh_a, atab_ref[...], dn,
                          precision=lax.Precision.HIGHEST,
                          preferred_element_type=f32)
    oh_w = (widx[:, None] ==
            lax.broadcasted_iota(jnp.int32, (1, NWT), 1)).astype(f32)
    wt = lax.dot_general(oh_w, wtab_ref[...], dn,
                         precision=lax.Precision.HIGHEST,
                         preferred_element_type=f32)
    bins = jnp.sum((bounds[None, :] < t[:, None]).astype(jnp.int32), axis=1)
    oh_t = (bins[:, None] ==
            lax.broadcasted_iota(jnp.int32, (1, NBOUND + 1), 1)).astype(f32)
    temb = lax.dot_general(oh_t, ttab_ref[...], dn,
                           precision=lax.Precision.HIGHEST,
                           preferred_element_type=f32)
    tn = (t - mean) * inv
    out_ref[:, 0:D] = act
    out_ref[:, D:2 * D] = wt
    out_ref[:, 2 * D:2 * D + 1] = tn[:, None]
    out_ref[:, 2 * D + 1:] = temb


_tc_rest = pl.pallas_call(
    _tc_rest_body,
    grid=(NBLK,),
    in_specs=[
        pl.BlockSpec((1, 1, TCB), lambda i: (i, 0, 0)),
        pl.BlockSpec((1, 1, TCB), lambda i: (i, 0, 0)),
        pl.BlockSpec((1, 1, TCB), lambda i: (i, 0, 0)),
        pl.BlockSpec((NACT, D), lambda i: (0, 0)),
        pl.BlockSpec((NWT, D), lambda i: (0, 0)),
        pl.BlockSpec((NBOUND + 1, D), lambda i: (0, 0)),
        pl.BlockSpec((1, NBOUND), lambda i: (0, 0)),
        pl.BlockSpec((1, 2), lambda i: (0, 0)),
    ],
    out_specs=pl.BlockSpec((TCB, OUT_D - D), lambda i: (i, 0)),
    out_shape=jax.ShapeDtypeStruct((B, OUT_D - D), jnp.float32),
)


def kernel(CUSTOMER_CODE, ACTION_ID, WEIGHT_int, TIMES, customer_table,
           action_table, weight_table, time_table, time_mean, time_var,
           boundaries):
    f32 = jnp.float32
    inv_std = lax.rsqrt(jnp.maximum(time_var, 1e-7).astype(f32))
    params = jnp.stack([time_mean.astype(f32), inv_std])[None, :]
    ctabT = customer_table.T
    tail = customer_table[TAIL0:]
    cust = _sc_customer(CUSTOMER_CODE, ctabT, tail)
    rest = _tc_rest(ACTION_ID.reshape(NBLK, 1, TCB),
                    WEIGHT_int.reshape(NBLK, 1, TCB),
                    TIMES.reshape(NBLK, 1, TCB),
                    action_table, weight_table, time_table,
                    boundaries[None, :], params)
    return jnp.concatenate([cust, rest], axis=1)

# --- scband reference (transcript-rebuilt; emitter-appended) ---
"""Pipeline reference for scband-customer-model-10531259810386 (READ-ONLY COPY).

The authoritative reference and input builder live on the scoring server;
editing this copy changes nothing except your own understanding.
"""

import jax, jax.numpy as jnp
import numpy as np

B = 16384
NUM_CUSTOMERS = 1000000
NUM_ACTIONS = 1000
NUM_WEIGHTS = 100
DAYS = 1100
D = 64


def setup_inputs(seed: int = 0) -> dict:
    key = jax.random.key(seed)
    ks = jax.random.split(key, 9)
    customer_code = jax.random.randint(ks[0], (B,), 0, NUM_CUSTOMERS, dtype=jnp.int32)
    action_id = jax.random.randint(ks[1], (B,), 0, NUM_ACTIONS, dtype=jnp.int32)
    weight_int = jax.random.randint(ks[2], (B,), 0, NUM_WEIGHTS, dtype=jnp.int32)
    times = jax.random.uniform(ks[3], (B,), minval=0.0, maxval=1100.0, dtype=jnp.float32)
    customer_table = jax.random.normal(ks[4], (NUM_CUSTOMERS, D), dtype=jnp.float32) * 0.05
    action_table = jax.random.normal(ks[5], (NUM_ACTIONS, D), dtype=jnp.float32) * 0.05
    weight_table = jax.random.normal(ks[6], (NUM_WEIGHTS, D), dtype=jnp.float32) * 0.05
    time_table = jax.random.normal(ks[7], (DAYS + 1, D), dtype=jnp.float32) * 0.05
    # Normalization layer stats (adapted on timestamps)
    time_mean = jnp.mean(times)
    time_var = jnp.var(times)
    # Discretization boundaries: linspace over [min, max] with DAYS points
    boundaries = jnp.linspace(jnp.min(times), jnp.max(times), DAYS)
    return {
        "CUSTOMER_CODE": customer_code,
        "ACTION_ID": action_id,
        "WEIGHT_int": weight_int,
        "TIMES": times,
        "customer_table": customer_table,
        "action_table": action_table,
        "weight_table": weight_table,
        "time_table": time_table,
        "time_mean": time_mean,
        "time_var": time_var,
        "boundaries": boundaries,
    }


def reference(CUSTOMER_CODE, ACTION_ID, WEIGHT_int, TIMES, customer_table,
              action_table, weight_table, time_table, time_mean, time_var,
              boundaries):
    # StringLookup/IntegerLookup -> indices already integer; Embedding -> gather
    cust_emb = jnp.take(customer_table, CUSTOMER_CODE, axis=0)
    act_emb = jnp.take(action_table, ACTION_ID, axis=0)
    wt_emb = jnp.take(weight_table, WEIGHT_int, axis=0)
    # Normalization: (x - mean) / sqrt(var)
    t_norm = (TIMES - time_mean) / jnp.sqrt(jnp.maximum(time_var, 1e-7))
    # Discretization: bucketize against boundaries, then embedding gather
    bins = jnp.searchsorted(boundaries, TIMES)
    t_disc_emb = jnp.take(time_table, bins, axis=0)
    return jnp.concatenate(
        [cust_emb, act_emb, wt_emb, t_norm[:, None], t_disc_emb], axis=1)

if __name__ == "__main__":
    import jax
    _d = setup_inputs()
    print(jax.jit(kernel)(*tuple(_d.values())))

</pallas_src>

<mosaic_0001>
#map = affine_map<(d0, d1) -> (0)>
#map1 = affine_map<(d0, d1) -> (0, 0)>
module attributes {stable_mosaic.version = 14 : i64} {
  func.func @_sc_customer(%arg0: i32, %arg1: i32, %arg2: memref<16384xi32, #tpu.memory_space<hbm>>, %arg3: memref<64x1000000xf32, #tpu.memory_space<hbm>>, %arg4: memref<64x64xf32, #tpu.memory_space<hbm>>, %arg5: memref<16384x64xf32, #tpu.memory_space<hbm>>, %arg6: memref<512xi32, #tpu.memory_space<vmem>>, %arg7: memref<64x128xf32, #tpu.memory_space<vmem>>, %arg8: memref<64x128xf32, #tpu.memory_space<vmem>>, %arg9: memref<64x128xf32, #tpu.memory_space<vmem>>, %arg10: memref<64x128xf32, #tpu.memory_space<vmem>>, %arg11: memref<64x128xf32, #tpu.memory_space<vmem>>, %arg12: memref<64x128xf32, #tpu.memory_space<vmem>>, %arg13: memref<64x128xf32, #tpu.memory_space<vmem>>, %arg14: memref<64x128xf32, #tpu.memory_space<vmem>>, %arg15: memref<64x64xf32, #tpu.memory_space<vmem>>, %arg16: memref<256x64xf32, #tpu.memory_space<vmem>>, %arg17: memref<!tpu.dma_semaphore, #tpu.memory_space<semaphore_mem>>, %arg18: memref<!tpu.dma_semaphore, #tpu.memory_space<semaphore_mem>>, %arg19: memref<!tpu.dma_semaphore, #tpu.memory_space<semaphore_mem>>, %arg20: memref<!tpu.dma_semaphore, #tpu.memory_space<semaphore_mem>>, %arg21: memref<!tpu.dma_semaphore, #tpu.memory_space<semaphore_mem>>, %arg22: memref<!tpu.dma_semaphore, #tpu.memory_space<semaphore_mem>>, %arg23: memref<!tpu.dma_semaphore, #tpu.memory_space<semaphore_mem>>, %arg24: memref<!tpu.dma_semaphore, #tpu.memory_space<semaphore_mem>>) attributes {dimension_semantics = [#tpu.dimension_semantics<core_parallel>, #tpu.dimension_semantics<subcore_parallel>], iteration_bounds = array<i64: 2, 16>, scalar_prefetch = 0 : i64, scratch_operands = 19 : i64, tpu.core_type = #tpu.core_type<sc_vector_subcore>, window_params = [{transform_indices = #map}, {transform_indices = #map1}, {transform_indices = #map1}, {transform_indices = #map1}]} {
    %mul3A = arith.constant 2 : i32
    %mul3A_0 = arith.muli %arg1, %mul3A : i32
    %add3A = arith.addi %mul3A_0, %arg0 : i32
    %mul3A_1 = arith.constant 512 : i32
    %mul3A_2 = arith.muli %add3A, %mul3A_1 : i32
    "tpu.region"() ({
      %run_scoped3A = tpu.sem_alloc : memref<!tpu.dma_semaphore, #tpu.memory_space<semaphore_mem>>
      %dma_start3A = tpu.memref_slice %arg2[%mul3A_2] : memref<16384xi32, #tpu.memory_space<hbm>> -> memref<512xi32, #tpu.memory_space<hbm>>
      %dma_start3A_8 = tpu.memref_slice %arg2[%mul3A_2] : memref<16384xi32, #tpu.memory_space<hbm>> -> memref<512xi32, #tpu.memory_space<hbm>>
      tpu.enqueue_dma source(%dma_start3A_8 : memref<512xi32, #tpu.memory_space<hbm>>) target(%arg6 : memref<512xi32, #tpu.memory_space<vmem>>) target_semaphore(%run_scoped3A : memref<!tpu.dma_semaphore, #tpu.memory_space<semaphore_mem>>)
      %dma_wait3A = tpu.memref_slice %arg2[%mul3A_2] : memref<16384xi32, #tpu.memory_space<hbm>> -> memref<512xi32, #tpu.memory_space<hbm>>
      %dma_wait3A_9 = tpu.memref_slice %arg2[%mul3A_2] : memref<16384xi32, #tpu.memory_space<hbm>> -> memref<512xi32, #tpu.memory_space<hbm>>
      tpu.wait_dma2 semaphore(%run_scoped3A : memref<!tpu.dma_semaphore, #tpu.memory_space<semaphore_mem>>) src(%dma_wait3A_9 : memref<512xi32, #tpu.memory_space<hbm>>) dst(%arg6 : memref<512xi32, #tpu.memory_space<vmem>>)
      tpu.yield
    }) : () -> ()
    "tpu.region"() ({
      %run_scoped3A = tpu.sem_alloc : memref<!tpu.dma_semaphore, #tpu.memory_space<semaphore_mem>>
      tpu.enqueue_dma source(%arg4 : memref<64x64xf32, #tpu.memory_space<hbm>>) target(%arg15 : memref<64x64xf32, #tpu.memory_space<vmem>>) target_semaphore(%run_scoped3A : memref<!tpu.dma_semaphore, #tpu.memory_space<semaphore_mem>>)
      tpu.wait_dma2 semaphore(%run_scoped3A : memref<!tpu.dma_semaphore, #tpu.memory_space<semaphore_mem>>) src(%arg4 : memref<64x64xf32, #tpu.memory_space<hbm>>) dst(%arg15 : memref<64x64xf32, #tpu.memory_space<vmem>>)
      tpu.yield
    }) : () -> ()
    %scan3A = arith.constant 0 : i32
    %scan3A_3 = arith.constant 0 : i32
    %scan3A_4 = arith.constant 2 : i32
    %scan3A_5 = arith.addi %scan3A_3, %scan3A_4 : i32
    %scan3A_6 = arith.constant 1 : i32
    scf.for %scan3A_8 = %scan3A_3 to %scan3A_5 step %scan3A_6  : i32 {
      %mul3A_9 = arith.constant 16 : i32
      %mul3A_10 = arith.muli %scan3A_8, %mul3A_9 : i32
      %add3A_11 = arith.constant 1 : i32
      %add3A_12 = arith.addi %scan3A_8, %add3A_11 : i32
      %mul3A_13 = arith.constant 16 : i32
      %mul3A_14 = arith.muli %add3A_12, %mul3A_13 : i32
      %while3A = arith.constant 0 : i32
      %while3A_15 = arith.subi %mul3A_14, %mul3A_10 : i32
      %while3A_16 = arith.addi %mul3A_10, %while3A_15 : i32
      %while3A_17 = arith.constant 1 : i32
      %while3A_18 = arith.divsi %while3A_15, %while3A_17 : i32
      %while3A_19 = arith.muli %while3A_18, %while3A_17 : i32
      %while3A_20 = arith.addi %mul3A_10, %while3A_19 : i32
      %while3A_21 = arith.constant 1 : i32
      scf.for %while3A_26 = %mul3A_10 to %while3A_20 step %while3A_21  : i32 {
        %mul3A_27 = arith.constant 16 : i32
        %mul3A_28 = arith.muli %while3A_26, %mul3A_27 : i32
        %jit3A = arith.constant 16 : i32
        %eq3A = arith.constant 0 : i32
        %eq3A_29 = arith.cmpi eq, %jit3A, %eq3A : i32
        %jit3A_30 = arith.constant 1 : i32
        %select_n3A = arith.select %eq3A_29, %jit3A_30, %jit3A : i32
        %rem3A = arith.remsi %while3A_26, %select_n3A : i32
        %ne3A = arith.constant 0 : i32
        %ne3A_31 = arith.cmpi ne, %rem3A, %ne3A : i32
        %lt3A = arith.constant 0 : i32
        %lt3A_32 = arith.cmpi slt, %rem3A, %lt3A : i32
        %lt3A_33 = arith.constant 0 : i32
        %lt3A_34 = arith.cmpi slt, %select_n3A, %lt3A_33 : i32
        %ne3A_35 = arith.xori %lt3A_32, %lt3A_34 : i1
        %and3A = arith.andi %ne3A_35, %ne3A_31 : i1
        %add3A_36 = arith.addi %rem3A, %select_n3A : i32
        %select_n3A_37 = arith.select %and3A, %add3A_36, %rem3A : i32
        %mul3A_38 = arith.constant 16 : i32
        %mul3A_39 = arith.muli %select_n3A_37, %mul3A_38 : i32
        %get3A = arith.index_cast %mul3A_28 : i32 to index
        %get3A_40 = tpu.vector_load %arg6[%get3A] {strides = array<i32>} : memref<512xi32, #tpu.memory_space<vmem>>, vector<16xi32>,
        %shift_right_logical3A = arith.constant 7 : i32
        %shift_right_logical3A_41 = vector.broadcast %shift_right_logical3A : i32 to vector<16xi32>
        %shift_right_logical3A_42 = arith.shrui %get3A_40, %shift_right_logical3A_41 : vector<16xi32>
        %min3A = arith.constant 7811 : i32
        %min3A_43 = vector.broadcast %min3A : i32 to vector<16xi32>
        %min3A_44 = arith.minsi %shift_right_logical3A_42, %min3A_43 : vector<16xi32>
        %slice3A = vector.extract_strided_slice %min3A_44 {offsets = [0], sizes = [1], strides = [1]} : vector<16xi32> to vector<1xi32>
        %squeeze3A = vector.extract %slice3A[0] : i32 from vector<1xi32>
        %mul3A_45 = arith.constant 128 : i32
        %mul3A_46 = arith.muli %squeeze3A, %mul3A_45 : i32
        %multiple_of3A = tpu.assume_multiple %mul3A_46, 128 : i32
        %dma_start3A = arith.constant 0 : i32
        %dma_start3A_47 = tpu.memref_slice %arg3[%dma_start3A, %multiple_of3A] : memref<64x1000000xf32, #tpu.memory_space<hbm>> -> memref<64x128xf32, #tpu.memory_space<hbm>>
        %dma_start3A_48 = arith.constant 0 : i32
        %dma_start3A_49 = tpu.memref_slice %arg3[%dma_start3A_48, %multiple_of3A] : memref<64x1000000xf32, #tpu.memory_space<hbm>> -> memref<64x128xf32, #tpu.memory_space<hbm>>
        tpu.enqueue_dma source(%dma_start3A_49 : memref<64x128xf32, #tpu.memory_space<hbm>>) target(%arg7 : memref<64x128xf32, #tpu.memory_space<vmem>>) target_semaphore(%arg17 : memref<!tpu.dma_semaphore, #tpu.memory_space<semaphore_mem>>)
        %slice3A_50 = vector.extract_strided_slice %min3A_44 {offsets = [1], sizes = [1], strides = [1]} : vector<16xi32> to vector<1xi32>
        %squeeze3A_51 = vector.extract %slice3A_50[0] : i32 from vector<1xi32>
        %mul3A_52 = arith.constant 128 : i32
        %mul3A_53 = arith.muli %squeeze3A_51, %mul3A_52 : i32
        %multiple_of3A_54 = tpu.assume_multiple %mul3A_53, 128 : i32
        %dma_start3A_55 = arith.constant 0 : i32
        %dma_start3A_56 = tpu.memref_slice %arg3[%dma_start3A_55, %multiple_of3A_54] : memref<64x1000000xf32, #tpu.memory_space<hbm>> -> memref<64x128xf32, #tpu.memory_space<hbm>>
        %dma_start3A_57 = arith.constant 0 : i32
        %dma_start3A_58 = tpu.memref_slice %arg3[%dma_start3A_57, %multiple_of3A_54] : memref<64x1000000xf32, #tpu.memory_space<hbm>> -> memref<64x128xf32, #tpu.memory_space<hbm>>
        tpu.enqueue_dma source(%dma_start3A_58 : memref<64x128xf32, #tpu.memory_space<hbm>>) target(%arg8 : memref<64x128xf32, #tpu.memory_space<vmem>>) target_semaphore(%arg18 : memref<!tpu.dma_semaphore, #tpu.memory_space<semaphore_mem>>)
        %slice3A_59 = vector.extract_strided_slice %min3A_44 {offsets = [2], sizes = [1], strides = [1]} : vector<16xi32> to vector<1xi32>
        %squeeze3A_60 = vector.extract %slice3A_59[0] : i32 from vector<1xi32>
        %mul3A_61 = arith.constant 128 : i32
        %mul3A_62 = arith.muli %squeeze3A_60, %mul3A_61 : i32
        %multiple_of3A_63 = tpu.assume_multiple %mul3A_62, 128 : i32
        %dma_start3A_64 = arith.constant 0 : i32
        %dma_start3A_65 = tpu.memref_slice %arg3[%dma_start3A_64, %multiple_of3A_63] : memref<64x1000000xf32, #tpu.memory_space<hbm>> -> memref<64x128xf32, #tpu.memory_space<hbm>>
        %dma_start3A_66 = arith.constant 0 : i32
        %dma_start3A_67 = tpu.memref_slice %arg3[%dma_start3A_66, %multiple_of3A_63] : memref<64x1000000xf32, #tpu.memory_space<hbm>> -> memref<64x128xf32, #tpu.memory_space<hbm>>
        tpu.enqueue_dma source(%dma_start3A_67 : memref<64x128xf32, #tpu.memory_space<hbm>>) target(%arg9 : memref<64x128xf32, #tpu.memory_space<vmem>>) target_semaphore(%arg19 : memref<!tpu.dma_semaphore, #tpu.memory_space<semaphore_mem>>)
        %slice3A_68 = vector.extract_strided_slice %min3A_44 {offsets = [3], sizes = [1], strides = [1]} : vector<16xi32> to vector<1xi32>
        %squeeze3A_69 = vector.extract %slice3A_68[0] : i32 from vector<1xi32>
        %mul3A_70 = arith.constant 128 : i32
        %mul3A_71 = arith.muli %squeeze3A_69, %mul3A_70 : i32
        %multiple_of3A_72 = tpu.assume_multiple %mul3A_71, 128 : i32
        %dma_start3A_73 = arith.constant 0 : i32
        %dma_start3A_74 = tpu.memref_slice %arg3[%dma_start3A_73, %multiple_of3A_72] : memref<64x1000000xf32, #tpu.memory_space<hbm>> -> memref<64x128xf32, #tpu.memory_space<hbm>>
        %dma_start3A_75 = arith.constant 0 : i32
        %dma_start3A_76 = tpu.memref_slice %arg3[%dma_start3A_75, %multiple_of3A_72] : memref<64x1000000xf32, #tpu.memory_space<hbm>> -> memref<64x128xf32, #tpu.memory_space<hbm>>
        tpu.enqueue_dma source(%dma_start3A_76 : memref<64x128xf32, #tpu.memory_space<hbm>>) target(%arg10 : memref<64x128xf32, #tpu.memory_space<vmem>>) target_semaphore(%arg20 : memref<!tpu.dma_semaphore, #tpu.memory_space<semaphore_mem>>)
        %slice3A_77 = vector.extract_strided_slice %min3A_44 {offsets = [4], sizes = [1], strides = [1]} : vector<16xi32> to vector<1xi32>
        %squeeze3A_78 = vector.extract %slice3A_77[0] : i32 from vector<1xi32>
        %mul3A_79 = arith.constant 128 : i32
        %mul3A_80 = arith.muli %squeeze3A_78, %mul3A_79 : i32
        %multiple_of3A_81 = tpu.assume_multiple %mul3A_80, 128 : i32
        %dma_start3A_82 = arith.constant 0 : i32
        %dma_start3A_83 = tpu.memref_slice %arg3[%dma_start3A_82, %multiple_of3A_81] : memref<64x1000000xf32, #tpu.memory_space<hbm>> -> memref<64x128xf32, #tpu.memory_space<hbm>>
        %dma_start3A_84 = arith.constant 0 : i32
        %dma_start3A_85 = tpu.memref_slice %arg3[%dma_start3A_84, %multiple_of3A_81] : memref<64x1000000xf32, #tpu.memory_space<hbm>> -> memref<64x128xf32, #tpu.memory_space<hbm>>
        tpu.enqueue_dma source(%dma_start3A_85 : memref<64x128xf32, #tpu.memory_space<hbm>>) target(%arg11 : memref<64x128xf32, #tpu.memory_space<vmem>>) target_semaphore(%arg21 : memref<!tpu.dma_semaphore, #tpu.memory_space<semaphore_mem>>)
        %slice3A_86 = vector.extract_strided_slice %min3A_44 {offsets = [5], sizes = [1], strides = [1]} : vector<16xi32> to vector<1xi32>
        %squeeze3A_87 = vector.extract %slice3A_86[0] : i32 from vector<1xi32>
        %mul3A_88 = arith.constant 128 : i32
        %mul3A_89 = arith.muli %squeeze3A_87, %mul3A_88 : i32
        %multiple_of3A_90 = tpu.assume_multiple %mul3A_89, 128 : i32
        %dma_start3A_91 = arith.constant 0 : i32
        %dma_start3A_92 = tpu.memref_slice %arg3[%dma_start3A_91, %multiple_of3A_90] : memref<64x1000000xf32, #tpu.memory_space<hbm>> -> memref<64x128xf32, #tpu.memory_space<hbm>>
        %dma_start3A_93 = arith.constant 0 : i32
        %dma_start3A_94 = tpu.memref_slice %arg3[%dma_start3A_93, %multiple_of3A_90] : memref<64x1000000xf32, #tpu.memory_space<hbm>> -> memref<64x128xf32, #tpu.memory_space<hbm>>
        tpu.enqueue_dma source(%dma_start3A_94 : memref<64x128xf32, #tpu.memory_space<hbm>>) target(%arg12 : memref<64x128xf32, #tpu.memory_space<vmem>>) target_semaphore(%arg22 : memref<!tpu.dma_semaphore, #tpu.memory_space<semaphore_mem>>)
        %slice3A_95 = vector.extract_strided_slice %min3A_44 {offsets = [6], sizes = [1], strides = [1]} : vector<16xi32> to vector<1xi32>
        %squeeze3A_96 = vector.extract %slice3A_95[0] : i32 from vector<1xi32>
        %mul3A_97 = arith.constant 128 : i32
        %mul3A_98 = arith.muli %squeeze3A_96, %mul3A_97 : i32
        %multiple_of3A_99 = tpu.assume_multiple %mul3A_98, 128 : i32
        %dma_start3A_100 = arith.constant 0 : i32
        %dma_start3A_101 = tpu.memref_slice %arg3[%dma_start3A_100, %multiple_of3A_99] : memref<64x1000000xf32, #tpu.memory_space<hbm>> -> memref<64x128xf32, #tpu.memory_space<hbm>>
        %dma_start3A_102 = arith.constant 0 : i32
        %dma_start3A_103 = tpu.memref_slice %arg3[%dma_start3A_102, %multiple_of3A_99] : memref<64x1000000xf32, #tpu.memory_space<hbm>> -> memref<64x128xf32, #tpu.memory_space<hbm>>
        tpu.enqueue_dma source(%dma_start3A_103 : memref<64x128xf32, #tpu.memory_space<hbm>>) target(%arg13 : memref<64x128xf32, #tpu.memory_space<vmem>>) target_semaphore(%arg23 : memref<!tpu.dma_semaphore, #tpu.memory_space<semaphore_mem>>)
        %slice3A_104 = vector.extract_strided_slice %min3A_44 {offsets = [7], sizes = [1], strides = [1]} : vector<16xi32> to vector<1xi32>
        %squeeze3A_105 = vector.extract %slice3A_104[0] : i32 from vector<1xi32>
        %mul3A_106 = arith.constant 128 : i32
        %mul3A_107 = arith.muli %squeeze3A_105, %mul3A_106 : i32
        %multiple_of3A_108 = tpu.assume_multiple %mul3A_107, 128 : i32
        %dma_start3A_109 = arith.constant 0 : i32
        %dma_start3A_110 = tpu.memref_slice %arg3[%dma_start3A_109, %multiple_of3A_108] : memref<64x1000000xf32, #tpu.memory_space<hbm>> -> memref<64x128xf32, #tpu.memory_space<hbm>>
        %dma_start3A_111 = arith.constant 0 : i32
        %dma_start3A_112 = tpu.memref_slice %arg3[%dma_start3A_111, %multiple_of3A_108] : memref<64x1000000xf32, #tpu.memory_space<hbm>> -> memref<64x128xf32, #tpu.memory_space<hbm>>
        tpu.enqueue_dma source(%dma_start3A_112 : memref<64x128xf32, #tpu.memory_space<hbm>>) target(%arg14 : memref<64x128xf32, #tpu.memory_space<vmem>>) target_semaphore(%arg24 : memref<!tpu.dma_semaphore, #tpu.memory_space<semaphore_mem>>)
        %dma_wait3A = arith.constant 0 : i32
        %dma_wait3A_113 = arith.constant 0 : i32
        %dma_wait3A_114 = tpu.memref_slice %arg3[%dma_wait3A, %dma_wait3A_113] : memref<64x1000000xf32, #tpu.memory_space<hbm>> -> memref<64x128xf32, #tpu.memory_space<hbm>>
        %dma_wait3A_115 = arith.constant 0 : i32
        %dma_wait3A_116 = arith.constant 0 : i32
        %dma_wait3A_117 = tpu.memref_slice %arg3[%dma_wait3A_115, %dma_wait3A_116] : memref<64x1000000xf32, #tpu.memory_space<hbm>> -> memref<64x128xf32, #tpu.memory_space<hbm>>
        tpu.wait_dma2 semaphore(%arg17 : memref<!tpu.dma_semaphore, #tpu.memory_space<semaphore_mem>>) src(%dma_wait3A_117 : memref<64x128xf32, #tpu.memory_space<hbm>>) dst(%arg7 : memref<64x128xf32, #tpu.memory_space<vmem>>)
        %slice3A_118 = vector.extract_strided_slice %get3A_40 {offsets = [0], sizes = [1], strides = [1]} : vector<16xi32> to vector<1xi32>
        %squeeze3A_119 = vector.extract %slice3A_118[0] : i32 from vector<1xi32>
        %ge3A = arith.constant 999936 : i32
        %ge3A_120 = arith.cmpi sge, %squeeze3A_119, %ge3A : i32
        %broadcast_in_dim3A = vector.broadcast %ge3A_120 : i1 to vector<16xi1>
        %slice3A_121 = vector.extract_strided_slice %min3A_44 {offsets = [0], sizes = [1], strides = [1]} : vector<16xi32> to vector<1xi32>
        %squeeze3A_122 = vector.extract %slice3A_121[0] : i32 from vector<1xi32>
        %mul3A_123 = arith.constant 128 : i32
        %mul3A_124 = arith.muli %squeeze3A_122, %mul3A_123 : i32
        %sub3A = arith.subi %squeeze3A_119, %mul3A_124 : i32
        %min3A_125 = arith.constant 127 : i32
        %min3A_126 = arith.minsi %sub3A, %min3A_125 : i32
        %broadcast_in_dim3A_127 = vector.broadcast %min3A_126 : i32 to vector<16xi32>
        %sub3A_128 = arith.constant 999936 : i32
        %sub3A_129 = arith.subi %squeeze3A_119, %sub3A_128 : i32
        %jit3A_130 = arith.constant 0 : i32
        %jit3A_131 = arith.constant 63 : i32
        %max3A = arith.maxsi %jit3A_130, %sub3A_129 : i32
        %min3A_132 = arith.minsi %jit3A_131, %max3A : i32
        %broadcast_in_dim3A_133 = vector.broadcast %min3A_132 : i32 to vector<16xi32>
        %add3A_134 = arith.constant 0 : i32
        %add3A_135 = arith.addi %mul3A_39, %add3A_134 : i32
        %broadcast_in_dim3A_136 = arith.constant 0 : i32
        %broadcast_in_dim3A_137 = vector.broadcast %broadcast_in_dim3A_136 : i32 to vector<16xi32>
        %add3A_138 = vector.broadcast %add3A_135 : i32 to vector<16xi32>
        %add3A_139 = arith.addi %add3A_138, %broadcast_in_dim3A_137 : vector<16xi32>
        %iota3A = tpu.iota {dimensions = array<i32: 0>} : vector<16xi32>
        %add3A_140 = arith.constant 0 : i32
        %add3A_141 = vector.broadcast %add3A_140 : i32 to vector<16xi32>
        %add3A_142 = arith.addi %add3A_141, %iota3A : vector<16xi32>
        %gather3A = tpu.vector_load_idx %arg7[%add3A_142, %broadcast_in_dim3A_127] : memref<64x128xf32, #tpu.memory_space<vmem>>[vector<16xi32>, vector<16xi32>], vector<16xf32>,
        %gather3A_143 = tpu.vector_load_idx %arg15[%broadcast_in_dim3A_133, %add3A_142] : memref<64x64xf32, #tpu.memory_space<vmem>>[vector<16xi32>, vector<16xi32>], vector<16xf32>,
        %select_n3A_144 = arith.select %broadcast_in_dim3A, %gather3A_143, %gather3A : vector<16xi1>, vector<16xf32>
        tpu.vector_store_idx %arg16[%add3A_139, %add3A_142], %select_n3A_144 : memref<256x64xf32, #tpu.memory_space<vmem>>[vector<16xi32>, vector<16xi32>], vector<16xf32>,
        %iota3A_145 = tpu.iota {dimensions = array<i32: 0>} : vector<16xi32>
        %add3A_146 = arith.constant 16 : i32
        %add3A_147 = vector.broadcast %add3A_146 : i32 to vector<16xi32>
        %add3A_148 = arith.addi %add3A_147, %iota3A_145 : vector<16xi32>
        %gather3A_149 = tpu.vector_load_idx %arg7[%add3A_148, %broadcast_in_dim3A_127] : memref<64x128xf32, #tpu.memory_space<vmem>>[vector<16xi32>, vector<16xi32>], vector<16xf32>,
        %gather3A_150 = tpu.vector_load_idx %arg15[%broadcast_in_dim3A_133, %add3A_148] : memref<64x64xf32, #tpu.memory_space<vmem>>[vector<16xi32>, vector<16xi32>], vector<16xf32>,
        %select_n3A_151 = arith.select %broadcast_in_dim3A, %gather3A_150, %gather3A_149 : vector<16xi1>, vector<16xf32>
        tpu.vector_store_idx %arg16[%add3A_139, %add3A_148], %select_n3A_151 : memref<256x64xf32, #tpu.memory_space<vmem>>[vector<16xi32>, vector<16xi32>], vector<16xf32>,
        %iota3A_152 = tpu.iota {dimensions = array<i32: 0>} : vector<16xi32>
        %add3A_153 = arith.constant 32 : i32
        %add3A_154 = vector.broadcast %add3A_153 : i32 to vector<16xi32>
        %add3A_155 = arith.addi %add3A_154, %iota3A_152 : vector<16xi32>
        %gather3A_156 = tpu.vector_load_idx %arg7[%add3A_155, %broadcast_in_dim3A_127] : memref<64x128xf32, #tpu.memory_space<vmem>>[vector<16xi32>, vector<16xi32>], vector<16xf32>,
        %gather3A_157 = tpu.vector_load_idx %arg15[%broadcast_in_dim3A_133, %add3A_155] : memref<64x64xf32, #tpu.memory_space<vmem>>[vector<16xi32>, vector<16xi32>], vector<16xf32>,
        %select_n3A_158 = arith.select %broadcast_in_dim3A, %gather3A_157, %gather3A_156 : vector<16xi1>, vector<16xf32>
        tpu.vector_store_idx %arg16[%add3A_139, %add3A_155], %select_n3A_158 : memref<256x64xf32, #tpu.memory_space<vmem>>[vector<16xi32>, vector<16xi32>], vector<16xf32>,
        %iota3A_159 = tpu.iota {dimensions = array<i32: 0>} : vector<16xi32>
        %add3A_160 = arith.constant 48 : i32
        %add3A_161 = vector.broadcast %add3A_160 : i32 to vector<16xi32>
        %add3A_162 = arith.addi %add3A_161, %iota3A_159 : vector<16xi32>
        %gather3A_163 = tpu.vector_load_idx %arg7[%add3A_162, %broadcast_in_dim3A_127] : memref<64x128xf32, #tpu.memory_space<vmem>>[vector<16xi32>, vector<16xi32>], vector<16xf32>,
        %gather3A_164 = tpu.vector_load_idx %arg15[%broadcast_in_dim3A_133, %add3A_162] : memref<64x64xf32, #tpu.memory_space<vmem>>[vector<16xi32>, vector<16xi32>], vector<16xf32>,
        %select_n3A_165 = arith.select %broadcast_in_dim3A, %gather3A_164, %gather3A_163 : vector<16xi1>, vector<16xf32>
        tpu.vector_store_idx %arg16[%add3A_139, %add3A_162], %select_n3A_165 : memref<256x64xf32, #tpu.memory_space<vmem>>[vector<16xi32>, vector<16xi32>], vector<16xf32>,
        %slice3A_166 = vector.extract_strided_slice %min3A_44 {offsets = [8], sizes = [1], strides = [1]} : vector<16xi32> to vector<1xi32>
        %squeeze3A_167 = vector.extract %slice3A_166[0] : i32 from vector<1xi32>
        %mul3A_168 = arith.constant 128 : i32
        %mul3A_169 = arith.muli %squeeze3A_167, %mul3A_168 : i32
        %multiple_of3A_170 = tpu.assume_multiple %mul3A_169, 128 : i32
        %dma_start3A_171 = arith.constant 0 : i32
        %dma_start3A_172 = tpu.memref_slice %arg3[%dma_start3A_171, %multiple_of3A_170] : memref<64x1000000xf32, #tpu.memory_space<hbm>> -> memref<64x128xf32, #tpu.memory_space<hbm>>
        %dma_start3A_173 = arith.constant 0 : i32
        %dma_start3A_174 = tpu.memref_slice %arg3[%dma_start3A_173, %multiple_of3A_170] : memref<64x1000000xf32, #tpu.memory_space<hbm>> -> memref<64x128xf32, #tpu.memory_space<hbm>>
        tpu.enqueue_dma source(%dma_start3A_174 : memref<64x128xf32, #tpu.memory_space<hbm>>) target(%arg7 : memref<64x128xf32, #tpu.memory_space<vmem>>) target_semaphore(%arg17 : memref<!tpu.dma_semaphore, #tpu.memory_space<semaphore_mem>>)
        %dma_wait3A_175 = arith.constant 0 : i32
        %dma_wait3A_176 = arith.constant 0 : i32
        %dma_wait3A_177 = tpu.memref_slice %arg3[%dma_wait3A_175, %dma_wait3A_176] : memref<64x1000000xf32, #tpu.memory_space<hbm>> -> memref<64x128xf32, #tpu.memory_space<hbm>>
        %dma_wait3A_178 = arith.constant 0 : i32
        %dma_wait3A_179 = arith.constant 0 : i32
        %dma_wait3A_180 = tpu.memref_slice %arg3[%dma_wait3A_178, %dma_wait3A_179] : memref<64x1000000xf32, #tpu.memory_space<hbm>> -> memref<64x128xf32, #tpu.memory_space<hbm>>
        tpu.wait_dma2 semaphore(%arg18 : memref<!tpu.dma_semaphore, #tpu.memory_space<semaphore_mem>>) src(%dma_wait3A_180 : memref<64x128xf32, #tpu.memory_space<hbm>>) dst(%arg8 : memref<64x128xf32, #tpu.memory_space<vmem>>)
        %slice3A_181 = vector.extract_strided_slice %get3A_40 {offsets = [1], sizes = [1], strides = [1]} : vector<16xi32> to vector<1xi32>
        %squeeze3A_182 = vector.extract %slice3A_181[0] : i32 from vector<1xi32>
        %ge3A_183 = arith.constant 999936 : i32
        %ge3A_184 = arith.cmpi sge, %squeeze3A_182, %ge3A_183 : i32
        %broadcast_in_dim3A_185 = vector.broadcast %ge3A_184 : i1 to vector<16xi1>
        %slice3A_186 = vector.extract_strided_slice %min3A_44 {offsets = [1], sizes = [1], strides = [1]} : vector<16xi32> to vector<1xi32>
        %squeeze3A_187 = vector.extract %slice3A_186[0] : i32 from vector<1xi32>
        %mul3A_188 = arith.constant 128 : i32
        %mul3A_189 = arith.muli %squeeze3A_187, %mul3A_188 : i32
        %sub3A_190 = arith.subi %squeeze3A_182, %mul3A_189 : i32
        %min3A_191 = arith.constant 127 : i32
        %min3A_192 = arith.minsi %sub3A_190, %min3A_191 : i32
        %broadcast_in_dim3A_193 = vector.broadcast %min3A_192 : i32 to vector<16xi32>
        %sub3A_194 = arith.constant 999936 : i32
        %sub3A_195 = arith.subi %squeeze3A_182, %sub3A_194 : i32
        %jit3A_196 = arith.constant 0 : i32
        %jit3A_197 = arith.constant 63 : i32
        %max3A_198 = arith.maxsi %jit3A_196, %sub3A_195 : i32
        %min3A_199 = arith.minsi %jit3A_197, %max3A_198 : i32
        %broadcast_in_dim3A_200 = vector.broadcast %min3A_199 : i32 to vector<16xi32>
        %add3A_201 = arith.constant 1 : i32
        %add3A_202 = arith.addi %mul3A_39, %add3A_201 : i32
        %broadcast_in_dim3A_203 = arith.constant 0 : i32
        %broadcast_in_dim3A_204 = vector.broadcast %broadcast_in_dim3A_203 : i32 to vector<16xi32>
        %add3A_205 = vector.broadcast %add3A_202 : i32 to vector<16xi32>
        %add3A_206 = arith.addi %add3A_205, %broadcast_in_dim3A_204 : vector<16xi32>
        %iota3A_207 = tpu.iota {dimensions = array<i32: 0>} : vector<16xi32>
        %add3A_208 = arith.constant 0 : i32
        %add3A_209 = vector.broadcast %add3A_208 : i32 to vector<16xi32>
        %add3A_210 = arith.addi %add3A_209, %iota3A_207 : vector<16xi32>
        %gather3A_211 = tpu.vector_load_idx %arg8[%add3A_210, %broadcast_in_dim3A_193] : memref<64x128xf32, #tpu.memory_space<vmem>>[vector<16xi32>, vector<16xi32>], vector<16xf32>,
        %gather3A_212 = tpu.vector_load_idx %arg15[%broadcast_in_dim3A_200, %add3A_210] : memref<64x64xf32, #tpu.memory_space<vmem>>[vector<16xi32>, vector<16xi32>], vector<16xf32>,
        %select_n3A_213 = arith.select %broadcast_in_dim3A_185, %gather3A_212, %gather3A_211 : vector<16xi1>, vector<16xf32>
        tpu.vector_store_idx %arg16[%add3A_206, %add3A_210], %select_n3A_213 : memref<256x64xf32, #tpu.memory_space<vmem>>[vector<16xi32>, vector<16xi32>], vector<16xf32>,
        %iota3A_214 = tpu.iota {dimensions = array<i32: 0>} : vector<16xi32>
        %add3A_215 = arith.constant 16 : i32
        %add3A_216 = vector.broadcast %add3A_215 : i32 to vector<16xi32>
        %add3A_217 = arith.addi %add3A_216, %iota3A_214 : vector<16xi32>
        %gather3A_218 = tpu.vector_load_idx %arg8[%add3A_217, %broadcast_in_dim3A_193] : memref<64x128xf32, #tpu.memory_space<vmem>>[vector<16xi32>, vector<16xi32>], vector<16xf32>,
        %gather3A_219 = tpu.vector_load_idx %arg15[%broadcast_in_dim3A_200, %add3A_217] : memref<64x64xf32, #tpu.memory_space<vmem>>[vector<16xi32>, vector<16xi32>], vector<16xf32>,
        %select_n3A_220 = arith.select %broadcast_in_dim3A_185, %gather3A_219, %gather3A_218 : vector<16xi1>, vector<16xf32>
        tpu.vector_store_idx %arg16[%add3A_206, %add3A_217], %select_n3A_220 : memref<256x64xf32, #tpu.memory_space<vmem>>[vector<16xi32>, vector<16xi32>], vector<16xf32>,
        %iota3A_221 = tpu.iota {dimensions = array<i32: 0>} : vector<16xi32>
        %add3A_222 = arith.constant 32 : i32
        %add3A_223 = vector.broadcast %add3A_222 : i32 to vector<16xi32>
        %add3A_224 = arith.addi %add3A_223, %iota3A_221 : vector<16xi32>
        %gather3A_225 = tpu.vector_load_idx %arg8[%add3A_224, %broadcast_in_dim3A_193] : memref<64x128xf32, #tpu.memory_space<vmem>>[vector<16xi32>, vector<16xi32>], vector<16xf32>,
        %gather3A_226 = tpu.vector_load_idx %arg15[%broadcast_in_dim3A_200, %add3A_224] : memref<64x64xf32, #tpu.memory_space<vmem>>[vector<16xi32>, vector<16xi32>], vector<16xf32>,
        %select_n3A_227 = arith.select %broadcast_in_dim3A_185, %gather3A_226, %gather3A_225 : vector<16xi1>, vector<16xf32>
        tpu.vector_store_idx %arg16[%add3A_206, %add3A_224], %select_n3A_227 : memref<256x64xf32, #tpu.memory_space<vmem>>[vector<16xi32>, vector<16xi32>], vector<16xf32>,
        %iota3A_228 = tpu.iota {dimensions = array<i32: 0>} : vector<16xi32>
        %add3A_229 = arith.constant 48 : i32
        %add3A_230 = vector.broadcast %add3A_229 : i32 to vector<16xi32>
        %add3A_231 = arith.addi %add3A_230, %iota3A_228 : vector<16xi32>
        %gather3A_232 = tpu.vector_load_idx %arg8[%add3A_231, %broadcast_in_dim3A_193] : memref<64x128xf32, #tpu.memory_space<vmem>>[vector<16xi32>, vector<16xi32>], vector<16xf32>,
        %gather3A_233 = tpu.vector_load_idx %arg15[%broadcast_in_dim3A_200, %add3A_231] : memref<64x64xf32, #tpu.memory_space<vmem>>[vector<16xi32>, vector<16xi32>], vector<16xf32>,
        %select_n3A_234 = arith.select %broadcast_in_dim3A_185, %gather3A_233, %gather3A_232 : vector<16xi1>, vector<16xf32>
        tpu.vector_store_idx %arg16[%add3A_206, %add3A_231], %select_n3A_234 : memref<256x64xf32, #tpu.memory_space<vmem>>[vector<16xi32>, vector<16xi32>], vector<16xf32>,
        %slice3A_235 = vector.extract_strided_slice %min3A_44 {offsets = [9], sizes = [1], strides = [1]} : vector<16xi32> to vector<1xi32>
        %squeeze3A_236 = vector.extract %slice3A_235[0] : i32 from vector<1xi32>
        %mul3A_237 = arith.constant 128 : i32
        %mul3A_238 = arith.muli %squeeze3A_236, %mul3A_237 : i32
        %multiple_of3A_239 = tpu.assume_multiple %mul3A_238, 128 : i32
        %dma_start3A_240 = arith.constant 0 : i32
        %dma_start3A_241 = tpu.memref_slice %arg3[%dma_start3A_240, %multiple_of3A_239] : memref<64x1000000xf32, #tpu.memory_space<hbm>> -> memref<64x128xf32, #tpu.memory_space<hbm>>
        %dma_start3A_242 = arith.constant 0 : i32
        %dma_start3A_243 = tpu.memref_slice %arg3[%dma_start3A_242, %multiple_of3A_239] : memref<64x1000000xf32, #tpu.memory_space<hbm>> -> memref<64x128xf32, #tpu.memory_space<hbm>>
        tpu.enqueue_dma source(%dma_start3A_243 : memref<64x128xf32, #tpu.memory_space<hbm>>) target(%arg8 : memref<64x128xf32, #tpu.memory_space<vmem>>) target_semaphore(%arg18 : memref<!tpu.dma_semaphore, #tpu.memory_space<semaphore_mem>>)
        %dma_wait3A_244 = arith.constant 0 : i32
        %dma_wait3A_245 = arith.constant 0 : i32
        %dma_wait3A_246 = tpu.memref_slice %arg3[%dma_wait3A_244, %dma_wait3A_245] : memref<64x1000000xf32, #tpu.memory_space<hbm>> -> memref<64x128xf32, #tpu.memory_space<hbm>>
        %dma_wait3A_247 = arith.constant 0 : i32
        %dma_wait3A_248 = arith.constant 0 : i32
        %dma_wait3A_249 = tpu.memref_slice %arg3[%dma_wait3A_247, %dma_wait3A_248] : memref<64x1000000xf32, #tpu.memory_space<hbm>> -> memref<64x128xf32, #tpu.memory_space<hbm>>
        tpu.wait_dma2 semaphore(%arg19 : memref<!tpu.dma_semaphore, #tpu.memory_space<semaphore_mem>>) src(%dma_wait3A_249 : memref<64x128xf32, #tpu.memory_space<hbm>>) dst(%arg9 : memref<64x128xf32, #tpu.memory_space<vmem>>)
        %slice3A_250 = vector.extract_strided_slice %get3A_40 {offsets = [2], sizes = [1], strides = [1]} : vector<16xi32> to vector<1xi32>
        %squeeze3A_251 = vector.extract %slice3A_250[0] : i32 from vector<1xi32>
        %ge3A_252 = arith.constant 999936 : i32
        %ge3A_253 = arith.cmpi sge, %squeeze3A_251, %ge3A_252 : i32
        %broadcast_in_dim3A_254 = vector.broadcast %ge3A_253 : i1 to vector<16xi1>
        %slice3A_255 = vector.extract_strided_slice %min3A_44 {offsets = [2], sizes = [1], strides = [1]} : vector<16xi32> to vector<1xi32>
        %squeeze3A_256 = vector.extract %slice3A_255[0] : i32 from vector<1xi32>
        %mul3A_257 = arith.constant 128 : i32
        %mul3A_258 = arith.muli %squeeze3A_256, %mul3A_257 : i32
        %sub3A_259 = arith.subi %squeeze3A_251, %mul3A_258 : i32
        %min3A_260 = arith.constant 127 : i32
        %min3A_261 = arith.minsi %sub3A_259, %min3A_260 : i32
        %broadcast_in_dim3A_262 = vector.broadcast %min3A_261 : i32 to vector<16xi32>
        %sub3A_263 = arith.constant 999936 : i32
        %sub3A_264 = arith.subi %squeeze3A_251, %sub3A_263 : i32
        %jit3A_265 = arith.constant 0 : i32
        %jit3A_266 = arith.constant 63 : i32
        %max3A_267 = arith.maxsi %jit3A_265, %sub3A_264 : i32
        %min3A_268 = arith.minsi %jit3A_266, %max3A_267 : i32
        %broadcast_in_dim3A_269 = vector.broadcast %min3A_268 : i32 to vector<16xi32>
        %add3A_270 = arith.constant 2 : i32
        %add3A_271 = arith.addi %mul3A_39, %add3A_270 : i32
        %broadcast_in_dim3A_272 = arith.constant 0 : i32
        %broadcast_in_dim3A_273 = vector.broadcast %broadcast_in_dim3A_272 : i32 to vector<16xi32>
        %add3A_274 = vector.broadcast %add3A_271 : i32 to vector<16xi32>
        %add3A_275 = arith.addi %add3A_274, %broadcast_in_dim3A_273 : vector<16xi32>
        %iota3A_276 = tpu.iota {dimensions = array<i32: 0>} : vector<16xi32>
        %add3A_277 = arith.constant 0 : i32
        %add3A_278 = vector.broadcast %add3A_277 : i32 to vector<16xi32>
        %add3A_279 = arith.addi %add3A_278, %iota3A_276 : vector<16xi32>
        %gather3A_280 = tpu.vector_load_idx %arg9[%add3A_279, %broadcast_in_dim3A_262] : memref<64x128xf32, #tpu.memory_space<vmem>>[vector<16xi32>, vector<16xi32>], vector<16xf32>,
        %gather3A_281 = tpu.vector_load_idx %arg15[%broadcast_in_dim3A_269, %add3A_279] : memref<64x64xf32, #tpu.memory_space<vmem>>[vector<16xi32>, vector<16xi32>], vector<16xf32>,
        %select_n3A_282 = arith.select %broadcast_in_dim3A_254, %gather3A_281, %gather3A_280 : vector<16xi1>, vector<16xf32>
        tpu.vector_store_idx %arg16[%add3A_275, %add3A_279], %select_n3A_282 : memref<256x64xf32, #tpu.memory_space<vmem>>[vector<16xi32>, vector<16xi32>], vector<16xf32>,
        %iota3A_283 = tpu.iota {dimensions = array<i32: 0>} : vector<16xi32>
        %add3A_284 = arith.constant 16 : i32
        %add3A_285 = vector.broadcast %add3A_284 : i32 to vector<16xi32>
        %add3A_286 = arith.addi %add3A_285, %iota3A_283 : vector<16xi32>
        %gather3A_287 = tpu.vector_load_idx %arg9[%add3A_286, %broadcast_in_dim3A_262] : memref<64x128xf32, #tpu.memory_space<vmem>>[vector<16xi32>, vector<16xi32>], vector<16xf32>,
        %gather3A_288 = tpu.vector_load_idx %arg15[%broadcast_in_dim3A_269, %add3A_286] : memref<64x64xf32, #tpu.memory_space<vmem>>[vector<16xi32>, vector<16xi32>], vector<16xf32>,
        %select_n3A_289 = arith.select %broadcast_in_dim3A_254, %gather3A_288, %gather3A_287 : vector<16xi1>, vector<16xf32>
        tpu.vector_store_idx %arg16[%add3A_275, %add3A_286], %select_n3A_289 : memref<256x64xf32, #tpu.memory_space<vmem>>[vector<16xi32>, vector<16xi32>], vector<16xf32>,
        %iota3A_290 = tpu.iota {dimensions = array<i32: 0>} : vector<16xi32>
        %add3A_291 = arith.constant 32 : i32
        %add3A_292 = vector.broadcast %add3A_291 : i32 to vector<16xi32>
        %add3A_293 = arith.addi %add3A_292, %iota3A_290 : vector<16xi32>
        %gather3A_294 = tpu.vector_load_idx %arg9[%add3A_293, %broadcast_in_dim3A_262] : memref<64x128xf32, #tpu.memory_space<vmem>>[vector<16xi32>, vector<16xi32>], vector<16xf32>,
        %gather3A_295 = tpu.vector_load_idx %arg15[%broadcast_in_dim3A_269, %add3A_293] : memref<64x64xf32, #tpu.memory_space<vmem>>[vector<16xi32>, vector<16xi32>], vector<16xf32>,
        %select_n3A_296 = arith.select %broadcast_in_dim3A_254, %gather3A_295, %gather3A_294 : vector<16xi1>, vector<16xf32>
        tpu.vector_store_idx %arg16[%add3A_275, %add3A_293], %select_n3A_296 : memref<256x64xf32, #tpu.memory_space<vmem>>[vector<16xi32>, vector<16xi32>], vector<16xf32>,
        %iota3A_297 = tpu.iota {dimensions = array<i32: 0>} : vector<16xi32>
        %add3A_298 = arith.constant 48 : i32
        %add3A_299 = vector.broadcast %add3A_298 : i32 to vector<16xi32>
        %add3A_300 = arith.addi %add3A_299, %iota3A_297 : vector<16xi32>
        %gather3A_301 = tpu.vector_load_idx %arg9[%add3A_300, %broadcast_in_dim3A_262] : memref<64x128xf32, #tpu.memory_space<vmem>>[vector<16xi32>, vector<16xi32>], vector<16xf32>,
        %gather3A_302 = tpu.vector_load_idx %arg15[%broadcast_in_dim3A_269, %add3A_300] : memref<64x64xf32, #tpu.memory_space<vmem>>[vector<16xi32>, vector<16xi32>], vector<16xf32>,
        %select_n3A_303 = arith.select %broadcast_in_dim3A_254, %gather3A_302, %gather3A_301 : vector<16xi1>, vector<16xf32>
        tpu.vector_store_idx %arg16[%add3A_275, %add3A_300], %select_n3A_303 : memref<256x64xf32, #tpu.memory_space<vmem>>[vector<16xi32>, vector<16xi32>], vector<16xf32>,
        %slice3A_304 = vector.extract_strided_slice %min3A_44 {offsets = [10], sizes = [1], strides = [1]} : vector<16xi32> to vector<1xi32>
        %squeeze3A_305 = vector.extract %slice3A_304[0] : i32 from vector<1xi32>
        %mul3A_306 = arith.constant 128 : i32
        %mul3A_307 = arith.muli %squeeze3A_305, %mul3A_306 : i32
        %multiple_of3A_308 = tpu.assume_multiple %mul3A_307, 128 : i32
        %dma_start3A_309 = arith.constant 0 : i32
        %dma_start3A_310 = tpu.memref_slice %arg3[%dma_start3A_309, %multiple_of3A_308] : memref<64x1000000xf32, #tpu.memory_space<hbm>> -> memref<64x128xf32, #tpu.memory_space<hbm>>
        %dma_start3A_311 = arith.constant 0 : i32
        %dma_start3A_312 = tpu.memref_slice %arg3[%dma_start3A_311, %multiple_of3A_308] : memref<64x1000000xf32, #tpu.memory_space<hbm>> -> memref<64x128xf32, #tpu.memory_space<hbm>>
        tpu.enqueue_dma source(%dma_start3A_312 : memref<64x128xf32, #tpu.memory_space<hbm>>) target(%arg9 : memref<64x128xf32, #tpu.memory_space<vmem>>) target_semaphore(%arg19 : memref<!tpu.dma_semaphore, #tpu.memory_space<semaphore_mem>>)
        %dma_wait3A_313 = arith.constant 0 : i32
        %dma_wait3A_314 = arith.constant 0 : i32
        %dma_wait3A_315 = tpu.memref_slice %arg3[%dma_wait3A_313, %dma_wait3A_314] : memref<64x1000000xf32, #tpu.memory_space<hbm>> -> memref<64x128xf32, #tpu.memory_space<hbm>>
        %dma_wait3A_316 = arith.constant 0 : i32
        %dma_wait3A_317 = arith.constant 0 : i32
        %dma_wait3A_318 = tpu.memref_slice %arg3[%dma_wait3A_316, %dma_wait3A_317] : memref<64x1000000xf32, #tpu.memory_space<hbm>> -> memref<64x128xf32, #tpu.memory_space<hbm>>
        tpu.wait_dma2 semaphore(%arg20 : memref<!tpu.dma_semaphore, #tpu.memory_space<semaphore_mem>>) src(%dma_wait3A_318 : memref<64x128xf32, #tpu.memory_space<hbm>>) dst(%arg10 : memref<64x128xf32, #tpu.memory_space<vmem>>)
        %slice3A_319 = vector.extract_strided_slice %get3A_40 {offsets = [3], sizes = [1], strides = [1]} : vector<16xi32> to vector<1xi32>
        %squeeze3A_320 = vector.extract %slice3A_319[0] : i32 from vector<1xi32>
        %ge3A_321 = arith.constant 999936 : i32
        %ge3A_322 = arith.cmpi sge, %squeeze3A_320, %ge3A_321 : i32
        %broadcast_in_dim3A_323 = vector.broadcast %ge3A_322 : i1 to vector<16xi1>
        %slice3A_324 = vector.extract_strided_slice %min3A_44 {offsets = [3], sizes = [1], strides = [1]} : vector<16xi32> to vector<1xi32>
        %squeeze3A_325 = vector.extract %slice3A_324[0] : i32 from vector<1xi32>
        %mul3A_326 = arith.constant 128 : i32
        %mul3A_327 = arith.muli %squeeze3A_325, %mul3A_326 : i32
        %sub3A_328 = arith.subi %squeeze3A_320, %mul3A_327 : i32
        %min3A_329 = arith.constant 127 : i32
        %min3A_330 = arith.minsi %sub3A_328, %min3A_329 : i32
        %broadcast_in_dim3A_331 = vector.broadcast %min3A_330 : i32 to vector<16xi32>
        %sub3A_332 = arith.constant 999936 : i32
        %sub3A_333 = arith.subi %squeeze3A_320, %sub3A_332 : i32
        %jit3A_334 = arith.constant 0 : i32
        %jit3A_335 = arith.constant 63 : i32
        %max3A_336 = arith.maxsi %jit3A_334, %sub3A_333 : i32
        %min3A_337 = arith.minsi %jit3A_335, %max3A_336 : i32
        %broadcast_in_dim3A_338 = vector.broadcast %min3A_337 : i32 to vector<16xi32>
        %add3A_339 = arith.constant 3 : i32
        %add3A_340 = arith.addi %mul3A_39, %add3A_339 : i32
        %broadcast_in_dim3A_341 = arith.constant 0 : i32
        %broadcast_in_dim3A_342 = vector.broadcast %broadcast_in_dim3A_341 : i32 to vector<16xi32>
        %add3A_343 = vector.broadcast %add3A_340 : i32 to vector<16xi32>
        %add3A_344 = arith.addi %add3A_343, %broadcast_in_dim3A_342 : vector<16xi32>
        %iota3A_345 = tpu.iota {dimensions = array<i32: 0>} : vector<16xi32>
        %add3A_346 = arith.constant 0 : i32
        %add3A_347 = vector.broadcast %add3A_346 : i32 to vector<16xi32>
        %add3A_348 = arith.addi %add3A_347, %iota3A_345 : vector<16xi32>
        %gather3A_349 = tpu.vector_load_idx %arg10[%add3A_348, %broadcast_in_dim3A_331] : memref<64x128xf32, #tpu.memory_space<vmem>>[vector<16xi32>, vector<16xi32>], vector<16xf32>,
        %gather3A_350 = tpu.vector_load_idx %arg15[%broadcast_in_dim3A_338, %add3A_348] : memref<64x64xf32, #tpu.memory_space<vmem>>[vector<16xi32>, vector<16xi32>], vector<16xf32>,
        %select_n3A_351 = arith.select %broadcast_in_dim3A_323, %gather3A_350, %gather3A_349 : vector<16xi1>, vector<16xf32>
        tpu.vector_store_idx %arg16[%add3A_344, %add3A_348], %select_n3A_351 : memref<256x64xf32, #tpu.memory_space<vmem>>[vector<16xi32>, vector<16xi32>], vector<16xf32>,
        %iota3A_352 = tpu.iota {dimensions = array<i32: 0>} : vector<16xi32>
        %add3A_353 = arith.constant 16 : i32
        %add3A_354 = vector.broadcast %add3A_353 : i32 to vector<16xi32>
        %add3A_355 = arith.addi %add3A_354, %iota3A_352 : vector<16xi32>
        %gather3A_356 = tpu.vector_load_idx %arg10[%add3A_355, %broadcast_in_dim3A_331] : memref<64x128xf32, #tpu.memory_space<vmem>>[vector<16xi32>, vector<16xi32>], vector<16xf32>,
        %gather3A_357 = tpu.vector_load_idx %arg15[%broadcast_in_dim3A_338, %add3A_355] : memref<64x64xf32, #tpu.memory_space<vmem>>[vector<16xi32>, vector<16xi32>], vector<16xf32>,
        %select_n3A_358 = arith.select %broadcast_in_dim3A_323, %gather3A_357, %gather3A_356 : vector<16xi1>, vector<16xf32>
        tpu.vector_store_idx %arg16[%add3A_344, %add3A_355], %select_n3A_358 : memref<256x64xf32, #tpu.memory_space<vmem>>[vector<16xi32>, vector<16xi32>], vector<16xf32>,
        %iota3A_359 = tpu.iota {dimensions = array<i32: 0>} : vector<16xi32>
        %add3A_360 = arith.constant 32 : i32
        %add3A_361 = vector.broadcast %add3A_360 : i32 to vector<16xi32>
        %add3A_362 = arith.addi %add3A_361, %iota3A_359 : vector<16xi32>
        %gather3A_363 = tpu.vector_load_idx %arg10[%add3A_362, %broadcast_in_dim3A_331] : memref<64x128xf32, #tpu.memory_space<vmem>>[vector<16xi32>, vector<16xi32>], vector<16xf32>,
        %gather3A_364 = tpu.vector_load_idx %arg15[%broadcast_in_dim3A_338, %add3A_362] : memref<64x64xf32, #tpu.memory_space<vmem>>[vector<16xi32>, vector<16xi32>], vector<16xf32>,
        %select_n3A_365 = arith.select %broadcast_in_dim3A_323, %gather3A_364, %gather3A_363 : vector<16xi1>, vector<16xf32>
        tpu.vector_store_idx %arg16[%add3A_344, %add3A_362], %select_n3A_365 : memref<256x64xf32, #tpu.memory_space<vmem>>[vector<16xi32>, vector<16xi32>], vector<16xf32>,
        %iota3A_366 = tpu.iota {dimensions = array<i32: 0>} : vector<16xi32>
        %add3A_367 = arith.constant 48 : i32
        %add3A_368 = vector.broadcast %add3A_367 : i32 to vector<16xi32>
        %add3A_369 = arith.addi %add3A_368, %iota3A_366 : vector<16xi32>
        %gather3A_370 = tpu.vector_load_idx %arg10[%add3A_369, %broadcast_in_dim3A_331] : memref<64x128xf32, #tpu.memory_space<vmem>>[vector<16xi32>, vector<16xi32>], vector<16xf32>,
        %gather3A_371 = tpu.vector_load_idx %arg15[%broadcast_in_dim3A_338, %add3A_369] : memref<64x64xf32, #tpu.memory_space<vmem>>[vector<16xi32>, vector<16xi32>], vector<16xf32>,
        %select_n3A_372 = arith.select %broadcast_in_dim3A_323, %gather3A_371, %gather3A_370 : vector<16xi1>, vector<16xf32>
        tpu.vector_store_idx %arg16[%add3A_344, %add3A_369], %select_n3A_372 : memref<256x64xf32, #tpu.memory_space<vmem>>[vector<16xi32>, vector<16xi32>], vector<16xf32>,
        %slice3A_373 = vector.extract_strided_slice %min3A_44 {offsets = [11], sizes = [1], strides = [1]} : vector<16xi32> to vector<1xi32>
        %squeeze3A_374 = vector.extract %slice3A_373[0] : i32 from vector<1xi32>
        %mul3A_375 = arith.constant 128 : i32
        %mul3A_376 = arith.muli %squeeze3A_374, %mul3A_375 : i32
        %multiple_of3A_377 = tpu.assume_multiple %mul3A_376, 128 : i32
        %dma_start3A_378 = arith.constant 0 : i32
        %dma_start3A_379 = tpu.memref_slice %arg3[%dma_start3A_378, %multiple_of3A_377] : memref<64x1000000xf32, #tpu.memory_space<hbm>> -> memref<64x128xf32, #tpu.memory_space<hbm>>
        %dma_start3A_380 = arith.constant 0 : i32
        %dma_start3A_381 = tpu.memref_slice %arg3[%dma_start3A_380, %multiple_of3A_377] : memref<64x1000000xf32, #tpu.memory_space<hbm>> -> memref<64x128xf32, #tpu.memory_space<hbm>>
        tpu.enqueue_dma source(%dma_start3A_381 : memref<64x128xf32, #tpu.memory_space<hbm>>) target(%arg10 : memref<64x128xf32, #tpu.memory_space<vmem>>) target_semaphore(%arg20 : memref<!tpu.dma_semaphore, #tpu.memory_space<semaphore_mem>>)
        %dma_wait3A_382 = arith.constant 0 : i32
        %dma_wait3A_383 = arith.constant 0 : i32
        %dma_wait3A_384 = tpu.memref_slice %arg3[%dma_wait3A_382, %dma_wait3A_383] : memref<64x1000000xf32, #tpu.memory_space<hbm>> -> memref<64x128xf32, #tpu.memory_space<hbm>>
        %dma_wait3A_385 = arith.constant 0 : i32
        %dma_wait3A_386 = arith.constant 0 : i32
        %dma_wait3A_387 = tpu.memref_slice %arg3[%dma_wait3A_385, %dma_wait3A_386] : memref<64x1000000xf32, #tpu.memory_space<hbm>> -> memref<64x128xf32, #tpu.memory_space<hbm>>
        tpu.wait_dma2 semaphore(%arg21 : memref<!tpu.dma_semaphore, #tpu.memory_space<semaphore_mem>>) src(%dma_wait3A_387 : memref<64x128xf32, #tpu.memory_space<hbm>>) dst(%arg11 : memref<64x128xf32, #tpu.memory_space<vmem>>)
        %slice3A_388 = vector.extract_strided_slice %get3A_40 {offsets = [4], sizes = [1], strides = [1]} : vector<16xi32> to vector<1xi32>
        %squeeze3A_389 = vector.extract %slice3A_388[0] : i32 from vector<1xi32>
        %ge3A_390 = arith.constant 999936 : i32
        %ge3A_391 = arith.cmpi sge, %squeeze3A_389, %ge3A_390 : i32
        %broadcast_in_dim3A_392 = vector.broadcast %ge3A_391 : i1 to vector<16xi1>
        %slice3A_393 = vector.extract_strided_slice %min3A_44 {offsets = [4], sizes = [1], strides = [1]} : vector<16xi32> to vector<1xi32>
        %squeeze3A_394 = vector.extract %slice3A_393[0] : i32 from vector<1xi32>
        %mul3A_395 = arith.constant 128 : i32
        %mul3A_396 = arith.muli %squeeze3A_394, %mul3A_395 : i32
        %sub3A_397 = arith.subi %squeeze3A_389, %mul3A_396 : i32
        %min3A_398 = arith.constant 127 : i32
        %min3A_399 = arith.minsi %sub3A_397, %min3A_398 : i32
        %broadcast_in_dim3A_400 = vector.broadcast %min3A_399 : i32 to vector<16xi32>
        %sub3A_401 = arith.constant 999936 : i32
        %sub3A_402 = arith.subi %squeeze3A_389, %sub3A_401 : i32
        %jit3A_403 = arith.constant 0 : i32
        %jit3A_404 = arith.constant 63 : i32
        %max3A_405 = arith.maxsi %jit3A_403, %sub3A_402 : i32
        %min3A_406 = arith.minsi %jit3A_404, %max3A_405 : i32
        %broadcast_in_dim3A_407 = vector.broadcast %min3A_406 : i32 to vector<16xi32>
        %add3A_408 = arith.constant 4 : i32
        %add3A_409 = arith.addi %mul3A_39, %add3A_408 : i32
        %broadcast_in_dim3A_410 = arith.constant 0 : i32
        %broadcast_in_dim3A_411 = vector.broadcast %broadcast_in_dim3A_410 : i32 to vector<16xi32>
        %add3A_412 = vector.broadcast %add3A_409 : i32 to vector<16xi32>
        %add3A_413 = arith.addi %add3A_412, %broadcast_in_dim3A_411 : vector<16xi32>
        %iota3A_414 = tpu.iota {dimensions = array<i32: 0>} : vector<16xi32>
        %add3A_415 = arith.constant 0 : i32
        %add3A_416 = vector.broadcast %add3A_415 : i32 to vector<16xi32>
        %add3A_417 = arith.addi %add3A_416, %iota3A_414 : vector<16xi32>
        %gather3A_418 = tpu.vector_load_idx %arg11[%add3A_417, %broadcast_in_dim3A_400] : memref<64x128xf32, #tpu.memory_space<vmem>>[vector<16xi32>, vector<16xi32>], vector<16xf32>,
        %gather3A_419 = tpu.vector_load_idx %arg15[%broadcast_in_dim3A_407, %add3A_417] : memref<64x64xf32, #tpu.memory_space<vmem>>[vector<16xi32>, vector<16xi32>], vector<16xf32>,
        %select_n3A_420 = arith.select %broadcast_in_dim3A_392, %gather3A_419, %gather3A_418 : vector<16xi1>, vector<16xf32>
        tpu.vector_store_idx %arg16[%add3A_413, %add3A_417], %select_n3A_420 : memref<256x64xf32, #tpu.memory_space<vmem>>[vector<16xi32>, vector<16xi32>], vector<16xf32>,
        %iota3A_421 = tpu.iota {dimensions = array<i32: 0>} : vector<16xi32>
        %add3A_422 = arith.constant 16 : i32
        %add3A_423 = vector.broadcast %add3A_422 : i32 to vector<16xi32>
        %add3A_424 = arith.addi %add3A_423, %iota3A_421 : vector<16xi32>
        %gather3A_425 = tpu.vector_load_idx %arg11[%add3A_424, %broadcast_in_dim3A_400] : memref<64x128xf32, #tpu.memory_space<vmem>>[vector<16xi32>, vector<16xi32>], vector<16xf32>,
        %gather3A_426 = tpu.vector_load_idx %arg15[%broadcast_in_dim3A_407, %add3A_424] : memref<64x64xf32, #tpu.memory_space<vmem>>[vector<16xi32>, vector<16xi32>], vector<16xf32>,
        %select_n3A_427 = arith.select %broadcast_in_dim3A_392, %gather3A_426, %gather3A_425 : vector<16xi1>, vector<16xf32>
        tpu.vector_store_idx %arg16[%add3A_413, %add3A_424], %select_n3A_427 : memref<256x64xf32, #tpu.memory_space<vmem>>[vector<16xi32>, vector<16xi32>], vector<16xf32>,
        %iota3A_428 = tpu.iota {dimensions = array<i32: 0>} : vector<16xi32>
        %add3A_429 = arith.constant 32 : i32
        %add3A_430 = vector.broadcast %add3A_429 : i32 to vector<16xi32>
        %add3A_431 = arith.addi %add3A_430, %iota3A_428 : vector<16xi32>
        %gather3A_432 = tpu.vector_load_idx %arg11[%add3A_431, %broadcast_in_dim3A_400] : memref<64x128xf32, #tpu.memory_space<vmem>>[vector<16xi32>, vector<16xi32>], vector<16xf32>,
        %gather3A_433 = tpu.vector_load_idx %arg15[%broadcast_in_dim3A_407, %add3A_431] : memref<64x64xf32, #tpu.memory_space<vmem>>[vector<16xi32>, vector<16xi32>], vector<16xf32>,
        %select_n3A_434 = arith.select %broadcast_in_dim3A_392, %gather3A_433, %gather3A_432 : vector<16xi1>, vector<16xf32>
        tpu.vector_store_idx %arg16[%add3A_413, %add3A_431], %select_n3A_434 : memref<256x64xf32, #tpu.memory_space<vmem>>[vector<16xi32>, vector<16xi32>], vector<16xf32>,
        %iota3A_435 = tpu.iota {dimensions = array<i32: 0>} : vector<16xi32>
        %add3A_436 = arith.constant 48 : i32
        %add3A_437 = vector.broadcast %add3A_436 : i32 to vector<16xi32>
        %add3A_438 = arith.addi %add3A_437, %iota3A_435 : vector<16xi32>
        %gather3A_439 = tpu.vector_load_idx %arg11[%add3A_438, %broadcast_in_dim3A_400] : memref<64x128xf32, #tpu.memory_space<vmem>>[vector<16xi32>, vector<16xi32>], vector<16xf32>,
        %gather3A_440 = tpu.vector_load_idx %arg15[%broadcast_in_dim3A_407, %add3A_438] : memref<64x64xf32, #tpu.memory_space<vmem>>[vector<16xi32>, vector<16xi32>], vector<16xf32>,
        %select_n3A_441 = arith.select %broadcast_in_dim3A_392, %gather3A_440, %gather3A_439 : vector<16xi1>, vector<16xf32>
        tpu.vector_store_idx %arg16[%add3A_413, %add3A_438], %select_n3A_441 : memref<256x64xf32, #tpu.memory_space<vmem>>[vector<16xi32>, vector<16xi32>], vector<16xf32>,
        %slice3A_442 = vector.extract_strided_slice %min3A_44 {offsets = [12], sizes = [1], strides = [1]} : vector<16xi32> to vector<1xi32>
        %squeeze3A_443 = vector.extract %slice3A_442[0] : i32 from vector<1xi32>
        %mul3A_444 = arith.constant 128 : i32
        %mul3A_445 = arith.muli %squeeze3A_443, %mul3A_444 : i32
        %multiple_of3A_446 = tpu.assume_multiple %mul3A_445, 128 : i32
        %dma_start3A_447 = arith.constant 0 : i32
        %dma_start3A_448 = tpu.memref_slice %arg3[%dma_start3A_447, %multiple_of3A_446] : memref<64x1000000xf32, #tpu.memory_space<hbm>> -> memref<64x128xf32, #tpu.memory_space<hbm>>
        %dma_start3A_449 = arith.constant 0 : i32
        %dma_start3A_450 = tpu.memref_slice %arg3[%dma_start3A_449, %multiple_of3A_446] : memref<64x1000000xf32, #tpu.memory_space<hbm>> -> memref<64x128xf32, #tpu.memory_space<hbm>>
        tpu.enqueue_dma source(%dma_start3A_450 : memref<64x128xf32, #tpu.memory_space<hbm>>) target(%arg11 : memref<64x128xf32, #tpu.memory_space<vmem>>) target_semaphore(%arg21 : memref<!tpu.dma_semaphore, #tpu.memory_space<semaphore_mem>>)
        %dma_wait3A_451 = arith.constant 0 : i32
        %dma_wait3A_452 = arith.constant 0 : i32
        %dma_wait3A_453 = tpu.memref_slice %arg3[%dma_wait3A_451, %dma_wait3A_452] : memref<64x1000000xf32, #tpu.memory_space<hbm>> -> memref<64x128xf32, #tpu.memory_space<hbm>>
        %dma_wait3A_454 = arith.constant 0 : i32
        %dma_wait3A_455 = arith.constant 0 : i32
        %dma_wait3A_456 = tpu.memref_slice %arg3[%dma_wait3A_454, %dma_wait3A_455] : memref<64x1000000xf32, #tpu.memory_space<hbm>> -> memref<64x128xf32, #tpu.memory_space<hbm>>
        tpu.wait_dma2 semaphore(%arg22 : memref<!tpu.dma_semaphore, #tpu.memory_space<semaphore_mem>>) src(%dma_wait3A_456 : memref<64x128xf32, #tpu.memory_space<hbm>>) dst(%arg12 : memref<64x128xf32, #tpu.memory_space<vmem>>)
        %slice3A_457 = vector.extract_strided_slice %get3A_40 {offsets = [5], sizes = [1], strides = [1]} : vector<16xi32> to vector<1xi32>
        %squeeze3A_458 = vector.extract %slice3A_457[0] : i32 from vector<1xi32>
        %ge3A_459 = arith.constant 999936 : i32
        %ge3A_460 = arith.cmpi sge, %squeeze3A_458, %ge3A_459 : i32
        %broadcast_in_dim3A_461 = vector.broadcast %ge3A_460 : i1 to vector<16xi1>
        %slice3A_462 = vector.extract_strided_slice %min3A_44 {offsets = [5], sizes = [1], strides = [1]} : vector<16xi32> to vector<1xi32>
        %squeeze3A_463 = vector.extract %slice3A_462[0] : i32 from vector<1xi32>
        %mul3A_464 = arith.constant 128 : i32
        %mul3A_465 = arith.muli %squeeze3A_463, %mul3A_464 : i32
        %sub3A_466 = arith.subi %squeeze3A_458, %mul3A_465 : i32
        %min3A_467 = arith.constant 127 : i32
        %min3A_468 = arith.minsi %sub3A_466, %min3A_467 : i32
        %broadcast_in_dim3A_469 = vector.broadcast %min3A_468 : i32 to vector<16xi32>
        %sub3A_470 = arith.constant 999936 : i32
        %sub3A_471 = arith.subi %squeeze3A_458, %sub3A_470 : i32
        %jit3A_472 = arith.constant 0 : i32
        %jit3A_473 = arith.constant 63 : i32
        %max3A_474 = arith.maxsi %jit3A_472, %sub3A_471 : i32
        %min3A_475 = arith.minsi %jit3A_473, %max3A_474 : i32
        %broadcast_in_dim3A_476 = vector.broadcast %min3A_475 : i32 to vector<16xi32>
        %add3A_477 = arith.constant 5 : i32
        %add3A_478 = arith.addi %mul3A_39, %add3A_477 : i32
        %broadcast_in_dim3A_479 = arith.constant 0 : i32
        %broadcast_in_dim3A_480 = vector.broadcast %broadcast_in_dim3A_479 : i32 to vector<16xi32>
        %add3A_481 = vector.broadcast %add3A_478 : i32 to vector<16xi32>
        %add3A_482 = arith.addi %add3A_481, %broadcast_in_dim3A_480 : vector<16xi32>
        %iota3A_483 = tpu.iota {dimensions = array<i32: 0>} : vector<16xi32>
        %add3A_484 = arith.constant 0 : i32
        %add3A_485 = vector.broadcast %add3A_484 : i32 to vector<16xi32>
        %add3A_486 = arith.addi %add3A_485, %iota3A_483 : vector<16xi32>
        %gather3A_487 = tpu.vector_load_idx %arg12[%add3A_486, %broadcast_in_dim3A_469] : memref<64x128xf32, #tpu.memory_space<vmem>>[vector<16xi32>, vector<16xi32>], vector<16xf32>,
        %gather3A_488 = tpu.vector_load_idx %arg15[%broadcast_in_dim3A_476, %add3A_486] : memref<64x64xf32, #tpu.memory_space<vmem>>[vector<16xi32>, vector<16xi32>], vector<16xf32>,
        %select_n3A_489 = arith.select %broadcast_in_dim3A_461, %gather3A_488, %gather3A_487 : vector<16xi1>, vector<16xf32>
        tpu.vector_store_idx %arg16[%add3A_482, %add3A_486], %select_n3A_489 : memref<256x64xf32, #tpu.memory_space<vmem>>[vector<16xi32>, vector<16xi32>], vector<16xf32>,
        %iota3A_490 = tpu.iota {dimensions = array<i32: 0>} : vector<16xi32>
        %add3A_491 = arith.constant 16 : i32
        %add3A_492 = vector.broadcast %add3A_491 : i32 to vector<16xi32>
        %add3A_493 = arith.addi %add3A_492, %iota3A_490 : vector<16xi32>
        %gather3A_494 = tpu.vector_load_idx %arg12[%add3A_493, %broadcast_in_dim3A_469] : memref<64x128xf32, #tpu.memory_space<vmem>>[vector<16xi32>, vector<16xi32>], vector<16xf32>,
        %gather3A_495 = tpu.vector_load_idx %arg15[%broadcast_in_dim3A_476, %add3A_493] : memref<64x64xf32, #tpu.memory_space<vmem>>[vector<16xi32>, vector<16xi32>], vector<16xf32>,
        %select_n3A_496 = arith.select %broadcast_in_dim3A_461, %gather3A_495, %gather3A_494 : vector<16xi1>, vector<16xf32>
        tpu.vector_store_idx %arg16[%add3A_482, %add3A_493], %select_n3A_496 : memref<256x64xf32, #tpu.memory_space<vmem>>[vector<16xi32>, vector<16xi32>], vector<16xf32>,
        %iota3A_497 = tpu.iota {dimensions = array<i32: 0>} : vector<16xi32>
        %add3A_498 = arith.constant 32 : i32
        %add3A_499 = vector.broadcast %add3A_498 : i32 to vector<16xi32>
        %add3A_500 = arith.addi %add3A_499, %iota3A_497 : vector<16xi32>
        %gather3A_501 = tpu.vector_load_idx %arg12[%add3A_500, %broadcast_in_dim3A_469] : memref<64x128xf32, #tpu.memory_space<vmem>>[vector<16xi32>, vector<16xi32>], vector<16xf32>,
        %gather3A_502 = tpu.vector_load_idx %arg15[%broadcast_in_dim3A_476, %add3A_500] : memref<64x64xf32, #tpu.memory_space<vmem>>[vector<16xi32>, vector<16xi32>], vector<16xf32>,
        %select_n3A_503 = arith.select %broadcast_in_dim3A_461, %gather3A_502, %gather3A_501 : vector<16xi1>, vector<16xf32>
        tpu.vector_store_idx %arg16[%add3A_482, %add3A_500], %select_n3A_503 : memref<256x64xf32, #tpu.memory_space<vmem>>[vector<16xi32>, vector<16xi32>], vector<16xf32>,
        %iota3A_504 = tpu.iota {dimensions = array<i32: 0>} : vector<16xi32>
        %add3A_505 = arith.constant 48 : i32
        %add3A_506 = vector.broadcast %add3A_505 : i32 to vector<16xi32>
        %add3A_507 = arith.addi %add3A_506, %iota3A_504 : vector<16xi32>
        %gather3A_508 = tpu.vector_load_idx %arg12[%add3A_507, %broadcast_in_dim3A_469] : memref<64x128xf32, #tpu.memory_space<vmem>>[vector<16xi32>, vector<16xi32>], vector<16xf32>,
        %gather3A_509 = tpu.vector_load_idx %arg15[%broadcast_in_dim3A_476, %add3A_507] : memref<64x64xf32, #tpu.memory_space<vmem>>[vector<16xi32>, vector<16xi32>], vector<16xf32>,
        %select_n3A_510 = arith.select %broadcast_in_dim3A_461, %gather3A_509, %gather3A_508 : vector<16xi1>, vector<16xf32>
        tpu.vector_store_idx %arg16[%add3A_482, %add3A_507], %select_n3A_510 : memref<256x64xf32, #tpu.memory_space<vmem>>[vector<16xi32>, vector<16xi32>], vector<16xf32>,
        %slice3A_511 = vector.extract_strided_slice %min3A_44 {offsets = [13], sizes = [1], strides = [1]} : vector<16xi32> to vector<1xi32>
        %squeeze3A_512 = vector.extract %slice3A_511[0] : i32 from vector<1xi32>
        %mul3A_513 = arith.constant 128 : i32
        %mul3A_514 = arith.muli %squeeze3A_512, %mul3A_513 : i32
        %multiple_of3A_515 = tpu.assume_multiple %mul3A_514, 128 : i32
        %dma_start3A_516 = arith.constant 0 : i32
        %dma_start3A_517 = tpu.memref_slice %arg3[%dma_start3A_516, %multiple_of3A_515] : memref<64x1000000xf32, #tpu.memory_space<hbm>> -> memref<64x128xf32, #tpu.memory_space<hbm>>
        %dma_start3A_518 = arith.constant 0 : i32
        %dma_start3A_519 = tpu.memref_slice %arg3[%dma_start3A_518, %multiple_of3A_515] : memref<64x1000000xf32, #tpu.memory_space<hbm>> -> memref<64x128xf32, #tpu.memory_space<hbm>>
        tpu.enqueue_dma source(%dma_start3A_519 : memref<64x128xf32, #tpu.memory_space<hbm>>) target(%arg12 : memref<64x128xf32, #tpu.memory_space<vmem>>) target_semaphore(%arg22 : memref<!tpu.dma_semaphore, #tpu.memory_space<semaphore_mem>>)
        %dma_wait3A_520 = arith.constant 0 : i32
        %dma_wait3A_521 = arith.constant 0 : i32
        %dma_wait3A_522 = tpu.memref_slice %arg3[%dma_wait3A_520, %dma_wait3A_521] : memref<64x1000000xf32, #tpu.memory_space<hbm>> -> memref<64x128xf32, #tpu.memory_space<hbm>>
        %dma_wait3A_523 = arith.constant 0 : i32
        %dma_wait3A_524 = arith.constant 0 : i32
        %dma_wait3A_525 = tpu.memref_slice %arg3[%dma_wait3A_523, %dma_wait3A_524] : memref<64x1000000xf32, #tpu.memory_space<hbm>> -> memref<64x128xf32, #tpu.memory_space<hbm>>
        tpu.wait_dma2 semaphore(%arg23 : memref<!tpu.dma_semaphore, #tpu.memory_space<semaphore_mem>>) src(%dma_wait3A_525 : memref<64x128xf32, #tpu.memory_space<hbm>>) dst(%arg13 : memref<64x128xf32, #tpu.memory_space<vmem>>)
        %slice3A_526 = vector.extract_strided_slice %get3A_40 {offsets = [6], sizes = [1], strides = [1]} : vector<16xi32> to vector<1xi32>
        %squeeze3A_527 = vector.extract %slice3A_526[0] : i32 from vector<1xi32>
        %ge3A_528 = arith.constant 999936 : i32
        %ge3A_529 = arith.cmpi sge, %squeeze3A_527, %ge3A_528 : i32
        %broadcast_in_dim3A_530 = vector.broadcast %ge3A_529 : i1 to vector<16xi1>
        %slice3A_531 = vector.extract_strided_slice %min3A_44 {offsets = [6], sizes = [1], strides = [1]} : vector<16xi32> to vector<1xi32>
        %squeeze3A_532 = vector.extract %slice3A_531[0] : i32 from vector<1xi32>
        %mul3A_533 = arith.constant 128 : i32
        %mul3A_534 = arith.muli %squeeze3A_532, %mul3A_533 : i32
        %sub3A_535 = arith.subi %squeeze3A_527, %mul3A_534 : i32
        %min3A_536 = arith.constant 127 : i32
        %min3A_537 = arith.minsi %sub3A_535, %min3A_536 : i32
        %broadcast_in_dim3A_538 = vector.broadcast %min3A_537 : i32 to vector<16xi32>
        %sub3A_539 = arith.constant 999936 : i32
        %sub3A_540 = arith.subi %squeeze3A_527, %sub3A_539 : i32
        %jit3A_541 = arith.constant 0 : i32
        %jit3A_542 = arith.constant 63 : i32
        %max3A_543 = arith.maxsi %jit3A_541, %sub3A_540 : i32
        %min3A_544 = arith.minsi %jit3A_542, %max3A_543 : i32
        %broadcast_in_dim3A_545 = vector.broadcast %min3A_544 : i32 to vector<16xi32>
        %add3A_546 = arith.constant 6 : i32
        %add3A_547 = arith.addi %mul3A_39, %add3A_546 : i32
        %broadcast_in_dim3A_548 = arith.constant 0 : i32
        %broadcast_in_dim3A_549 = vector.broadcast %broadcast_in_dim3A_548 : i32 to vector<16xi32>
        %add3A_550 = vector.broadcast %add3A_547 : i32 to vector<16xi32>
        %add3A_551 = arith.addi %add3A_550, %broadcast_in_dim3A_549 : vector<16xi32>
        %iota3A_552 = tpu.iota {dimensions = array<i32: 0>} : vector<16xi32>
        %add3A_553 = arith.constant 0 : i32
        %add3A_554 = vector.broadcast %add3A_553 : i32 to vector<16xi32>
        %add3A_555 = arith.addi %add3A_554, %iota3A_552 : vector<16xi32>
        %gather3A_556 = tpu.vector_load_idx %arg13[%add3A_555, %broadcast_in_dim3A_538] : memref<64x128xf32, #tpu.memory_space<vmem>>[vector<16xi32>, vector<16xi32>], vector<16xf32>,
        %gather3A_557 = tpu.vector_load_idx %arg15[%broadcast_in_dim3A_545, %add3A_555] : memref<64x64xf32, #tpu.memory_space<vmem>>[vector<16xi32>, vector<16xi32>], vector<16xf32>,
        %select_n3A_558 = arith.select %broadcast_in_dim3A_530, %gather3A_557, %gather3A_556 : vector<16xi1>, vector<16xf32>
        tpu.vector_store_idx %arg16[%add3A_551, %add3A_555], %select_n3A_558 : memref<256x64xf32, #tpu.memory_space<vmem>>[vector<16xi32>, vector<16xi32>], vector<16xf32>,
        %iota3A_559 = tpu.iota {dimensions = array<i32: 0>} : vector<16xi32>
        %add3A_560 = arith.constant 16 : i32
        %add3A_561 = vector.broadcast %add3A_560 : i32 to vector<16xi32>
        %add3A_562 = arith.addi %add3A_561, %iota3A_559 : vector<16xi32>
        %gather3A_563 = tpu.vector_load_idx %arg13[%add3A_562, %broadcast_in_dim3A_538] : memref<64x128xf32, #tpu.memory_space<vmem>>[vector<16xi32>, vector<16xi32>], vector<16xf32>,
        %gather3A_564 = tpu.vector_load_idx %arg15[%broadcast_in_dim3A_545, %add3A_562] : memref<64x64xf32, #tpu.memory_space<vmem>>[vector<16xi32>, vector<16xi32>], vector<16xf32>,
        %select_n3A_565 = arith.select %broadcast_in_dim3A_530, %gather3A_564, %gather3A_563 : vector<16xi1>, vector<16xf32>
        tpu.vector_store_idx %arg16[%add3A_551, %add3A_562], %select_n3A_565 : memref<256x64xf32, #tpu.memory_space<vmem>>[vector<16xi32>, vector<16xi32>], vector<16xf32>,
        %iota3A_566 = tpu.iota {dimensions = array<i32: 0>} : vector<16xi32>
        %add3A_567 = arith.constant 32 : i32
        %add3A_568 = vector.broadcast %add3A_567 : i32 to vector<16xi32>
        %add3A_569 = arith.addi %add3A_568, %iota3A_566 : vector<16xi32>
        %gather3A_570 = tpu.vector_load_idx %arg13[%add3A_569, %broadcast_in_dim3A_538] : memref<64x128xf32, #tpu.memory_space<vmem>>[vector<16xi32>, vector<16xi32>], vector<16xf32>,
        %gather3A_571 = tpu.vector_load_idx %arg15[%broadcast_in_dim3A_545, %add3A_569] : memref<64x64xf32, #tpu.memory_space<vmem>>[vector<16xi32>, vector<16xi32>], vector<16xf32>,
        %select_n3A_572 = arith.select %broadcast_in_dim3A_530, %gather3A_571, %gather3A_570 : vector<16xi1>, vector<16xf32>
        tpu.vector_store_idx %arg16[%add3A_551, %add3A_569], %select_n3A_572 : memref<256x64xf32, #tpu.memory_space<vmem>>[vector<16xi32>, vector<16xi32>], vector<16xf32>,
        %iota3A_573 = tpu.iota {dimensions = array<i32: 0>} : vector<16xi32>
        %add3A_574 = arith.constant 48 : i32
        %add3A_575 = vector.broadcast %add3A_574 : i32 to vector<16xi32>
        %add3A_576 = arith.addi %add3A_575, %iota3A_573 : vector<16xi32>
        %gather3A_577 = tpu.vector_load_idx %arg13[%add3A_576, %broadcast_in_dim3A_538] : memref<64x128xf32, #tpu.memory_space<vmem>>[vector<16xi32>, vector<16xi32>], vector<16xf32>,
        %gather3A_578 = tpu.vector_load_idx %arg15[%broadcast_in_dim3A_545, %add3A_576] : memref<64x64xf32, #tpu.memory_space<vmem>>[vector<16xi32>, vector<16xi32>], vector<16xf32>,
        %select_n3A_579 = arith.select %broadcast_in_dim3A_530, %gather3A_578, %gather3A_577 : vector<16xi1>, vector<16xf32>
        tpu.vector_store_idx %arg16[%add3A_551, %add3A_576], %select_n3A_579 : memref<256x64xf32, #tpu.memory_space<vmem>>[vector<16xi32>, vector<16xi32>], vector<16xf32>,
        %slice3A_580 = vector.extract_strided_slice %min3A_44 {offsets = [14], sizes = [1], strides = [1]} : vector<16xi32> to vector<1xi32>
        %squeeze3A_581 = vector.extract %slice3A_580[0] : i32 from vector<1xi32>
        %mul3A_582 = arith.constant 128 : i32
        %mul3A_583 = arith.muli %squeeze3A_581, %mul3A_582 : i32
        %multiple_of3A_584 = tpu.assume_multiple %mul3A_583, 128 : i32
        %dma_start3A_585 = arith.constant 0 : i32
        %dma_start3A_586 = tpu.memref_slice %arg3[%dma_start3A_585, %multiple_of3A_584] : memref<64x1000000xf32, #tpu.memory_space<hbm>> -> memref<64x128xf32, #tpu.memory_space<hbm>>
        %dma_start3A_587 = arith.constant 0 : i32
        %dma_start3A_588 = tpu.memref_slice %arg3[%dma_start3A_587, %multiple_of3A_584] : memref<64x1000000xf32, #tpu.memory_space<hbm>> -> memref<64x128xf32, #tpu.memory_space<hbm>>
        tpu.enqueue_dma source(%dma_start3A_588 : memref<64x128xf32, #tpu.memory_space<hbm>>) target(%arg13 : memref<64x128xf32, #tpu.memory_space<vmem>>) target_semaphore(%arg23 : memref<!tpu.dma_semaphore, #tpu.memory_space<semaphore_mem>>)
        %dma_wait3A_589 = arith.constant 0 : i32
        %dma_wait3A_590 = arith.constant 0 : i32
        %dma_wait3A_591 = tpu.memref_slice %arg3[%dma_wait3A_589, %dma_wait3A_590] : memref<64x1000000xf32, #tpu.memory_space<hbm>> -> memref<64x128xf32, #tpu.memory_space<hbm>>
        %dma_wait3A_592 = arith.constant 0 : i32
        %dma_wait3A_593 = arith.constant 0 : i32
        %dma_wait3A_594 = tpu.memref_slice %arg3[%dma_wait3A_592, %dma_wait3A_593] : memref<64x1000000xf32, #tpu.memory_space<hbm>> -> memref<64x128xf32, #tpu.memory_space<hbm>>
        tpu.wait_dma2 semaphore(%arg24 : memref<!tpu.dma_semaphore, #tpu.memory_space<semaphore_mem>>) src(%dma_wait3A_594 : memref<64x128xf32, #tpu.memory_space<hbm>>) dst(%arg14 : memref<64x128xf32, #tpu.memory_space<vmem>>)
        %slice3A_595 = vector.extract_strided_slice %get3A_40 {offsets = [7], sizes = [1], strides = [1]} : vector<16xi32> to vector<1xi32>
        %squeeze3A_596 = vector.extract %slice3A_595[0] : i32 from vector<1xi32>
        %ge3A_597 = arith.constant 999936 : i32
        %ge3A_598 = arith.cmpi sge, %squeeze3A_596, %ge3A_597 : i32
        %broadcast_in_dim3A_599 = vector.broadcast %ge3A_598 : i1 to vector<16xi1>
        %slice3A_600 = vector.extract_strided_slice %min3A_44 {offsets = [7], sizes = [1], strides = [1]} : vector<16xi32> to vector<1xi32>
        %squeeze3A_601 = vector.extract %slice3A_600[0] : i32 from vector<1xi32>
        %mul3A_602 = arith.constant 128 : i32
        %mul3A_603 = arith.muli %squeeze3A_601, %mul3A_602 : i32
        %sub3A_604 = arith.subi %squeeze3A_596, %mul3A_603 : i32
        %min3A_605 = arith.constant 127 : i32
        %min3A_606 = arith.minsi %sub3A_604, %min3A_605 : i32
        %broadcast_in_dim3A_607 = vector.broadcast %min3A_606 : i32 to vector<16xi32>
        %sub3A_608 = arith.constant 999936 : i32
        %sub3A_609 = arith.subi %squeeze3A_596, %sub3A_608 : i32
        %jit3A_610 = arith.constant 0 : i32
        %jit3A_611 = arith.constant 63 : i32
        %max3A_612 = arith.maxsi %jit3A_610, %sub3A_609 : i32
        %min3A_613 = arith.minsi %jit3A_611, %max3A_612 : i32
        %broadcast_in_dim3A_614 = vector.broadcast %min3A_613 : i32 to vector<16xi32>
        %add3A_615 = arith.constant 7 : i32
        %add3A_616 = arith.addi %mul3A_39, %add3A_615 : i32
        %broadcast_in_dim3A_617 = arith.constant 0 : i32
        %broadcast_in_dim3A_618 = vector.broadcast %broadcast_in_dim3A_617 : i32 to vector<16xi32>
        %add3A_619 = vector.broadcast %add3A_616 : i32 to vector<16xi32>
        %add3A_620 = arith.addi %add3A_619, %broadcast_in_dim3A_618 : vector<16xi32>
        %iota3A_621 = tpu.iota {dimensions = array<i32: 0>} : vector<16xi32>
        %add3A_622 = arith.constant 0 : i32
        %add3A_623 = vector.broadcast %add3A_622 : i32 to vector<16xi32>
        %add3A_624 = arith.addi %add3A_623, %iota3A_621 : vector<16xi32>
        %gather3A_625 = tpu.vector_load_idx %arg14[%add3A_624, %broadcast_in_dim3A_607] : memref<64x128xf32, #tpu.memory_space<vmem>>[vector<16xi32>, vector<16xi32>], vector<16xf32>,
        %gather3A_626 = tpu.vector_load_idx %arg15[%broadcast_in_dim3A_614, %add3A_624] : memref<64x64xf32, #tpu.memory_space<vmem>>[vector<16xi32>, vector<16xi32>], vector<16xf32>,
        %select_n3A_627 = arith.select %broadcast_in_dim3A_599, %gather3A_626, %gather3A_625 : vector<16xi1>, vector<16xf32>
        tpu.vector_store_idx %arg16[%add3A_620, %add3A_624], %select_n3A_627 : memref<256x64xf32, #tpu.memory_space<vmem>>[vector<16xi32>, vector<16xi32>], vector<16xf32>,
        %iota3A_628 = tpu.iota {dimensions = array<i32: 0>} : vector<16xi32>
        %add3A_629 = arith.constant 16 : i32
        %add3A_630 = vector.broadcast %add3A_629 : i32 to vector<16xi32>
        %add3A_631 = arith.addi %add3A_630, %iota3A_628 : vector<16xi32>
        %gather3A_632 = tpu.vector_load_idx %arg14[%add3A_631, %broadcast_in_dim3A_607] : memref<64x128xf32, #tpu.memory_space<vmem>>[vector<16xi32>, vector<16xi32>], vector<16xf32>,
        %gather3A_633 = tpu.vector_load_idx %arg15[%broadcast_in_dim3A_614, %add3A_631] : memref<64x64xf32, #tpu.memory_space<vmem>>[vector<16xi32>, vector<16xi32>], vector<16xf32>,
        %select_n3A_634 = arith.select %broadcast_in_dim3A_599, %gather3A_633, %gather3A_632 : vector<16xi1>, vector<16xf32>
        tpu.vector_store_idx %arg16[%add3A_620, %add3A_631], %select_n3A_634 : memref<256x64xf32, #tpu.memory_space<vmem>>[vector<16xi32>, vector<16xi32>], vector<16xf32>,
        %iota3A_635 = tpu.iota {dimensions = array<i32: 0>} : vector<16xi32>
        %add3A_636 = arith.constant 32 : i32
        %add3A_637 = vector.broadcast %add3A_636 : i32 to vector<16xi32>
        %add3A_638 = arith.addi %add3A_637, %iota3A_635 : vector<16xi32>
        %gather3A_639 = tpu.vector_load_idx %arg14[%add3A_638, %broadcast_in_dim3A_607] : memref<64x128xf32, #tpu.memory_space<vmem>>[vector<16xi32>, vector<16xi32>], vector<16xf32>,
        %gather3A_640 = tpu.vector_load_idx %arg15[%broadcast_in_dim3A_614, %add3A_638] : memref<64x64xf32, #tpu.memory_space<vmem>>[vector<16xi32>, vector<16xi32>], vector<16xf32>,
        %select_n3A_641 = arith.select %broadcast_in_dim3A_599, %gather3A_640, %gather3A_639 : vector<16xi1>, vector<16xf32>
        tpu.vector_store_idx %arg16[%add3A_620, %add3A_638], %select_n3A_641 : memref<256x64xf32, #tpu.memory_space<vmem>>[vector<16xi32>, vector<16xi32>], vector<16xf32>,
        %iota3A_642 = tpu.iota {dimensions = array<i32: 0>} : vector<16xi32>
        %add3A_643 = arith.constant 48 : i32
        %add3A_644 = vector.broadcast %add3A_643 : i32 to vector<16xi32>
        %add3A_645 = arith.addi %add3A_644, %iota3A_642 : vector<16xi32>
        %gather3A_646 = tpu.vector_load_idx %arg14[%add3A_645, %broadcast_in_dim3A_607] : memref<64x128xf32, #tpu.memory_space<vmem>>[vector<16xi32>, vector<16xi32>], vector<16xf32>,
        %gather3A_647 = tpu.vector_load_idx %arg15[%broadcast_in_dim3A_614, %add3A_645] : memref<64x64xf32, #tpu.memory_space<vmem>>[vector<16xi32>, vector<16xi32>], vector<16xf32>,
        %select_n3A_648 = arith.select %broadcast_in_dim3A_599, %gather3A_647, %gather3A_646 : vector<16xi1>, vector<16xf32>
        tpu.vector_store_idx %arg16[%add3A_620, %add3A_645], %select_n3A_648 : memref<256x64xf32, #tpu.memory_space<vmem>>[vector<16xi32>, vector<16xi32>], vector<16xf32>,
        %slice3A_649 = vector.extract_strided_slice %min3A_44 {offsets = [15], sizes = [1], strides = [1]} : vector<16xi32> to vector<1xi32>
        %squeeze3A_650 = vector.extract %slice3A_649[0] : i32 from vector<1xi32>
        %mul3A_651 = arith.constant 128 : i32
        %mul3A_652 = arith.muli %squeeze3A_650, %mul3A_651 : i32
        %multiple_of3A_653 = tpu.assume_multiple %mul3A_652, 128 : i32
        %dma_start3A_654 = arith.constant 0 : i32
        %dma_start3A_655 = tpu.memref_slice %arg3[%dma_start3A_654, %multiple_of3A_653] : memref<64x1000000xf32, #tpu.memory_space<hbm>> -> memref<64x128xf32, #tpu.memory_space<hbm>>
        %dma_start3A_656 = arith.constant 0 : i32
        %dma_start3A_657 = tpu.memref_slice %arg3[%dma_start3A_656, %multiple_of3A_653] : memref<64x1000000xf32, #tpu.memory_space<hbm>> -> memref<64x128xf32, #tpu.memory_space<hbm>>
        tpu.enqueue_dma source(%dma_start3A_657 : memref<64x128xf32, #tpu.memory_space<hbm>>) target(%arg14 : memref<64x128xf32, #tpu.memory_space<vmem>>) target_semaphore(%arg24 : memref<!tpu.dma_semaphore, #tpu.memory_space<semaphore_mem>>)
        %dma_wait3A_658 = arith.constant 0 : i32
        %dma_wait3A_659 = arith.constant 0 : i32
        %dma_wait3A_660 = tpu.memref_slice %arg3[%dma_wait3A_658, %dma_wait3A_659] : memref<64x1000000xf32, #tpu.memory_space<hbm>> -> memref<64x128xf32, #tpu.memory_space<hbm>>
        %dma_wait3A_661 = arith.constant 0 : i32
        %dma_wait3A_662 = arith.constant 0 : i32
        %dma_wait3A_663 = tpu.memref_slice %arg3[%dma_wait3A_661, %dma_wait3A_662] : memref<64x1000000xf32, #tpu.memory_space<hbm>> -> memref<64x128xf32, #tpu.memory_space<hbm>>
        tpu.wait_dma2 semaphore(%arg17 : memref<!tpu.dma_semaphore, #tpu.memory_space<semaphore_mem>>) src(%dma_wait3A_663 : memref<64x128xf32, #tpu.memory_space<hbm>>) dst(%arg7 : memref<64x128xf32, #tpu.memory_space<vmem>>)
        %slice3A_664 = vector.extract_strided_slice %get3A_40 {offsets = [8], sizes = [1], strides = [1]} : vector<16xi32> to vector<1xi32>
        %squeeze3A_665 = vector.extract %slice3A_664[0] : i32 from vector<1xi32>
        %ge3A_666 = arith.constant 999936 : i32
        %ge3A_667 = arith.cmpi sge, %squeeze3A_665, %ge3A_666 : i32
        %broadcast_in_dim3A_668 = vector.broadcast %ge3A_667 : i1 to vector<16xi1>
        %slice3A_669 = vector.extract_strided_slice %min3A_44 {offsets = [8], sizes = [1], strides = [1]} : vector<16xi32> to vector<1xi32>
        %squeeze3A_670 = vector.extract %slice3A_669[0] : i32 from vector<1xi32>
        %mul3A_671 = arith.constant 128 : i32
        %mul3A_672 = arith.muli %squeeze3A_670, %mul3A_671 : i32
        %sub3A_673 = arith.subi %squeeze3A_665, %mul3A_672 : i32
        %min3A_674 = arith.constant 127 : i32
        %min3A_675 = arith.minsi %sub3A_673, %min3A_674 : i32
        %broadcast_in_dim3A_676 = vector.broadcast %min3A_675 : i32 to vector<16xi32>
        %sub3A_677 = arith.constant 999936 : i32
        %sub3A_678 = arith.subi %squeeze3A_665, %sub3A_677 : i32
        %jit3A_679 = arith.constant 0 : i32
        %jit3A_680 = arith.constant 63 : i32
        %max3A_681 = arith.maxsi %jit3A_679, %sub3A_678 : i32
        %min3A_682 = arith.minsi %jit3A_680, %max3A_681 : i32
        %broadcast_in_dim3A_683 = vector.broadcast %min3A_682 : i32 to vector<16xi32>
        %add3A_684 = arith.constant 8 : i32
        %add3A_685 = arith.addi %mul3A_39, %add3A_684 : i32
        %broadcast_in_dim3A_686 = arith.constant 0 : i32
        %broadcast_in_dim3A_687 = vector.broadcast %broadcast_in_dim3A_686 : i32 to vector<16xi32>
        %add3A_688 = vector.broadcast %add3A_685 : i32 to vector<16xi32>
        %add3A_689 = arith.addi %add3A_688, %broadcast_in_dim3A_687 : vector<16xi32>
        %iota3A_690 = tpu.iota {dimensions = array<i32: 0>} : vector<16xi32>
        %add3A_691 = arith.constant 0 : i32
        %add3A_692 = vector.broadcast %add3A_691 : i32 to vector<16xi32>
        %add3A_693 = arith.addi %add3A_692, %iota3A_690 : vector<16xi32>
        %gather3A_694 = tpu.vector_load_idx %arg7[%add3A_693, %broadcast_in_dim3A_676] : memref<64x128xf32, #tpu.memory_space<vmem>>[vector<16xi32>, vector<16xi32>], vector<16xf32>,
        %gather3A_695 = tpu.vector_load_idx %arg15[%broadcast_in_dim3A_683, %add3A_693] : memref<64x64xf32, #tpu.memory_space<vmem>>[vector<16xi32>, vector<16xi32>], vector<16xf32>,
        %select_n3A_696 = arith.select %broadcast_in_dim3A_668, %gather3A_695, %gather3A_694 : vector<16xi1>, vector<16xf32>
        tpu.vector_store_idx %arg16[%add3A_689, %add3A_693], %select_n3A_696 : memref<256x64xf32, #tpu.memory_space<vmem>>[vector<16xi32>, vector<16xi32>], vector<16xf32>,
        %iota3A_697 = tpu.iota {dimensions = array<i32: 0>} : vector<16xi32>
        %add3A_698 = arith.constant 16 : i32
        %add3A_699 = vector.broadcast %add3A_698 : i32 to vector<16xi32>
        %add3A_700 = arith.addi %add3A_699, %iota3A_697 : vector<16xi32>
        %gather3A_701 = tpu.vector_load_idx %arg7[%add3A_700, %broadcast_in_dim3A_676] : memref<64x128xf32, #tpu.memory_space<vmem>>[vector<16xi32>, vector<16xi32>], vector<16xf32>,
        %gather3A_702 = tpu.vector_load_idx %arg15[%broadcast_in_dim3A_683, %add3A_700] : memref<64x64xf32, #tpu.memory_space<vmem>>[vector<16xi32>, vector<16xi32>], vector<16xf32>,
        %select_n3A_703 = arith.select %broadcast_in_dim3A_668, %gather3A_702, %gather3A_701 : vector<16xi1>, vector<16xf32>
        tpu.vector_store_idx %arg16[%add3A_689, %add3A_700], %select_n3A_703 : memref<256x64xf32, #tpu.memory_space<vmem>>[vector<16xi32>, vector<16xi32>], vector<16xf32>,
        %iota3A_704 = tpu.iota {dimensions = array<i32: 0>} : vector<16xi32>
        %add3A_705 = arith.constant 32 : i32
        %add3A_706 = vector.broadcast %add3A_705 : i32 to vector<16xi32>
        %add3A_707 = arith.addi %add3A_706, %iota3A_704 : vector<16xi32>
        %gather3A_708 = tpu.vector_load_idx %arg7[%add3A_707, %broadcast_in_dim3A_676] : memref<64x128xf32, #tpu.memory_space<vmem>>[vector<16xi32>, vector<16xi32>], vector<16xf32>,
        %gather3A_709 = tpu.vector_load_idx %arg15[%broadcast_in_dim3A_683, %add3A_707] : memref<64x64xf32, #tpu.memory_space<vmem>>[vector<16xi32>, vector<16xi32>], vector<16xf32>,
        %select_n3A_710 = arith.select %broadcast_in_dim3A_668, %gather3A_709, %gather3A_708 : vector<16xi1>, vector<16xf32>
        tpu.vector_store_idx %arg16[%add3A_689, %add3A_707], %select_n3A_710 : memref<256x64xf32, #tpu.memory_space<vmem>>[vector<16xi32>, vector<16xi32>], vector<16xf32>,
        %iota3A_711 = tpu.iota {dimensions = array<i32: 0>} : vector<16xi32>
        %add3A_712 = arith.constant 48 : i32
        %add3A_713 = vector.broadcast %add3A_712 : i32 to vector<16xi32>
        %add3A_714 = arith.addi %add3A_713, %iota3A_711 : vector<16xi32>
        %gather3A_715 = tpu.vector_load_idx %arg7[%add3A_714, %broadcast_in_dim3A_676] : memref<64x128xf32, #tpu.memory_space<vmem>>[vector<16xi32>, vector<16xi32>], vector<16xf32>,
        %gather3A_716 = tpu.vector_load_idx %arg15[%broadcast_in_dim3A_683, %add3A_714] : memref<64x64xf32, #tpu.memory_space<vmem>>[vector<16xi32>, vector<16xi32>], vector<16xf32>,
        %select_n3A_717 = arith.select %broadcast_in_dim3A_668, %gather3A_716, %gather3A_715 : vector<16xi1>, vector<16xf32>
        tpu.vector_store_idx %arg16[%add3A_689, %add3A_714], %select_n3A_717 : memref<256x64xf32, #tpu.memory_space<vmem>>[vector<16xi32>, vector<16xi32>], vector<16xf32>,
        %dma_wait3A_718 = arith.constant 0 : i32
        %dma_wait3A_719 = arith.constant 0 : i32
        %dma_wait3A_720 = tpu.memref_slice %arg3[%dma_wait3A_718, %dma_wait3A_719] : memref<64x1000000xf32, #tpu.memory_space<hbm>> -> memref<64x128xf32, #tpu.memory_space<hbm>>
        %dma_wait3A_721 = arith.constant 0 : i32
        %dma_wait3A_722 = arith.constant 0 : i32
        %dma_wait3A_723 = tpu.memref_slice %arg3[%dma_wait3A_721, %dma_wait3A_722] : memref<64x1000000xf32, #tpu.memory_space<hbm>> -> memref<64x128xf32, #tpu.memory_space<hbm>>
        tpu.wait_dma2 semaphore(%arg18 : memref<!tpu.dma_semaphore, #tpu.memory_space<semaphore_mem>>) src(%dma_wait3A_723 : memref<64x128xf32, #tpu.memory_space<hbm>>) dst(%arg8 : memref<64x128xf32, #tpu.memory_space<vmem>>)
        %slice3A_724 = vector.extract_strided_slice %get3A_40 {offsets = [9], sizes = [1], strides = [1]} : vector<16xi32> to vector<1xi32>
        %squeeze3A_725 = vector.extract %slice3A_724[0] : i32 from vector<1xi32>
        %ge3A_726 = arith.constant 999936 : i32
        %ge3A_727 = arith.cmpi sge, %squeeze3A_725, %ge3A_726 : i32
        %broadcast_in_dim3A_728 = vector.broadcast %ge3A_727 : i1 to vector<16xi1>
        %slice3A_729 = vector.extract_strided_slice %min3A_44 {offsets = [9], sizes = [1], strides = [1]} : vector<16xi32> to vector<1xi32>
        %squeeze3A_730 = vector.extract %slice3A_729[0] : i32 from vector<1xi32>
        %mul3A_731 = arith.constant 128 : i32
        %mul3A_732 = arith.muli %squeeze3A_730, %mul3A_731 : i32
        %sub3A_733 = arith.subi %squeeze3A_725, %mul3A_732 : i32
        %min3A_734 = arith.constant 127 : i32
        %min3A_735 = arith.minsi %sub3A_733, %min3A_734 : i32
        %broadcast_in_dim3A_736 = vector.broadcast %min3A_735 : i32 to vector<16xi32>
        %sub3A_737 = arith.constant 999936 : i32
        %sub3A_738 = arith.subi %squeeze3A_725, %sub3A_737 : i32
        %jit3A_739 = arith.constant 0 : i32
        %jit3A_740 = arith.constant 63 : i32
        %max3A_741 = arith.maxsi %jit3A_739, %sub3A_738 : i32
        %min3A_742 = arith.minsi %jit3A_740, %max3A_741 : i32
        %broadcast_in_dim3A_743 = vector.broadcast %min3A_742 : i32 to vector<16xi32>
        %add3A_744 = arith.constant 9 : i32
        %add3A_745 = arith.addi %mul3A_39, %add3A_744 : i32
        %broadcast_in_dim3A_746 = arith.constant 0 : i32
        %broadcast_in_dim3A_747 = vector.broadcast %broadcast_in_dim3A_746 : i32 to vector<16xi32>
        %add3A_748 = vector.broadcast %add3A_745 : i32 to vector<16xi32>
        %add3A_749 = arith.addi %add3A_748, %broadcast_in_dim3A_747 : vector<16xi32>
        %iota3A_750 = tpu.iota {dimensions = array<i32: 0>} : vector<16xi32>
        %add3A_751 = arith.constant 0 : i32
        %add3A_752 = vector.broadcast %add3A_751 : i32 to vector<16xi32>
        %add3A_753 = arith.addi %add3A_752, %iota3A_750 : vector<16xi32>
        %gather3A_754 = tpu.vector_load_idx %arg8[%add3A_753, %broadcast_in_dim3A_736] : memref<64x128xf32, #tpu.memory_space<vmem>>[vector<16xi32>, vector<16xi32>], vector<16xf32>,
        %gather3A_755 = tpu.vector_load_idx %arg15[%broadcast_in_dim3A_743, %add3A_753] : memref<64x64xf32, #tpu.memory_space<vmem>>[vector<16xi32>, vector<16xi32>], vector<16xf32>,
        %select_n3A_756 = arith.select %broadcast_in_dim3A_728, %gather3A_755, %gather3A_754 : vector<16xi1>, vector<16xf32>
        tpu.vector_store_idx %arg16[%add3A_749, %add3A_753], %select_n3A_756 : memref<256x64xf32, #tpu.memory_space<vmem>>[vector<16xi32>, vector<16xi32>], vector<16xf32>,
        %iota3A_757 = tpu.iota {dimensions = array<i32: 0>} : vector<16xi32>
        %add3A_758 = arith.constant 16 : i32
        %add3A_759 = vector.broadcast %add3A_758 : i32 to vector<16xi32>
        %add3A_760 = arith.addi %add3A_759, %iota3A_757 : vector<16xi32>
        %gather3A_761 = tpu.vector_load_idx %arg8[%add3A_760, %broadcast_in_dim3A_736] : memref<64x128xf32, #tpu.memory_space<vmem>>[vector<16xi32>, vector<16xi32>], vector<16xf32>,
        %gather3A_762 = tpu.vector_load_idx %arg15[%broadcast_in_dim3A_743, %add3A_760] : memref<64x64xf32, #tpu.memory_space<vmem>>[vector<16xi32>, vector<16xi32>], vector<16xf32>,
        %select_n3A_763 = arith.select %broadcast_in_dim3A_728, %gather3A_762, %gather3A_761 : vector<16xi1>, vector<16xf32>
        tpu.vector_store_idx %arg16[%add3A_749, %add3A_760], %select_n3A_763 : memref<256x64xf32, #tpu.memory_space<vmem>>[vector<16xi32>, vector<16xi32>], vector<16xf32>,
        %iota3A_764 = tpu.iota {dimensions = array<i32: 0>} : vector<16xi32>
        %add3A_765 = arith.constant 32 : i32
        %add3A_766 = vector.broadcast %add3A_765 : i32 to vector<16xi32>
        %add3A_767 = arith.addi %add3A_766, %iota3A_764 : vector<16xi32>
        %gather3A_768 = tpu.vector_load_idx %arg8[%add3A_767, %broadcast_in_dim3A_736] : memref<64x128xf32, #tpu.memory_space<vmem>>[vector<16xi32>, vector<16xi32>], vector<16xf32>,
        %gather3A_769 = tpu.vector_load_idx %arg15[%broadcast_in_dim3A_743, %add3A_767] : memref<64x64xf32, #tpu.memory_space<vmem>>[vector<16xi32>, vector<16xi32>], vector<16xf32>,
        %select_n3A_770 = arith.select %broadcast_in_dim3A_728, %gather3A_769, %gather3A_768 : vector<16xi1>, vector<16xf32>
        tpu.vector_store_idx %arg16[%add3A_749, %add3A_767], %select_n3A_770 : memref<256x64xf32, #tpu.memory_space<vmem>>[vector<16xi32>, vector<16xi32>], vector<16xf32>,
        %iota3A_771 = tpu.iota {dimensions = array<i32: 0>} : vector<16xi32>
        %add3A_772 = arith.constant 48 : i32
        %add3A_773 = vector.broadcast %add3A_772 : i32 to vector<16xi32>
        %add3A_774 = arith.addi %add3A_773, %iota3A_771 : vector<16xi32>
        %gather3A_775 = tpu.vector_load_idx %arg8[%add3A_774, %broadcast_in_dim3A_736] : memref<64x128xf32, #tpu.memory_space<vmem>>[vector<16xi32>, vector<16xi32>], vector<16xf32>,
        %gather3A_776 = tpu.vector_load_idx %arg15[%broadcast_in_dim3A_743, %add3A_774] : memref<64x64xf32, #tpu.memory_space<vmem>>[vector<16xi32>, vector<16xi32>], vector<16xf32>,
        %select_n3A_777 = arith.select %broadcast_in_dim3A_728, %gather3A_776, %gather3A_775 : vector<16xi1>, vector<16xf32>
        tpu.vector_store_idx %arg16[%add3A_749, %add3A_774], %select_n3A_777 : memref<256x64xf32, #tpu.memory_space<vmem>>[vector<16xi32>, vector<16xi32>], vector<16xf32>,
        %dma_wait3A_778 = arith.constant 0 : i32
        %dma_wait3A_779 = arith.constant 0 : i32
        %dma_wait3A_780 = tpu.memref_slice %arg3[%dma_wait3A_778, %dma_wait3A_779] : memref<64x1000000xf32, #tpu.memory_space<hbm>> -> memref<64x128xf32, #tpu.memory_space<hbm>>
        %dma_wait3A_781 = arith.constant 0 : i32
        %dma_wait3A_782 = arith.constant 0 : i32
        %dma_wait3A_783 = tpu.memref_slice %arg3[%dma_wait3A_781, %dma_wait3A_782] : memref<64x1000000xf32, #tpu.memory_space<hbm>> -> memref<64x128xf32, #tpu.memory_space<hbm>>
        tpu.wait_dma2 semaphore(%arg19 : memref<!tpu.dma_semaphore, #tpu.memory_space<semaphore_mem>>) src(%dma_wait3A_783 : memref<64x128xf32, #tpu.memory_space<hbm>>) dst(%arg9 : memref<64x128xf32, #tpu.memory_space<vmem>>)
        %slice3A_784 = vector.extract_strided_slice %get3A_40 {offsets = [10], sizes = [1], strides = [1]} : vector<16xi32> to vector<1xi32>
        %squeeze3A_785 = vector.extract %slice3A_784[0] : i32 from vector<1xi32>
        %ge3A_786 = arith.constant 999936 : i32
        %ge3A_787 = arith.cmpi sge, %squeeze3A_785, %ge3A_786 : i32
        %broadcast_in_dim3A_788 = vector.broadcast %ge3A_787 : i1 to vector<16xi1>
        %slice3A_789 = vector.extract_strided_slice %min3A_44 {offsets = [10], sizes = [1], strides = [1]} : vector<16xi32> to vector<1xi32>
        %squeeze3A_790 = vector.extract %slice3A_789[0] : i32 from vector<1xi32>
        %mul3A_791 = arith.constant 128 : i32
        %mul3A_792 = arith.muli %squeeze3A_790, %mul3A_791 : i32
        %sub3A_793 = arith.subi %squeeze3A_785, %mul3A_792 : i32
        %min3A_794 = arith.constant 127 : i32
        %min3A_795 = arith.minsi %sub3A_793, %min3A_794 : i32
        %broadcast_in_dim3A_796 = vector.broadcast %min3A_795 : i32 to vector<16xi32>
        %sub3A_797 = arith.constant 999936 : i32
        %sub3A_798 = arith.subi %squeeze3A_785, %sub3A_797 : i32
        %jit3A_799 = arith.constant 0 : i32
        %jit3A_800 = arith.constant 63 : i32
        %max3A_801 = arith.maxsi %jit3A_799, %sub3A_798 : i32
        %min3A_802 = arith.minsi %jit3A_800, %max3A_801 : i32
        %broadcast_in_dim3A_803 = vector.broadcast %min3A_802 : i32 to vector<16xi32>
        %add3A_804 = arith.constant 10 : i32
        %add3A_805 = arith.addi %mul3A_39, %add3A_804 : i32
        %broadcast_in_dim3A_806 = arith.constant 0 : i32
        %broadcast_in_dim3A_807 = vector.broadcast %broadcast_in_dim3A_806 : i32 to vector<16xi32>
        %add3A_808 = vector.broadcast %add3A_805 : i32 to vector<16xi32>
        %add3A_809 = arith.addi %add3A_808, %broadcast_in_dim3A_807 : vector<16xi32>
        %iota3A_810 = tpu.iota {dimensions = array<i32: 0>} : vector<16xi32>
        %add3A_811 = arith.constant 0 : i32
        %add3A_812 = vector.broadcast %add3A_811 : i32 to vector<16xi32>
        %add3A_813 = arith.addi %add3A_812, %iota3A_810 : vector<16xi32>
        %gather3A_814 = tpu.vector_load_idx %arg9[%add3A_813, %broadcast_in_dim3A_796] : memref<64x128xf32, #tpu.memory_space<vmem>>[vector<16xi32>, vector<16xi32>], vector<16xf32>,
        %gather3A_815 = tpu.vector_load_idx %arg15[%broadcast_in_dim3A_803, %add3A_813] : memref<64x64xf32, #tpu.memory_space<vmem>>[vector<16xi32>, vector<16xi32>], vector<16xf32>,
        %select_n3A_816 = arith.select %broadcast_in_dim3A_788, %gather3A_815, %gather3A_814 : vector<16xi1>, vector<16xf32>
        tpu.vector_store_idx %arg16[%add3A_809, %add3A_813], %select_n3A_816 : memref<256x64xf32, #tpu.memory_space<vmem>>[vector<16xi32>, vector<16xi32>], vector<16xf32>,
        %iota3A_817 = tpu.iota {dimensions = array<i32: 0>} : vector<16xi32>
        %add3A_818 = arith.constant 16 : i32
        %add3A_819 = vector.broadcast %add3A_818 : i32 to vector<16xi32>
        %add3A_820 = arith.addi %add3A_819, %iota3A_817 : vector<16xi32>
        %gather3A_821 = tpu.vector_load_idx %arg9[%add3A_820, %broadcast_in_dim3A_796] : memref<64x128xf32, #tpu.memory_space<vmem>>[vector<16xi32>, vector<16xi32>], vector<16xf32>,
        %gather3A_822 = tpu.vector_load_idx %arg15[%broadcast_in_dim3A_803, %add3A_820] : memref<64x64xf32, #tpu.memory_space<vmem>>[vector<16xi32>, vector<16xi32>], vector<16xf32>,
        %select_n3A_823 = arith.select %broadcast_in_dim3A_788, %gather3A_822, %gather3A_821 : vector<16xi1>, vector<16xf32>
        tpu.vector_store_idx %arg16[%add3A_809, %add3A_820], %select_n3A_823 : memref<256x64xf32, #tpu.memory_space<vmem>>[vector<16xi32>, vector<16xi32>], vector<16xf32>,
        %iota3A_824 = tpu.iota {dimensions = array<i32: 0>} : vector<16xi32>
        %add3A_825 = arith.constant 32 : i32
        %add3A_826 = vector.broadcast %add3A_825 : i32 to vector<16xi32>
        %add3A_827 = arith.addi %add3A_826, %iota3A_824 : vector<16xi32>
        %gather3A_828 = tpu.vector_load_idx %arg9[%add3A_827, %broadcast_in_dim3A_796] : memref<64x128xf32, #tpu.memory_space<vmem>>[vector<16xi32>, vector<16xi32>], vector<16xf32>,
        %gather3A_829 = tpu.vector_load_idx %arg15[%broadcast_in_dim3A_803, %add3A_827] : memref<64x64xf32, #tpu.memory_space<vmem>>[vector<16xi32>, vector<16xi32>], vector<16xf32>,
        %select_n3A_830 = arith.select %broadcast_in_dim3A_788, %gather3A_829, %gather3A_828 : vector<16xi1>, vector<16xf32>
        tpu.vector_store_idx %arg16[%add3A_809, %add3A_827], %select_n3A_830 : memref<256x64xf32, #tpu.memory_space<vmem>>[vector<16xi32>, vector<16xi32>], vector<16xf32>,
        %iota3A_831 = tpu.iota {dimensions = array<i32: 0>} : vector<16xi32>
        %add3A_832 = arith.constant 48 : i32
        %add3A_833 = vector.broadcast %add3A_832 : i32 to vector<16xi32>
        %add3A_834 = arith.addi %add3A_833, %iota3A_831 : vector<16xi32>
        %gather3A_835 = tpu.vector_load_idx %arg9[%add3A_834, %broadcast_in_dim3A_796] : memref<64x128xf32, #tpu.memory_space<vmem>>[vector<16xi32>, vector<16xi32>], vector<16xf32>,
        %gather3A_836 = tpu.vector_load_idx %arg15[%broadcast_in_dim3A_803, %add3A_834] : memref<64x64xf32, #tpu.memory_space<vmem>>[vector<16xi32>, vector<16xi32>], vector<16xf32>,
        %select_n3A_837 = arith.select %broadcast_in_dim3A_788, %gather3A_836, %gather3A_835 : vector<16xi1>, vector<16xf32>
        tpu.vector_store_idx %arg16[%add3A_809, %add3A_834], %select_n3A_837 : memref<256x64xf32, #tpu.memory_space<vmem>>[vector<16xi32>, vector<16xi32>], vector<16xf32>,
        %dma_wait3A_838 = arith.constant 0 : i32
        %dma_wait3A_839 = arith.constant 0 : i32
        %dma_wait3A_840 = tpu.memref_slice %arg3[%dma_wait3A_838, %dma_wait3A_839] : memref<64x1000000xf32, #tpu.memory_space<hbm>> -> memref<64x128xf32, #tpu.memory_space<hbm>>
        %dma_wait3A_841 = arith.constant 0 : i32
        %dma_wait3A_842 = arith.constant 0 : i32
        %dma_wait3A_843 = tpu.memref_slice %arg3[%dma_wait3A_841, %dma_wait3A_842] : memref<64x1000000xf32, #tpu.memory_space<hbm>> -> memref<64x128xf32, #tpu.memory_space<hbm>>
        tpu.wait_dma2 semaphore(%arg20 : memref<!tpu.dma_semaphore, #tpu.memory_space<semaphore_mem>>) src(%dma_wait3A_843 : memref<64x128xf32, #tpu.memory_space<hbm>>) dst(%arg10 : memref<64x128xf32, #tpu.memory_space<vmem>>)
        %slice3A_844 = vector.extract_strided_slice %get3A_40 {offsets = [11], sizes = [1], strides = [1]} : vector<16xi32> to vector<1xi32>
        %squeeze3A_845 = vector.extract %slice3A_844[0] : i32 from vector<1xi32>
        %ge3A_846 = arith.constant 999936 : i32
        %ge3A_847 = arith.cmpi sge, %squeeze3A_845, %ge3A_846 : i32
        %broadcast_in_dim3A_848 = vector.broadcast %ge3A_847 : i1 to vector<16xi1>
        %slice3A_849 = vector.extract_strided_slice %min3A_44 {offsets = [11], sizes = [1], strides = [1]} : vector<16xi32> to vector<1xi32>
        %squeeze3A_850 = vector.extract %slice3A_849[0] : i32 from vector<1xi32>
        %mul3A_851 = arith.constant 128 : i32
        %mul3A_852 = arith.muli %squeeze3A_850, %mul3A_851 : i32
        %sub3A_853 = arith.subi %squeeze3A_845, %mul3A_852 : i32
        %min3A_854 = arith.constant 127 : i32
        %min3A_855 = arith.minsi %sub3A_853, %min3A_854 : i32
        %broadcast_in_dim3A_856 = vector.broadcast %min3A_855 : i32 to vector<16xi32>
        %sub3A_857 = arith.constant 999936 : i32
        %sub3A_858 = arith.subi %squeeze3A_845, %sub3A_857 : i32
        %jit3A_859 = arith.constant 0 : i32
        %jit3A_860 = arith.constant 63 : i32
        %max3A_861 = arith.maxsi %jit3A_859, %sub3A_858 : i32
        %min3A_862 = arith.minsi %jit3A_860, %max3A_861 : i32
        %broadcast_in_dim3A_863 = vector.broadcast %min3A_862 : i32 to vector<16xi32>
        %add3A_864 = arith.constant 11 : i32
        %add3A_865 = arith.addi %mul3A_39, %add3A_864 : i32
        %broadcast_in_dim3A_866 = arith.constant 0 : i32
        %broadcast_in_dim3A_867 = vector.broadcast %broadcast_in_dim3A_866 : i32 to vector<16xi32>
        %add3A_868 = vector.broadcast %add3A_865 : i32 to vector<16xi32>
        %add3A_869 = arith.addi %add3A_868, %broadcast_in_dim3A_867 : vector<16xi32>
        %iota3A_870 = tpu.iota {dimensions = array<i32: 0>} : vector<16xi32>
        %add3A_871 = arith.constant 0 : i32
        %add3A_872 = vector.broadcast %add3A_871 : i32 to vector<16xi32>
        %add3A_873 = arith.addi %add3A_872, %iota3A_870 : vector<16xi32>
        %gather3A_874 = tpu.vector_load_idx %arg10[%add3A_873, %broadcast_in_dim3A_856] : memref<64x128xf32, #tpu.memory_space<vmem>>[vector<16xi32>, vector<16xi32>], vector<16xf32>,
        %gather3A_875 = tpu.vector_load_idx %arg15[%broadcast_in_dim3A_863, %add3A_873] : memref<64x64xf32, #tpu.memory_space<vmem>>[vector<16xi32>, vector<16xi32>], vector<16xf32>,
        %select_n3A_876 = arith.select %broadcast_in_dim3A_848, %gather3A_875, %gather3A_874 : vector<16xi1>, vector<16xf32>
        tpu.vector_store_idx %arg16[%add3A_869, %add3A_873], %select_n3A_876 : memref<256x64xf32, #tpu.memory_space<vmem>>[vector<16xi32>, vector<16xi32>], vector<16xf32>,
        %iota3A_877 = tpu.iota {dimensions = array<i32: 0>} : vector<16xi32>
        %add3A_878 = arith.constant 16 : i32
        %add3A_879 = vector.broadcast %add3A_878 : i32 to vector<16xi32>
        %add3A_880 = arith.addi %add3A_879, %iota3A_877 : vector<16xi32>
        %gather3A_881 = tpu.vector_load_idx %arg10[%add3A_880, %broadcast_in_dim3A_856] : memref<64x128xf32, #tpu.memory_space<vmem>>[vector<16xi32>, vector<16xi32>], vector<16xf32>,
        %gather3A_882 = tpu.vector_load_idx %arg15[%broadcast_in_dim3A_863, %add3A_880] : memref<64x64xf32, #tpu.memory_space<vmem>>[vector<16xi32>, vector<16xi32>], vector<16xf32>,
        %select_n3A_883 = arith.select %broadcast_in_dim3A_848, %gather3A_882, %gather3A_881 : vector<16xi1>, vector<16xf32>
        tpu.vector_store_idx %arg16[%add3A_869, %add3A_880], %select_n3A_883 : memref<256x64xf32, #tpu.memory_space<vmem>>[vector<16xi32>, vector<16xi32>], vector<16xf32>,
        %iota3A_884 = tpu.iota {dimensions = array<i32: 0>} : vector<16xi32>
        %add3A_885 = arith.constant 32 : i32
        %add3A_886 = vector.broadcast %add3A_885 : i32 to vector<16xi32>
        %add3A_887 = arith.addi %add3A_886, %iota3A_884 : vector<16xi32>
        %gather3A_888 = tpu.vector_load_idx %arg10[%add3A_887, %broadcast_in_dim3A_856] : memref<64x128xf32, #tpu.memory_space<vmem>>[vector<16xi32>, vector<16xi32>], vector<16xf32>,
        %gather3A_889 = tpu.vector_load_idx %arg15[%broadcast_in_dim3A_863, %add3A_887] : memref<64x64xf32, #tpu.memory_space<vmem>>[vector<16xi32>, vector<16xi32>], vector<16xf32>,
        %select_n3A_890 = arith.select %broadcast_in_dim3A_848, %gather3A_889, %gather3A_888 : vector<16xi1>, vector<16xf32>
        tpu.vector_store_idx %arg16[%add3A_869, %add3A_887], %select_n3A_890 : memref<256x64xf32, #tpu.memory_space<vmem>>[vector<16xi32>, vector<16xi32>], vector<16xf32>,
        %iota3A_891 = tpu.iota {dimensions = array<i32: 0>} : vector<16xi32>
        %add3A_892 = arith.constant 48 : i32
        %add3A_893 = vector.broadcast %add3A_892 : i32 to vector<16xi32>
        %add3A_894 = arith.addi %add3A_893, %iota3A_891 : vector<16xi32>
        %gather3A_895 = tpu.vector_load_idx %arg10[%add3A_894, %broadcast_in_dim3A_856] : memref<64x128xf32, #tpu.memory_space<vmem>>[vector<16xi32>, vector<16xi32>], vector<16xf32>,
        %gather3A_896 = tpu.vector_load_idx %arg15[%broadcast_in_dim3A_863, %add3A_894] : memref<64x64xf32, #tpu.memory_space<vmem>>[vector<16xi32>, vector<16xi32>], vector<16xf32>,
        %select_n3A_897 = arith.select %broadcast_in_dim3A_848, %gather3A_896, %gather3A_895 : vector<16xi1>, vector<16xf32>
        tpu.vector_store_idx %arg16[%add3A_869, %add3A_894], %select_n3A_897 : memref<256x64xf32, #tpu.memory_space<vmem>>[vector<16xi32>, vector<16xi32>], vector<16xf32>,
        %dma_wait3A_898 = arith.constant 0 : i32
        %dma_wait3A_899 = arith.constant 0 : i32
        %dma_wait3A_900 = tpu.memref_slice %arg3[%dma_wait3A_898, %dma_wait3A_899] : memref<64x1000000xf32, #tpu.memory_space<hbm>> -> memref<64x128xf32, #tpu.memory_space<hbm>>
        %dma_wait3A_901 = arith.constant 0 : i32
        %dma_wait3A_902 = arith.constant 0 : i32
        %dma_wait3A_903 = tpu.memref_slice %arg3[%dma_wait3A_901, %dma_wait3A_902] : memref<64x1000000xf32, #tpu.memory_space<hbm>> -> memref<64x128xf32, #tpu.memory_space<hbm>>
        tpu.wait_dma2 semaphore(%arg21 : memref<!tpu.dma_semaphore, #tpu.memory_space<semaphore_mem>>) src(%dma_wait3A_903 : memref<64x128xf32, #tpu.memory_space<hbm>>) dst(%arg11 : memref<64x128xf32, #tpu.memory_space<vmem>>)
        %slice3A_904 = vector.extract_strided_slice %get3A_40 {offsets = [12], sizes = [1], strides = [1]} : vector<16xi32> to vector<1xi32>
        %squeeze3A_905 = vector.extract %slice3A_904[0] : i32 from vector<1xi32>
        %ge3A_906 = arith.constant 999936 : i32
        %ge3A_907 = arith.cmpi sge, %squeeze3A_905, %ge3A_906 : i32
        %broadcast_in_dim3A_908 = vector.broadcast %ge3A_907 : i1 to vector<16xi1>
        %slice3A_909 = vector.extract_strided_slice %min3A_44 {offsets = [12], sizes = [1], strides = [1]} : vector<16xi32> to vector<1xi32>
        %squeeze3A_910 = vector.extract %slice3A_909[0] : i32 from vector<1xi32>
        %mul3A_911 = arith.constant 128 : i32
        %mul3A_912 = arith.muli %squeeze3A_910, %mul3A_911 : i32
        %sub3A_913 = arith.subi %squeeze3A_905, %mul3A_912 : i32
        %min3A_914 = arith.constant 127 : i32
        %min3A_915 = arith.minsi %sub3A_913, %min3A_914 : i32
        %broadcast_in_dim3A_916 = vector.broadcast %min3A_915 : i32 to vector<16xi32>
        %sub3A_917 = arith.constant 999936 : i32
        %sub3A_918 = arith.subi %squeeze3A_905, %sub3A_917 : i32
        %jit3A_919 = arith.constant 0 : i32
        %jit3A_920 = arith.constant 63 : i32
        %max3A_921 = arith.maxsi %jit3A_919, %sub3A_918 : i32
        %min3A_922 = arith.minsi %jit3A_920, %max3A_921 : i32
        %broadcast_in_dim3A_923 = vector.broadcast %min3A_922 : i32 to vector<16xi32>
        %add3A_924 = arith.constant 12 : i32
        %add3A_925 = arith.addi %mul3A_39, %add3A_924 : i32
        %broadcast_in_dim3A_926 = arith.constant 0 : i32
        %broadcast_in_dim3A_927 = vector.broadcast %broadcast_in_dim3A_926 : i32 to vector<16xi32>
        %add3A_928 = vector.broadcast %add3A_925 : i32 to vector<16xi32>
        %add3A_929 = arith.addi %add3A_928, %broadcast_in_dim3A_927 : vector<16xi32>
        %iota3A_930 = tpu.iota {dimensions = array<i32: 0>} : vector<16xi32>
        %add3A_931 = arith.constant 0 : i32
        %add3A_932 = vector.broadcast %add3A_931 : i32 to vector<16xi32>
        %add3A_933 = arith.addi %add3A_932, %iota3A_930 : vector<16xi32>
        %gather3A_934 = tpu.vector_load_idx %arg11[%add3A_933, %broadcast_in_dim3A_916] : memref<64x128xf32, #tpu.memory_space<vmem>>[vector<16xi32>, vector<16xi32>], vector<16xf32>,
        %gather3A_935 = tpu.vector_load_idx %arg15[%broadcast_in_dim3A_923, %add3A_933] : memref<64x64xf32, #tpu.memory_space<vmem>>[vector<16xi32>, vector<16xi32>], vector<16xf32>,
        %select_n3A_936 = arith.select %broadcast_in_dim3A_908, %gather3A_935, %gather3A_934 : vector<16xi1>, vector<16xf32>
        tpu.vector_store_idx %arg16[%add3A_929, %add3A_933], %select_n3A_936 : memref<256x64xf32, #tpu.memory_space<vmem>>[vector<16xi32>, vector<16xi32>], vector<16xf32>,
        %iota3A_937 = tpu.iota {dimensions = array<i32: 0>} : vector<16xi32>
        %add3A_938 = arith.constant 16 : i32
        %add3A_939 = vector.broadcast %add3A_938 : i32 to vector<16xi32>
        %add3A_940 = arith.addi %add3A_939, %iota3A_937 : vector<16xi32>
        %gather3A_941 = tpu.vector_load_idx %arg11[%add3A_940, %broadcast_in_dim3A_916] : memref<64x128xf32, #tpu.memory_space<vmem>>[vector<16xi32>, vector<16xi32>], vector<16xf32>,
        %gather3A_942 = tpu.vector_load_idx %arg15[%broadcast_in_dim3A_923, %add3A_940] : memref<64x64xf32, #tpu.memory_space<vmem>>[vector<16xi32>, vector<16xi32>], vector<16xf32>,
        %select_n3A_943 = arith.select %broadcast_in_dim3A_908, %gather3A_942, %gather3A_941 : vector<16xi1>, vector<16xf32>
        tpu.vector_store_idx %arg16[%add3A_929, %add3A_940], %select_n3A_943 : memref<256x64xf32, #tpu.memory_space<vmem>>[vector<16xi32>, vector<16xi32>], vector<16xf32>,
        %iota3A_944 = tpu.iota {dimensions = array<i32: 0>} : vector<16xi32>
        %add3A_945 = arith.constant 32 : i32
        %add3A_946 = vector.broadcast %add3A_945 : i32 to vector<16xi32>
        %add3A_947 = arith.addi %add3A_946, %iota3A_944 : vector<16xi32>
        %gather3A_948 = tpu.vector_load_idx %arg11[%add3A_947, %broadcast_in_dim3A_916] : memref<64x128xf32, #tpu.memory_space<vmem>>[vector<16xi32>, vector<16xi32>], vector<16xf32>,
        %gather3A_949 = tpu.vector_load_idx %arg15[%broadcast_in_dim3A_923, %add3A_947] : memref<64x64xf32, #tpu.memory_space<vmem>>[vector<16xi32>, vector<16xi32>], vector<16xf32>,
        %select_n3A_950 = arith.select %broadcast_in_dim3A_908, %gather3A_949, %gather3A_948 : vector<16xi1>, vector<16xf32>
        tpu.vector_store_idx %arg16[%add3A_929, %add3A_947], %select_n3A_950 : memref<256x64xf32, #tpu.memory_space<vmem>>[vector<16xi32>, vector<16xi32>], vector<16xf32>,
        %iota3A_951 = tpu.iota {dimensions = array<i32: 0>} : vector<16xi32>
        %add3A_952 = arith.constant 48 : i32
        %add3A_953 = vector.broadcast %add3A_952 : i32 to vector<16xi32>
        %add3A_954 = arith.addi %add3A_953, %iota3A_951 : vector<16xi32>
        %gather3A_955 = tpu.vector_load_idx %arg11[%add3A_954, %broadcast_in_dim3A_916] : memref<64x128xf32, #tpu.memory_space<vmem>>[vector<16xi32>, vector<16xi32>], vector<16xf32>,
        %gather3A_956 = tpu.vector_load_idx %arg15[%broadcast_in_dim3A_923, %add3A_954] : memref<64x64xf32, #tpu.memory_space<vmem>>[vector<16xi32>, vector<16xi32>], vector<16xf32>,
        %select_n3A_957 = arith.select %broadcast_in_dim3A_908, %gather3A_956, %gather3A_955 : vector<16xi1>, vector<16xf32>
        tpu.vector_store_idx %arg16[%add3A_929, %add3A_954], %select_n3A_957 : memref<256x64xf32, #tpu.memory_space<vmem>>[vector<16xi32>, vector<16xi32>], vector<16xf32>,
        %dma_wait3A_958 = arith.constant 0 : i32
        %dma_wait3A_959 = arith.constant 0 : i32
        %dma_wait3A_960 = tpu.memref_slice %arg3[%dma_wait3A_958, %dma_wait3A_959] : memref<64x1000000xf32, #tpu.memory_space<hbm>> -> memref<64x128xf32, #tpu.memory_space<hbm>>
        %dma_wait3A_961 = arith.constant 0 : i32
        %dma_wait3A_962 = arith.constant 0 : i32
        %dma_wait3A_963 = tpu.memref_slice %arg3[%dma_wait3A_961, %dma_wait3A_962] : memref<64x1000000xf32, #tpu.memory_space<hbm>> -> memref<64x128xf32, #tpu.memory_space<hbm>>
        tpu.wait_dma2 semaphore(%arg22 : memref<!tpu.dma_semaphore, #tpu.memory_space<semaphore_mem>>) src(%dma_wait3A_963 : memref<64x128xf32, #tpu.memory_space<hbm>>) dst(%arg12 : memref<64x128xf32, #tpu.memory_space<vmem>>)
        %slice3A_964 = vector.extract_strided_slice %get3A_40 {offsets = [13], sizes = [1], strides = [1]} : vector<16xi32> to vector<1xi32>
        %squeeze3A_965 = vector.extract %slice3A_964[0] : i32 from vector<1xi32>
        %ge3A_966 = arith.constant 999936 : i32
        %ge3A_967 = arith.cmpi sge, %squeeze3A_965, %ge3A_966 : i32
        %broadcast_in_dim3A_968 = vector.broadcast %ge3A_967 : i1 to vector<16xi1>
        %slice3A_969 = vector.extract_strided_slice %min3A_44 {offsets = [13], sizes = [1], strides = [1]} : vector<16xi32> to vector<1xi32>
        %squeeze3A_970 = vector.extract %slice3A_969[0] : i32 from vector<1xi32>
        %mul3A_971 = arith.constant 128 : i32
        %mul3A_972 = arith.muli %squeeze3A_970, %mul3A_971 : i32
        %sub3A_973 = arith.subi %squeeze3A_965, %mul3A_972 : i32
        %min3A_974 = arith.constant 127 : i32
        %min3A_975 = arith.minsi %sub3A_973, %min3A_974 : i32
        %broadcast_in_dim3A_976 = vector.broadcast %min3A_975 : i32 to vector<16xi32>
        %sub3A_977 = arith.constant 999936 : i32
        %sub3A_978 = arith.subi %squeeze3A_965, %sub3A_977 : i32
        %jit3A_979 = arith.constant 0 : i32
        %jit3A_980 = arith.constant 63 : i32
        %max3A_981 = arith.maxsi %jit3A_979, %sub3A_978 : i32
        %min3A_982 = arith.minsi %jit3A_980, %max3A_981 : i32
        %broadcast_in_dim3A_983 = vector.broadcast %min3A_982 : i32 to vector<16xi32>
        %add3A_984 = arith.constant 13 : i32
        %add3A_985 = arith.addi %mul3A_39, %add3A_984 : i32
        %broadcast_in_dim3A_986 = arith.constant 0 : i32
        %broadcast_in_dim3A_987 = vector.broadcast %broadcast_in_dim3A_986 : i32 to vector<16xi32>
        %add3A_988 = vector.broadcast %add3A_985 : i32 to vector<16xi32>
        %add3A_989 = arith.addi %add3A_988, %broadcast_in_dim3A_987 : vector<16xi32>
        %iota3A_990 = tpu.iota {dimensions = array<i32: 0>} : vector<16xi32>
        %add3A_991 = arith.constant 0 : i32
        %add3A_992 = vector.broadcast %add3A_991 : i32 to vector<16xi32>
        %add3A_993 = arith.addi %add3A_992, %iota3A_990 : vector<16xi32>
        %gather3A_994 = tpu.vector_load_idx %arg12[%add3A_993, %broadcast_in_dim3A_976] : memref<64x128xf32, #tpu.memory_space<vmem>>[vector<16xi32>, vector<16xi32>], vector<16xf32>,
        %gather3A_995 = tpu.vector_load_idx %arg15[%broadcast_in_dim3A_983, %add3A_993] : memref<64x64xf32, #tpu.memory_space<vmem>>[vector<16xi32>, vector<16xi32>], vector<16xf32>,
        %select_n3A_996 = arith.select %broadcast_in_dim3A_968, %gather3A_995, %gather3A_994 : vector<16xi1>, vector<16xf32>
        tpu.vector_store_idx %arg16[%add3A_989, %add3A_993], %select_n3A_996 : memref<256x64xf32, #tpu.memory_space<vmem>>[vector<16xi32>, vector<16xi32>], vector<16xf32>,
        %iota3A_997 = tpu.iota {dimensions = array<i32: 0>} : vector<16xi32>
        %add3A_998 = arith.constant 16 : i32
        %add3A_999 = vector.broadcast %add3A_998 : i32 to vector<16xi32>
        %add3A_1000 = arith.addi %add3A_999, %iota3A_997 : vector<16xi32>
        %gather3A_1001 = tpu.vector_load_idx %arg12[%add3A_1000, %broadcast_in_dim3A_976] : memref<64x128xf32, #tpu.memory_space<vmem>>[vector<16xi32>, vector<16xi32>], vector<16xf32>,
        %gather3A_1002 = tpu.vector_load_idx %arg15[%broadcast_in_dim3A_983, %add3A_1000] : memref<64x64xf32, #tpu.memory_space<vmem>>[vector<16xi32>, vector<16xi32>], vector<16xf32>,
        %select_n3A_1003 = arith.select %broadcast_in_dim3A_968, %gather3A_1002, %gather3A_1001 : vector<16xi1>, vector<16xf32>
        tpu.vector_store_idx %arg16[%add3A_989, %add3A_1000], %select_n3A_1003 : memref<256x64xf32, #tpu.memory_space<vmem>>[vector<16xi32>, vector<16xi32>], vector<16xf32>,
        %iota3A_1004 = tpu.iota {dimensions = array<i32: 0>} : vector<16xi32>
        %add3A_1005 = arith.constant 32 : i32
        %add3A_1006 = vector.broadcast %add3A_1005 : i32 to vector<16xi32>
        %add3A_1007 = arith.addi %add3A_1006, %iota3A_1004 : vector<16xi32>
        %gather3A_1008 = tpu.vector_load_idx %arg12[%add3A_1007, %broadcast_in_dim3A_976] : memref<64x128xf32, #tpu.memory_space<vmem>>[vector<16xi32>, vector<16xi32>], vector<16xf32>,
        %gather3A_1009 = tpu.vector_load_idx %arg15[%broadcast_in_dim3A_983, %add3A_1007] : memref<64x64xf32, #tpu.memory_space<vmem>>[vector<16xi32>, vector<16xi32>], vector<16xf32>,
        %select_n3A_1010 = arith.select %broadcast_in_dim3A_968, %gather3A_1009, %gather3A_1008 : vector<16xi1>, vector<16xf32>
        tpu.vector_store_idx %arg16[%add3A_989, %add3A_1007], %select_n3A_1010 : memref<256x64xf32, #tpu.memory_space<vmem>>[vector<16xi32>, vector<16xi32>], vector<16xf32>,
        %iota3A_1011 = tpu.iota {dimensions = array<i32: 0>} : vector<16xi32>
        %add3A_1012 = arith.constant 48 : i32
        %add3A_1013 = vector.broadcast %add3A_1012 : i32 to vector<16xi32>
        %add3A_1014 = arith.addi %add3A_1013, %iota3A_1011 : vector<16xi32>
        %gather3A_1015 = tpu.vector_load_idx %arg12[%add3A_1014, %broadcast_in_dim3A_976] : memref<64x128xf32, #tpu.memory_space<vmem>>[vector<16xi32>, vector<16xi32>], vector<16xf32>,
        %gather3A_1016 = tpu.vector_load_idx %arg15[%broadcast_in_dim3A_983, %add3A_1014] : memref<64x64xf32, #tpu.memory_space<vmem>>[vector<16xi32>, vector<16xi32>], vector<16xf32>,
        %select_n3A_1017 = arith.select %broadcast_in_dim3A_968, %gather3A_1016, %gather3A_1015 : vector<16xi1>, vector<16xf32>
        tpu.vector_store_idx %arg16[%add3A_989, %add3A_1014], %select_n3A_1017 : memref<256x64xf32, #tpu.memory_space<vmem>>[vector<16xi32>, vector<16xi32>], vector<16xf32>,
        %dma_wait3A_1018 = arith.constant 0 : i32
        %dma_wait3A_1019 = arith.constant 0 : i32
        %dma_wait3A_1020 = tpu.memref_slice %arg3[%dma_wait3A_1018, %dma_wait3A_1019] : memref<64x1000000xf32, #tpu.memory_space<hbm>> -> memref<64x128xf32, #tpu.memory_space<hbm>>
        %dma_wait3A_1021 = arith.constant 0 : i32
        %dma_wait3A_1022 = arith.constant 0 : i32
        %dma_wait3A_1023 = tpu.memref_slice %arg3[%dma_wait3A_1021, %dma_wait3A_1022] : memref<64x1000000xf32, #tpu.memory_space<hbm>> -> memref<64x128xf32, #tpu.memory_space<hbm>>
        tpu.wait_dma2 semaphore(%arg23 : memref<!tpu.dma_semaphore, #tpu.memory_space<semaphore_mem>>) src(%dma_wait3A_1023 : memref<64x128xf32, #tpu.memory_space<hbm>>) dst(%arg13 : memref<64x128xf32, #tpu.memory_space<vmem>>)
        %slice3A_1024 = vector.extract_strided_slice %get3A_40 {offsets = [14], sizes = [1], strides = [1]} : vector<16xi32> to vector<1xi32>
        %squeeze3A_1025 = vector.extract %slice3A_1024[0] : i32 from vector<1xi32>
        %ge3A_1026 = arith.constant 999936 : i32
        %ge3A_1027 = arith.cmpi sge, %squeeze3A_1025, %ge3A_1026 : i32
        %broadcast_in_dim3A_1028 = vector.broadcast %ge3A_1027 : i1 to vector<16xi1>
        %slice3A_1029 = vector.extract_strided_slice %min3A_44 {offsets = [14], sizes = [1], strides = [1]} : vector<16xi32> to vector<1xi32>
        %squeeze3A_1030 = vector.extract %slice3A_1029[0] : i32 from vector<1xi32>
        %mul3A_1031 = arith.constant 128 : i32
        %mul3A_1032 = arith.muli %squeeze3A_1030, %mul3A_1031 : i32
        %sub3A_1033 = arith.subi %squeeze3A_1025, %mul3A_1032 : i32
        %min3A_1034 = arith.constant 127 : i32
        %min3A_1035 = arith.minsi %sub3A_1033, %min3A_1034 : i32
        %broadcast_in_dim3A_1036 = vector.broadcast %min3A_1035 : i32 to vector<16xi32>
        %sub3A_1037 = arith.constant 999936 : i32
        %sub3A_1038 = arith.subi %squeeze3A_1025, %sub3A_1037 : i32
        %jit3A_1039 = arith.constant 0 : i32
        %jit3A_1040 = arith.constant 63 : i32
        %max3A_1041 = arith.maxsi %jit3A_1039, %sub3A_1038 : i32
        %min3A_1042 = arith.minsi %jit3A_1040, %max3A_1041 : i32
        %broadcast_in_dim3A_1043 = vector.broadcast %min3A_1042 : i32 to vector<16xi32>
        %add3A_1044 = arith.constant 14 : i32
        %add3A_1045 = arith.addi %mul3A_39, %add3A_1044 : i32
        %broadcast_in_dim3A_1046 = arith.constant 0 : i32
        %broadcast_in_dim3A_1047 = vector.broadcast %broadcast_in_dim3A_1046 : i32 to vector<16xi32>
        %add3A_1048 = vector.broadcast %add3A_1045 : i32 to vector<16xi32>
        %add3A_1049 = arith.addi %add3A_1048, %broadcast_in_dim3A_1047 : vector<16xi32>
        %iota3A_1050 = tpu.iota {dimensions = array<i32: 0>} : vector<16xi32>
        %add3A_1051 = arith.constant 0 : i32
        %add3A_1052 = vector.broadcast %add3A_1051 : i32 to vector<16xi32>
        %add3A_1053 = arith.addi %add3A_1052, %iota3A_1050 : vector<16xi32>
        %gather3A_1054 = tpu.vector_load_idx %arg13[%add3A_1053, %broadcast_in_dim3A_1036] : memref<64x128xf32, #tpu.memory_space<vmem>>[vector<16xi32>, vector<16xi32>], vector<16xf32>,
        %gather3A_1055 = tpu.vector_load_idx %arg15[%broadcast_in_dim3A_1043, %add3A_1053] : memref<64x64xf32, #tpu.memory_space<vmem>>[vector<16xi32>, vector<16xi32>], vector<16xf32>,
        %select_n3A_1056 = arith.select %broadcast_in_dim3A_1028, %gather3A_1055, %gather3A_1054 : vector<16xi1>, vector<16xf32>
        tpu.vector_store_idx %arg16[%add3A_1049, %add3A_1053], %select_n3A_1056 : memref<256x64xf32, #tpu.memory_space<vmem>>[vector<16xi32>, vector<16xi32>], vector<16xf32>,
        %iota3A_1057 = tpu.iota {dimensions = array<i32: 0>} : vector<16xi32>
        %add3A_1058 = arith.constant 16 : i32
        %add3A_1059 = vector.broadcast %add3A_1058 : i32 to vector<16xi32>
        %add3A_1060 = arith.addi %add3A_1059, %iota3A_1057 : vector<16xi32>
        %gather3A_1061 = tpu.vector_load_idx %arg13[%add3A_1060, %broadcast_in_dim3A_1036] : memref<64x128xf32, #tpu.memory_space<vmem>>[vector<16xi32>, vector<16xi32>], vector<16xf32>,
        %gather3A_1062 = tpu.vector_load_idx %arg15[%broadcast_in_dim3A_1043, %add3A_1060] : memref<64x64xf32, #tpu.memory_space<vmem>>[vector<16xi32>, vector<16xi32>], vector<16xf32>,
        %select_n3A_1063 = arith.select %broadcast_in_dim3A_1028, %gather3A_1062, %gather3A_1061 : vector<16xi1>, vector<16xf32>
        tpu.vector_store_idx %arg16[%add3A_1049, %add3A_1060], %select_n3A_1063 : memref<256x64xf32, #tpu.memory_space<vmem>>[vector<16xi32>, vector<16xi32>], vector<16xf32>,
        %iota3A_1064 = tpu.iota {dimensions = array<i32: 0>} : vector<16xi32>
        %add3A_1065 = arith.constant 32 : i32
        %add3A_1066 = vector.broadcast %add3A_1065 : i32 to vector<16xi32>
        %add3A_1067 = arith.addi %add3A_1066, %iota3A_1064 : vector<16xi32>
        %gather3A_1068 = tpu.vector_load_idx %arg13[%add3A_1067, %broadcast_in_dim3A_1036] : memref<64x128xf32, #tpu.memory_space<vmem>>[vector<16xi32>, vector<16xi32>], vector<16xf32>,
        %gather3A_1069 = tpu.vector_load_idx %arg15[%broadcast_in_dim3A_1043, %add3A_1067] : memref<64x64xf32, #tpu.memory_space<vmem>>[vector<16xi32>, vector<16xi32>], vector<16xf32>,
        %select_n3A_1070 = arith.select %broadcast_in_dim3A_1028, %gather3A_1069, %gather3A_1068 : vector<16xi1>, vector<16xf32>
        tpu.vector_store_idx %arg16[%add3A_1049, %add3A_1067], %select_n3A_1070 : memref<256x64xf32, #tpu.memory_space<vmem>>[vector<16xi32>, vector<16xi32>], vector<16xf32>,
        %iota3A_1071 = tpu.iota {dimensions = array<i32: 0>} : vector<16xi32>
        %add3A_1072 = arith.constant 48 : i32
        %add3A_1073 = vector.broadcast %add3A_1072 : i32 to vector<16xi32>
        %add3A_1074 = arith.addi %add3A_1073, %iota3A_1071 : vector<16xi32>
        %gather3A_1075 = tpu.vector_load_idx %arg13[%add3A_1074, %broadcast_in_dim3A_1036] : memref<64x128xf32, #tpu.memory_space<vmem>>[vector<16xi32>, vector<16xi32>], vector<16xf32>,
        %gather3A_1076 = tpu.vector_load_idx %arg15[%broadcast_in_dim3A_1043, %add3A_1074] : memref<64x64xf32, #tpu.memory_space<vmem>>[vector<16xi32>, vector<16xi32>], vector<16xf32>,
        %select_n3A_1077 = arith.select %broadcast_in_dim3A_1028, %gather3A_1076, %gather3A_1075 : vector<16xi1>, vector<16xf32>
        tpu.vector_store_idx %arg16[%add3A_1049, %add3A_1074], %select_n3A_1077 : memref<256x64xf32, #tpu.memory_space<vmem>>[vector<16xi32>, vector<16xi32>], vector<16xf32>,
        %dma_wait3A_1078 = arith.constant 0 : i32
        %dma_wait3A_1079 = arith.constant 0 : i32
        %dma_wait3A_1080 = tpu.memref_slice %arg3[%dma_wait3A_1078, %dma_wait3A_1079] : memref<64x1000000xf32, #tpu.memory_space<hbm>> -> memref<64x128xf32, #tpu.memory_space<hbm>>
        %dma_wait3A_1081 = arith.constant 0 : i32
        %dma_wait3A_1082 = arith.constant 0 : i32
        %dma_wait3A_1083 = tpu.memref_slice %arg3[%dma_wait3A_1081, %dma_wait3A_1082] : memref<64x1000000xf32, #tpu.memory_space<hbm>> -> memref<64x128xf32, #tpu.memory_space<hbm>>
        tpu.wait_dma2 semaphore(%arg24 : memref<!tpu.dma_semaphore, #tpu.memory_space<semaphore_mem>>) src(%dma_wait3A_1083 : memref<64x128xf32, #tpu.memory_space<hbm>>) dst(%arg14 : memref<64x128xf32, #tpu.memory_space<vmem>>)
        %slice3A_1084 = vector.extract_strided_slice %get3A_40 {offsets = [15], sizes = [1], strides = [1]} : vector<16xi32> to vector<1xi32>
        %squeeze3A_1085 = vector.extract %slice3A_1084[0] : i32 from vector<1xi32>
        %ge3A_1086 = arith.constant 999936 : i32
        %ge3A_1087 = arith.cmpi sge, %squeeze3A_1085, %ge3A_1086 : i32
        %broadcast_in_dim3A_1088 = vector.broadcast %ge3A_1087 : i1 to vector<16xi1>
        %slice3A_1089 = vector.extract_strided_slice %min3A_44 {offsets = [15], sizes = [1], strides = [1]} : vector<16xi32> to vector<1xi32>
        %squeeze3A_1090 = vector.extract %slice3A_1089[0] : i32 from vector<1xi32>
        %mul3A_1091 = arith.constant 128 : i32
        %mul3A_1092 = arith.muli %squeeze3A_1090, %mul3A_1091 : i32
        %sub3A_1093 = arith.subi %squeeze3A_1085, %mul3A_1092 : i32
        %min3A_1094 = arith.constant 127 : i32
        %min3A_1095 = arith.minsi %sub3A_1093, %min3A_1094 : i32
        %broadcast_in_dim3A_1096 = vector.broadcast %min3A_1095 : i32 to vector<16xi32>
        %sub3A_1097 = arith.constant 999936 : i32
        %sub3A_1098 = arith.subi %squeeze3A_1085, %sub3A_1097 : i32
        %jit3A_1099 = arith.constant 0 : i32
        %jit3A_1100 = arith.constant 63 : i32
        %max3A_1101 = arith.maxsi %jit3A_1099, %sub3A_1098 : i32
        %min3A_1102 = arith.minsi %jit3A_1100, %max3A_1101 : i32
        %broadcast_in_dim3A_1103 = vector.broadcast %min3A_1102 : i32 to vector<16xi32>
        %add3A_1104 = arith.constant 15 : i32
        %add3A_1105 = arith.addi %mul3A_39, %add3A_1104 : i32
        %broadcast_in_dim3A_1106 = arith.constant 0 : i32
        %broadcast_in_dim3A_1107 = vector.broadcast %broadcast_in_dim3A_1106 : i32 to vector<16xi32>
        %add3A_1108 = vector.broadcast %add3A_1105 : i32 to vector<16xi32>
        %add3A_1109 = arith.addi %add3A_1108, %broadcast_in_dim3A_1107 : vector<16xi32>
        %iota3A_1110 = tpu.iota {dimensions = array<i32: 0>} : vector<16xi32>
        %add3A_1111 = arith.constant 0 : i32
        %add3A_1112 = vector.broadcast %add3A_1111 : i32 to vector<16xi32>
        %add3A_1113 = arith.addi %add3A_1112, %iota3A_1110 : vector<16xi32>
        %gather3A_1114 = tpu.vector_load_idx %arg14[%add3A_1113, %broadcast_in_dim3A_1096] : memref<64x128xf32, #tpu.memory_space<vmem>>[vector<16xi32>, vector<16xi32>], vector<16xf32>,
        %gather3A_1115 = tpu.vector_load_idx %arg15[%broadcast_in_dim3A_1103, %add3A_1113] : memref<64x64xf32, #tpu.memory_space<vmem>>[vector<16xi32>, vector<16xi32>], vector<16xf32>,
        %select_n3A_1116 = arith.select %broadcast_in_dim3A_1088, %gather3A_1115, %gather3A_1114 : vector<16xi1>, vector<16xf32>
        tpu.vector_store_idx %arg16[%add3A_1109, %add3A_1113], %select_n3A_1116 : memref<256x64xf32, #tpu.memory_space<vmem>>[vector<16xi32>, vector<16xi32>], vector<16xf32>,
        %iota3A_1117 = tpu.iota {dimensions = array<i32: 0>} : vector<16xi32>
        %add3A_1118 = arith.constant 16 : i32
        %add3A_1119 = vector.broadcast %add3A_1118 : i32 to vector<16xi32>
        %add3A_1120 = arith.addi %add3A_1119, %iota3A_1117 : vector<16xi32>
        %gather3A_1121 = tpu.vector_load_idx %arg14[%add3A_1120, %broadcast_in_dim3A_1096] : memref<64x128xf32, #tpu.memory_space<vmem>>[vector<16xi32>, vector<16xi32>], vector<16xf32>,
        %gather3A_1122 = tpu.vector_load_idx %arg15[%broadcast_in_dim3A_1103, %add3A_1120] : memref<64x64xf32, #tpu.memory_space<vmem>>[vector<16xi32>, vector<16xi32>], vector<16xf32>,
        %select_n3A_1123 = arith.select %broadcast_in_dim3A_1088, %gather3A_1122, %gather3A_1121 : vector<16xi1>, vector<16xf32>
        tpu.vector_store_idx %arg16[%add3A_1109, %add3A_1120], %select_n3A_1123 : memref<256x64xf32, #tpu.memory_space<vmem>>[vector<16xi32>, vector<16xi32>], vector<16xf32>,
        %iota3A_1124 = tpu.iota {dimensions = array<i32: 0>} : vector<16xi32>
        %add3A_1125 = arith.constant 32 : i32
        %add3A_1126 = vector.broadcast %add3A_1125 : i32 to vector<16xi32>
        %add3A_1127 = arith.addi %add3A_1126, %iota3A_1124 : vector<16xi32>
        %gather3A_1128 = tpu.vector_load_idx %arg14[%add3A_1127, %broadcast_in_dim3A_1096] : memref<64x128xf32, #tpu.memory_space<vmem>>[vector<16xi32>, vector<16xi32>], vector<16xf32>,
        %gather3A_1129 = tpu.vector_load_idx %arg15[%broadcast_in_dim3A_1103, %add3A_1127] : memref<64x64xf32, #tpu.memory_space<vmem>>[vector<16xi32>, vector<16xi32>], vector<16xf32>,
        %select_n3A_1130 = arith.select %broadcast_in_dim3A_1088, %gather3A_1129, %gather3A_1128 : vector<16xi1>, vector<16xf32>
        tpu.vector_store_idx %arg16[%add3A_1109, %add3A_1127], %select_n3A_1130 : memref<256x64xf32, #tpu.memory_space<vmem>>[vector<16xi32>, vector<16xi32>], vector<16xf32>,
        %iota3A_1131 = tpu.iota {dimensions = array<i32: 0>} : vector<16xi32>
        %add3A_1132 = arith.constant 48 : i32
        %add3A_1133 = vector.broadcast %add3A_1132 : i32 to vector<16xi32>
        %add3A_1134 = arith.addi %add3A_1133, %iota3A_1131 : vector<16xi32>
        %gather3A_1135 = tpu.vector_load_idx %arg14[%add3A_1134, %broadcast_in_dim3A_1096] : memref<64x128xf32, #tpu.memory_space<vmem>>[vector<16xi32>, vector<16xi32>], vector<16xf32>,
        %gather3A_1136 = tpu.vector_load_idx %arg15[%broadcast_in_dim3A_1103, %add3A_1134] : memref<64x64xf32, #tpu.memory_space<vmem>>[vector<16xi32>, vector<16xi32>], vector<16xf32>,
        %select_n3A_1137 = arith.select %broadcast_in_dim3A_1088, %gather3A_1136, %gather3A_1135 : vector<16xi1>, vector<16xf32>
        tpu.vector_store_idx %arg16[%add3A_1109, %add3A_1134], %select_n3A_1137 : memref<256x64xf32, #tpu.memory_space<vmem>>[vector<16xi32>, vector<16xi32>], vector<16xf32>,
      }
      %while3A_22 = arith.constant 1 : i32
      scf.for %while3A_26 = %while3A_20 to %while3A_16 step %while3A_22  : i32 {
        %mul3A_27 = arith.constant 16 : i32
        %mul3A_28 = arith.muli %while3A_26, %mul3A_27 : i32
        %jit3A = arith.constant 16 : i32
        %eq3A = arith.constant 0 : i32
        %eq3A_29 = arith.cmpi eq, %jit3A, %eq3A : i32
        %jit3A_30 = arith.constant 1 : i32
        %select_n3A = arith.select %eq3A_29, %jit3A_30, %jit3A : i32
        %rem3A = arith.remsi %while3A_26, %select_n3A : i32
        %ne3A = arith.constant 0 : i32
        %ne3A_31 = arith.cmpi ne, %rem3A, %ne3A : i32
        %lt3A = arith.constant 0 : i32
        %lt3A_32 = arith.cmpi slt, %rem3A, %lt3A : i32
        %lt3A_33 = arith.constant 0 : i32
        %lt3A_34 = arith.cmpi slt, %select_n3A, %lt3A_33 : i32
        %ne3A_35 = arith.xori %lt3A_32, %lt3A_34 : i1
        %and3A = arith.andi %ne3A_35, %ne3A_31 : i1
        %add3A_36 = arith.addi %rem3A, %select_n3A : i32
        %select_n3A_37 = arith.select %and3A, %add3A_36, %rem3A : i32
        %mul3A_38 = arith.constant 16 : i32
        %mul3A_39 = arith.muli %select_n3A_37, %mul3A_38 : i32
        %get3A = arith.index_cast %mul3A_28 : i32 to index
        %get3A_40 = tpu.vector_load %arg6[%get3A] {strides = array<i32>} : memref<512xi32, #tpu.memory_space<vmem>>, vector<16xi32>,
        %shift_right_logical3A = arith.constant 7 : i32
        %shift_right_logical3A_41 = vector.broadcast %shift_right_logical3A : i32 to vector<16xi32>
        %shift_right_logical3A_42 = arith.shrui %get3A_40, %shift_right_logical3A_41 : vector<16xi32>
        %min3A = arith.constant 7811 : i32
        %min3A_43 = vector.broadcast %min3A : i32 to vector<16xi32>
        %min3A_44 = arith.minsi %shift_right_logical3A_42, %min3A_43 : vector<16xi32>
        %slice3A = vector.extract_strided_slice %min3A_44 {offsets = [0], sizes = [1], strides = [1]} : vector<16xi32> to vector<1xi32>
        %squeeze3A = vector.extract %slice3A[0] : i32 from vector<1xi32>
        %mul3A_45 = arith.constant 128 : i32
        %mul3A_46 = arith.muli %squeeze3A, %mul3A_45 : i32
        %multiple_of3A = tpu.assume_multiple %mul3A_46, 128 : i32
        %dma_start3A = arith.constant 0 : i32
        %dma_start3A_47 = tpu.memref_slice %arg3[%dma_start3A, %multiple_of3A] : memref<64x1000000xf32, #tpu.memory_space<hbm>> -> memref<64x128xf32, #tpu.memory_space<hbm>>
        %dma_start3A_48 = arith.constant 0 : i32
        %dma_start3A_49 = tpu.memref_slice %arg3[%dma_start3A_48, %multiple_of3A] : memref<64x1000000xf32, #tpu.memory_space<hbm>> -> memref<64x128xf32, #tpu.memory_space<hbm>>
        tpu.enqueue_dma source(%dma_start3A_49 : memref<64x128xf32, #tpu.memory_space<hbm>>) target(%arg7 : memref<64x128xf32, #tpu.memory_space<vmem>>) target_semaphore(%arg17 : memref<!tpu.dma_semaphore, #tpu.memory_space<semaphore_mem>>)
        %slice3A_50 = vector.extract_strided_slice %min3A_44 {offsets = [1], sizes = [1], strides = [1]} : vector<16xi32> to vector<1xi32>
        %squeeze3A_51 = vector.extract %slice3A_50[0] : i32 from vector<1xi32>
        %mul3A_52 = arith.constant 128 : i32
        %mul3A_53 = arith.muli %squeeze3A_51, %mul3A_52 : i32
        %multiple_of3A_54 = tpu.assume_multiple %mul3A_53, 128 : i32
        %dma_start3A_55 = arith.constant 0 : i32
        %dma_start3A_56 = tpu.memref_slice %arg3[%dma_start3A_55, %multiple_of3A_54] : memref<64x1000000xf32, #tpu.memory_space<hbm>> -> memref<64x128xf32, #tpu.memory_space<hbm>>
        %dma_start3A_57 = arith.constant 0 : i32
        %dma_start3A_58 = tpu.memref_slice %arg3[%dma_start3A_57, %multiple_of3A_54] : memref<64x1000000xf32, #tpu.memory_space<hbm>> -> memref<64x128xf32, #tpu.memory_space<hbm>>
        tpu.enqueue_dma source(%dma_start3A_58 : memref<64x128xf32, #tpu.memory_space<hbm>>) target(%arg8 : memref<64x128xf32, #tpu.memory_space<vmem>>) target_semaphore(%arg18 : memref<!tpu.dma_semaphore, #tpu.memory_space<semaphore_mem>>)
        %slice3A_59 = vector.extract_strided_slice %min3A_44 {offsets = [2], sizes = [1], strides = [1]} : vector<16xi32> to vector<1xi32>
        %squeeze3A_60 = vector.extract %slice3A_59[0] : i32 from vector<1xi32>
        %mul3A_61 = arith.constant 128 : i32
        %mul3A_62 = arith.muli %squeeze3A_60, %mul3A_61 : i32
        %multiple_of3A_63 = tpu.assume_multiple %mul3A_62, 128 : i32
        %dma_start3A_64 = arith.constant 0 : i32
        %dma_start3A_65 = tpu.memref_slice %arg3[%dma_start3A_64, %multiple_of3A_63] : memref<64x1000000xf32, #tpu.memory_space<hbm>> -> memref<64x128xf32, #tpu.memory_space<hbm>>
        %dma_start3A_66 = arith.constant 0 : i32
        %dma_start3A_67 = tpu.memref_slice %arg3[%dma_start3A_66, %multiple_of3A_63] : memref<64x1000000xf32, #tpu.memory_space<hbm>> -> memref<64x128xf32, #tpu.memory_space<hbm>>
        tpu.enqueue_dma source(%dma_start3A_67 : memref<64x128xf32, #tpu.memory_space<hbm>>) target(%arg9 : memref<64x128xf32, #tpu.memory_space<vmem>>) target_semaphore(%arg19 : memref<!tpu.dma_semaphore, #tpu.memory_space<semaphore_mem>>)
        %slice3A_68 = vector.extract_strided_slice %min3A_44 {offsets = [3], sizes = [1], strides = [1]} : vector<16xi32> to vector<1xi32>
        %squeeze3A_69 = vector.extract %slice3A_68[0] : i32 from vector<1xi32>
        %mul3A_70 = arith.constant 128 : i32
        %mul3A_71 = arith.muli %squeeze3A_69, %mul3A_70 : i32
        %multiple_of3A_72 = tpu.assume_multiple %mul3A_71, 128 : i32
        %dma_start3A_73 = arith.constant 0 : i32
        %dma_start3A_74 = tpu.memref_slice %arg3[%dma_start3A_73, %multiple_of3A_72] : memref<64x1000000xf32, #tpu.memory_space<hbm>> -> memref<64x128xf32, #tpu.memory_space<hbm>>
        %dma_start3A_75 = arith.constant 0 : i32
        %dma_start3A_76 = tpu.memref_slice %arg3[%dma_start3A_75, %multiple_of3A_72] : memref<64x1000000xf32, #tpu.memory_space<hbm>> -> memref<64x128xf32, #tpu.memory_space<hbm>>
        tpu.enqueue_dma source(%dma_start3A_76 : memref<64x128xf32, #tpu.memory_space<hbm>>) target(%arg10 : memref<64x128xf32, #tpu.memory_space<vmem>>) target_semaphore(%arg20 : memref<!tpu.dma_semaphore, #tpu.memory_space<semaphore_mem>>)
        %slice3A_77 = vector.extract_strided_slice %min3A_44 {offsets = [4], sizes = [1], strides = [1]} : vector<16xi32> to vector<1xi32>
        %squeeze3A_78 = vector.extract %slice3A_77[0] : i32 from vector<1xi32>
        %mul3A_79 = arith.constant 128 : i32
        %mul3A_80 = arith.muli %squeeze3A_78, %mul3A_79 : i32
        %multiple_of3A_81 = tpu.assume_multiple %mul3A_80, 128 : i32
        %dma_start3A_82 = arith.constant 0 : i32
        %dma_start3A_83 = tpu.memref_slice %arg3[%dma_start3A_82, %multiple_of3A_81] : memref<64x1000000xf32, #tpu.memory_space<hbm>> -> memref<64x128xf32, #tpu.memory_space<hbm>>
        %dma_start3A_84 = arith.constant 0 : i32
        %dma_start3A_85 = tpu.memref_slice %arg3[%dma_start3A_84, %multiple_of3A_81] : memref<64x1000000xf32, #tpu.memory_space<hbm>> -> memref<64x128xf32, #tpu.memory_space<hbm>>
        tpu.enqueue_dma source(%dma_start3A_85 : memref<64x128xf32, #tpu.memory_space<hbm>>) target(%arg11 : memref<64x128xf32, #tpu.memory_space<vmem>>) target_semaphore(%arg21 : memref<!tpu.dma_semaphore, #tpu.memory_space<semaphore_mem>>)
        %slice3A_86 = vector.extract_strided_slice %min3A_44 {offsets = [5], sizes = [1], strides = [1]} : vector<16xi32> to vector<1xi32>
        %squeeze3A_87 = vector.extract %slice3A_86[0] : i32 from vector<1xi32>
        %mul3A_88 = arith.constant 128 : i32
        %mul3A_89 = arith.muli %squeeze3A_87, %mul3A_88 : i32
        %multiple_of3A_90 = tpu.assume_multiple %mul3A_89, 128 : i32
        %dma_start3A_91 = arith.constant 0 : i32
        %dma_start3A_92 = tpu.memref_slice %arg3[%dma_start3A_91, %multiple_of3A_90] : memref<64x1000000xf32, #tpu.memory_space<hbm>> -> memref<64x128xf32, #tpu.memory_space<hbm>>
        %dma_start3A_93 = arith.constant 0 : i32
        %dma_start3A_94 = tpu.memref_slice %arg3[%dma_start3A_93, %multiple_of3A_90] : memref<64x1000000xf32, #tpu.memory_space<hbm>> -> memref<64x128xf32, #tpu.memory_space<hbm>>
        tpu.enqueue_dma source(%dma_start3A_94 : memref<64x128xf32, #tpu.memory_space<hbm>>) target(%arg12 : memref<64x128xf32, #tpu.memory_space<vmem>>) target_semaphore(%arg22 : memref<!tpu.dma_semaphore, #tpu.memory_space<semaphore_mem>>)
        %slice3A_95 = vector.extract_strided_slice %min3A_44 {offsets = [6], sizes = [1], strides = [1]} : vector<16xi32> to vector<1xi32>
        %squeeze3A_96 = vector.extract %slice3A_95[0] : i32 from vector<1xi32>
        %mul3A_97 = arith.constant 128 : i32
        %mul3A_98 = arith.muli %squeeze3A_96, %mul3A_97 : i32
        %multiple_of3A_99 = tpu.assume_multiple %mul3A_98, 128 : i32
        %dma_start3A_100 = arith.constant 0 : i32
        %dma_start3A_101 = tpu.memref_slice %arg3[%dma_start3A_100, %multiple_of3A_99] : memref<64x1000000xf32, #tpu.memory_space<hbm>> -> memref<64x128xf32, #tpu.memory_space<hbm>>
        %dma_start3A_102 = arith.constant 0 : i32
        %dma_start3A_103 = tpu.memref_slice %arg3[%dma_start3A_102, %multiple_of3A_99] : memref<64x1000000xf32, #tpu.memory_space<hbm>> -> memref<64x128xf32, #tpu.memory_space<hbm>>
        tpu.enqueue_dma source(%dma_start3A_103 : memref<64x128xf32, #tpu.memory_space<hbm>>) target(%arg13 : memref<64x128xf32, #tpu.memory_space<vmem>>) target_semaphore(%arg23 : memref<!tpu.dma_semaphore, #tpu.memory_space<semaphore_mem>>)
        %slice3A_104 = vector.extract_strided_slice %min3A_44 {offsets = [7], sizes = [1], strides = [1]} : vector<16xi32> to vector<1xi32>
        %squeeze3A_105 = vector.extract %slice3A_104[0] : i32 from vector<1xi32>
        %mul3A_106 = arith.constant 128 : i32
        %mul3A_107 = arith.muli %squeeze3A_105, %mul3A_106 : i32
        %multiple_of3A_108 = tpu.assume_multiple %mul3A_107, 128 : i32
        %dma_start3A_109 = arith.constant 0 : i32
        %dma_start3A_110 = tpu.memref_slice %arg3[%dma_start3A_109, %multiple_of3A_108] : memref<64x1000000xf32, #tpu.memory_space<hbm>> -> memref<64x128xf32, #tpu.memory_space<hbm>>
        %dma_start3A_111 = arith.constant 0 : i32
        %dma_start3A_112 = tpu.memref_slice %arg3[%dma_start3A_111, %multiple_of3A_108] : memref<64x1000000xf32, #tpu.memory_space<hbm>> -> memref<64x128xf32, #tpu.memory_space<hbm>>
        tpu.enqueue_dma source(%dma_start3A_112 : memref<64x128xf32, #tpu.memory_space<hbm>>) target(%arg14 : memref<64x128xf32, #tpu.memory_space<vmem>>) target_semaphore(%arg24 : memref<!tpu.dma_semaphore, #tpu.memory_space<semaphore_mem>>)
        %dma_wait3A = arith.constant 0 : i32
        %dma_wait3A_113 = arith.constant 0 : i32
        %dma_wait3A_114 = tpu.memref_slice %arg3[%dma_wait3A, %dma_wait3A_113] : memref<64x1000000xf32, #tpu.memory_space<hbm>> -> memref<64x128xf32, #tpu.memory_space<hbm>>
        %dma_wait3A_115 = arith.constant 0 : i32
        %dma_wait3A_116 = arith.constant 0 : i32
        %dma_wait3A_117 = tpu.memref_slice %arg3[%dma_wait3A_115, %dma_wait3A_116] : memref<64x1000000xf32, #tpu.memory_space<hbm>> -> memref<64x128xf32, #tpu.memory_space<hbm>>
        tpu.wait_dma2 semaphore(%arg17 : memref<!tpu.dma_semaphore, #tpu.memory_space<semaphore_mem>>) src(%dma_wait3A_117 : memref<64x128xf32, #tpu.memory_space<hbm>>) dst(%arg7 : memref<64x128xf32, #tpu.memory_space<vmem>>)
        %slice3A_118 = vector.extract_strided_slice %get3A_40 {offsets = [0], sizes = [1], strides = [1]} : vector<16xi32> to vector<1xi32>
        %squeeze3A_119 = vector.extract %slice3A_118[0] : i32 from vector<1xi32>
        %ge3A = arith.constant 999936 : i32
        %ge3A_120 = arith.cmpi sge, %squeeze3A_119, %ge3A : i32
        %broadcast_in_dim3A = vector.broadcast %ge3A_120 : i1 to vector<16xi1>
        %slice3A_121 = vector.extract_strided_slice %min3A_44 {offsets = [0], sizes = [1], strides = [1]} : vector<16xi32> to vector<1xi32>
        %squeeze3A_122 = vector.extract %slice3A_121[0] : i32 from vector<1xi32>
        %mul3A_123 = arith.constant 128 : i32
        %mul3A_124 = arith.muli %squeeze3A_122, %mul3A_123 : i32
        %sub3A = arith.subi %squeeze3A_119, %mul3A_124 : i32
        %min3A_125 = arith.constant 127 : i32
        %min3A_126 = arith.minsi %sub3A, %min3A_125 : i32
        %broadcast_in_dim3A_127 = vector.broadcast %min3A_126 : i32 to vector<16xi32>
        %sub3A_128 = arith.constant 999936 : i32
        %sub3A_129 = arith.subi %squeeze3A_119, %sub3A_128 : i32
        %jit3A_130 = arith.constant 0 : i32
        %jit3A_131 = arith.constant 63 : i32
        %max3A = arith.maxsi %jit3A_130, %sub3A_129 : i32
        %min3A_132 = arith.minsi %jit3A_131, %max3A : i32
        %broadcast_in_dim3A_133 = vector.broadcast %min3A_132 : i32 to vector<16xi32>
        %add3A_134 = arith.constant 0 : i32
        %add3A_135 = arith.addi %mul3A_39, %add3A_134 : i32
        %broadcast_in_dim3A_136 = arith.constant 0 : i32
        %broadcast_in_dim3A_137 = vector.broadcast %broadcast_in_dim3A_136 : i32 to vector<16xi32>
        %add3A_138 = vector.broadcast %add3A_135 : i32 to vector<16xi32>
        %add3A_139 = arith.addi %add3A_138, %broadcast_in_dim3A_137 : vector<16xi32>
        %iota3A = tpu.iota {dimensions = array<i32: 0>} : vector<16xi32>
        %add3A_140 = arith.constant 0 : i32
        %add3A_141 = vector.broadcast %add3A_140 : i32 to vector<16xi32>
        %add3A_142 = arith.addi %add3A_141, %iota3A : vector<16xi32>
        %gather3A = tpu.vector_load_idx %arg7[%add3A_142, %broadcast_in_dim3A_127] : memref<64x128xf32, #tpu.memory_space<vmem>>[vector<16xi32>, vector<16xi32>], vector<16xf32>,
        %gather3A_143 = tpu.vector_load_idx %arg15[%broadcast_in_dim3A_133, %add3A_142] : memref<64x64xf32, #tpu.memory_space<vmem>>[vector<16xi32>, vector<16xi32>], vector<16xf32>,
        %select_n3A_144 = arith.select %broadcast_in_dim3A, %gather3A_143, %gather3A : vector<16xi1>, vector<16xf32>
        tpu.vector_store_idx %arg16[%add3A_139, %add3A_142], %select_n3A_144 : memref<256x64xf32, #tpu.memory_space<vmem>>[vector<16xi32>, vector<16xi32>], vector<16xf32>,
        %iota3A_145 = tpu.iota {dimensions = array<i32: 0>} : vector<16xi32>
        %add3A_146 = arith.constant 16 : i32
        %add3A_147 = vector.broadcast %add3A_146 : i32 to vector<16xi32>
        %add3A_148 = arith.addi %add3A_147, %iota3A_145 : vector<16xi32>
        %gather3A_149 = tpu.vector_load_idx %arg7[%add3A_148, %broadcast_in_dim3A_127] : memref<64x128xf32, #tpu.memory_space<vmem>>[vector<16xi32>, vector<16xi32>], vector<16xf32>,
        %gather3A_150 = tpu.vector_load_idx %arg15[%broadcast_in_dim3A_133, %add3A_148] : memref<64x64xf32, #tpu.memory_space<vmem>>[vector<16xi32>, vector<16xi32>], vector<16xf32>,
        %select_n3A_151 = arith.select %broadcast_in_dim3A, %gather3A_150, %gather3A_149 : vector<16xi1>, vector<16xf32>
        tpu.vector_store_idx %arg16[%add3A_139, %add3A_148], %select_n3A_151 : memref<256x64xf32, #tpu.memory_space<vmem>>[vector<16xi32>, vector<16xi32>], vector<16xf32>,
        %iota3A_152 = tpu.iota {dimensions = array<i32: 0>} : vector<16xi32>
        %add3A_153 = arith.constant 32 : i32
        %add3A_154 = vector.broadcast %add3A_153 : i32 to vector<16xi32>
        %add3A_155 = arith.addi %add3A_154, %iota3A_152 : vector<16xi32>
        %gather3A_156 = tpu.vector_load_idx %arg7[%add3A_155, %broadcast_in_dim3A_127] : memref<64x128xf32, #tpu.memory_space<vmem>>[vector<16xi32>, vector<16xi32>], vector<16xf32>,
        %gather3A_157 = tpu.vector_load_idx %arg15[%broadcast_in_dim3A_133, %add3A_155] : memref<64x64xf32, #tpu.memory_space<vmem>>[vector<16xi32>, vector<16xi32>], vector<16xf32>,
        %select_n3A_158 = arith.select %broadcast_in_dim3A, %gather3A_157, %gather3A_156 : vector<16xi1>, vector<16xf32>
        tpu.vector_store_idx %arg16[%add3A_139, %add3A_155], %select_n3A_158 : memref<256x64xf32, #tpu.memory_space<vmem>>[vector<16xi32>, vector<16xi32>], vector<16xf32>,
        %iota3A_159 = tpu.iota {dimensions = array<i32: 0>} : vector<16xi32>
        %add3A_160 = arith.constant 48 : i32
        %add3A_161 = vector.broadcast %add3A_160 : i32 to vector<16xi32>
        %add3A_162 = arith.addi %add3A_161, %iota3A_159 : vector<16xi32>
        %gather3A_163 = tpu.vector_load_idx %arg7[%add3A_162, %broadcast_in_dim3A_127] : memref<64x128xf32, #tpu.memory_space<vmem>>[vector<16xi32>, vector<16xi32>], vector<16xf32>,
        %gather3A_164 = tpu.vector_load_idx %arg15[%broadcast_in_dim3A_133, %add3A_162] : memref<64x64xf32, #tpu.memory_space<vmem>>[vector<16xi32>, vector<16xi32>], vector<16xf32>,
        %select_n3A_165 = arith.select %broadcast_in_dim3A, %gather3A_164, %gather3A_163 : vector<16xi1>, vector<16xf32>
        tpu.vector_store_idx %arg16[%add3A_139, %add3A_162], %select_n3A_165 : memref<256x64xf32, #tpu.memory_space<vmem>>[vector<16xi32>, vector<16xi32>], vector<16xf32>,
        %slice3A_166 = vector.extract_strided_slice %min3A_44 {offsets = [8], sizes = [1], strides = [1]} : vector<16xi32> to vector<1xi32>
        %squeeze3A_167 = vector.extract %slice3A_166[0] : i32 from vector<1xi32>
        %mul3A_168 = arith.constant 128 : i32
        %mul3A_169 = arith.muli %squeeze3A_167, %mul3A_168 : i32
        %multiple_of3A_170 = tpu.assume_multiple %mul3A_169, 128 : i32
        %dma_start3A_171 = arith.constant 0 : i32
        %dma_start3A_172 = tpu.memref_slice %arg3[%dma_start3A_171, %multiple_of3A_170] : memref<64x1000000xf32, #tpu.memory_space<hbm>> -> memref<64x128xf32, #tpu.memory_space<hbm>>
        %dma_start3A_173 = arith.constant 0 : i32
        %dma_start3A_174 = tpu.memref_slice %arg3[%dma_start3A_173, %multiple_of3A_170] : memref<64x1000000xf32, #tpu.memory_space<hbm>> -> memref<64x128xf32, #tpu.memory_space<hbm>>
        tpu.enqueue_dma source(%dma_start3A_174 : memref<64x128xf32, #tpu.memory_space<hbm>>) target(%arg7 : memref<64x128xf32, #tpu.memory_space<vmem>>) target_semaphore(%arg17 : memref<!tpu.dma_semaphore, #tpu.memory_space<semaphore_mem>>)
        %dma_wait3A_175 = arith.constant 0 : i32
        %dma_wait3A_176 = arith.constant 0 : i32
        %dma_wait3A_177 = tpu.memref_slice %arg3[%dma_wait3A_175, %dma_wait3A_176] : memref<64x1000000xf32, #tpu.memory_space<hbm>> -> memref<64x128xf32, #tpu.memory_space<hbm>>
        %dma_wait3A_178 = arith.constant 0 : i32
        %dma_wait3A_179 = arith.constant 0 : i32
        %dma_wait3A_180 = tpu.memref_slice %arg3[%dma_wait3A_178, %dma_wait3A_179] : memref<64x1000000xf32, #tpu.memory_space<hbm>> -> memref<64x128xf32, #tpu.memory_space<hbm>>
        tpu.wait_dma2 semaphore(%arg18 : memref<!tpu.dma_semaphore, #tpu.memory_space<semaphore_mem>>) src(%dma_wait3A_180 : memref<64x128xf32, #tpu.memory_space<hbm>>) dst(%arg8 : memref<64x128xf32, #tpu.memory_space<vmem>>)
        %slice3A_181 = vector.extract_strided_slice %get3A_40 {offsets = [1], sizes = [1], strides = [1]} : vector<16xi32> to vector<1xi32>
        %squeeze3A_182 = vector.extract %slice3A_181[0] : i32 from vector<1xi32>
        %ge3A_183 = arith.constant 999936 : i32
        %ge3A_184 = arith.cmpi sge, %squeeze3A_182, %ge3A_183 : i32
        %broadcast_in_dim3A_185 = vector.broadcast %ge3A_184 : i1 to vector<16xi1>
        %slice3A_186 = vector.extract_strided_slice %min3A_44 {offsets = [1], sizes = [1], strides = [1]} : vector<16xi32> to vector<1xi32>
        %squeeze3A_187 = vector.extract %slice3A_186[0] : i32 from vector<1xi32>
        %mul3A_188 = arith.constant 128 : i32
        %mul3A_189 = arith.muli %squeeze3A_187, %mul3A_188 : i32
        %sub3A_190 = arith.subi %squeeze3A_182, %mul3A_189 : i32
        %min3A_191 = arith.constant 127 : i32
        %min3A_192 = arith.minsi %sub3A_190, %min3A_191 : i32
        %broadcast_in_dim3A_193 = vector.broadcast %min3A_192 : i32 to vector<16xi32>
        %sub3A_194 = arith.constant 999936 : i32
        %sub3A_195 = arith.subi %squeeze3A_182, %sub3A_194 : i32
        %jit3A_196 = arith.constant 0 : i32
        %jit3A_197 = arith.constant 63 : i32
        %max3A_198 = arith.maxsi %jit3A_196, %sub3A_195 : i32
        %min3A_199 = arith.minsi %jit3A_197, %max3A_198 : i32
        %broadcast_in_dim3A_200 = vector.broadcast %min3A_199 : i32 to vector<16xi32>
        %add3A_201 = arith.constant 1 : i32
        %add3A_202 = arith.addi %mul3A_39, %add3A_201 : i32
        %broadcast_in_dim3A_203 = arith.constant 0 : i32
        %broadcast_in_dim3A_204 = vector.broadcast %broadcast_in_dim3A_203 : i32 to vector<16xi32>
        %add3A_205 = vector.broadcast %add3A_202 : i32 to vector<16xi32>
        %add3A_206 = arith.addi %add3A_205, %broadcast_in_dim3A_204 : vector<16xi32>
        %iota3A_207 = tpu.iota {dimensions = array<i32: 0>} : vector<16xi32>
        %add3A_208 = arith.constant 0 : i32
        %add3A_209 = vector.broadcast %add3A_208 : i32 to vector<16xi32>
        %add3A_210 = arith.addi %add3A_209, %iota3A_207 : vector<16xi32>
        %gather3A_211 = tpu.vector_load_idx %arg8[%add3A_210, %broadcast_in_dim3A_193] : memref<64x128xf32, #tpu.memory_space<vmem>>[vector<16xi32>, vector<16xi32>], vector<16xf32>,
        %gather3A_212 = tpu.vector_load_idx %arg15[%broadcast_in_dim3A_200, %add3A_210] : memref<64x64xf32, #tpu.memory_space<vmem>>[vector<16xi32>, vector<16xi32>], vector<16xf32>,
        %select_n3A_213 = arith.select %broadcast_in_dim3A_185, %gather3A_212, %gather3A_211 : vector<16xi1>, vector<16xf32>
        tpu.vector_store_idx %arg16[%add3A_206, %add3A_210], %select_n3A_213 : memref<256x64xf32, #tpu.memory_space<vmem>>[vector<16xi32>, vector<16xi32>], vector<16xf32>,
        %iota3A_214 = tpu.iota {dimensions = array<i32: 0>} : vector<16xi32>
        %add3A_215 = arith.constant 16 : i32
        %add3A_216 = vector.broadcast %add3A_215 : i32 to vector<16xi32>
        %add3A_217 = arith.addi %add3A_216, %iota3A_214 : vector<16xi32>
        %gather3A_218 = tpu.vector_load_idx %arg8[%add3A_217, %broadcast_in_dim3A_193] : memref<64x128xf32, #tpu.memory_space<vmem>>[vector<16xi32>, vector<16xi32>], vector<16xf32>,
        %gather3A_219 = tpu.vector_load_idx %arg15[%broadcast_in_dim3A_200, %add3A_217] : memref<64x64xf32, #tpu.memory_space<vmem>>[vector<16xi32>, vector<16xi32>], vector<16xf32>,
        %select_n3A_220 = arith.select %broadcast_in_dim3A_185, %gather3A_219, %gather3A_218 : vector<16xi1>, vector<16xf32>
        tpu.vector_store_idx %arg16[%add3A_206, %add3A_217], %select_n3A_220 : memref<256x64xf32, #tpu.memory_space<vmem>>[vector<16xi32>, vector<16xi32>], vector<16xf32>,
        %iota3A_221 = tpu.iota {dimensions = array<i32: 0>} : vector<16xi32>
        %add3A_222 = arith.constant 32 : i32
        %add3A_223 = vector.broadcast %add3A_222 : i32 to vector<16xi32>
        %add3A_224 = arith.addi %add3A_223, %iota3A_221 : vector<16xi32>
        %gather3A_225 = tpu.vector_load_idx %arg8[%add3A_224, %broadcast_in_dim3A_193] : memref<64x128xf32, #tpu.memory_space<vmem>>[vector<16xi32>, vector<16xi32>], vector<16xf32>,
        %gather3A_226 = tpu.vector_load_idx %arg15[%broadcast_in_dim3A_200, %add3A_224] : memref<64x64xf32, #tpu.memory_space<vmem>>[vector<16xi32>, vector<16xi32>], vector<16xf32>,
        %select_n3A_227 = arith.select %broadcast_in_dim3A_185, %gather3A_226, %gather3A_225 : vector<16xi1>, vector<16xf32>
        tpu.vector_store_idx %arg16[%add3A_206, %add3A_224], %select_n3A_227 : memref<256x64xf32, #tpu.memory_space<vmem>>[vector<16xi32>, vector<16xi32>], vector<16xf32>,
        %iota3A_228 = tpu.iota {dimensions = array<i32: 0>} : vector<16xi32>
        %add3A_229 = arith.constant 48 : i32
        %add3A_230 = vector.broadcast %add3A_229 : i32 to vector<16xi32>
        %add3A_231 = arith.addi %add3A_230, %iota3A_228 : vector<16xi32>
        %gather3A_232 = tpu.vector_load_idx %arg8[%add3A_231, %broadcast_in_dim3A_193] : memref<64x128xf32, #tpu.memory_space<vmem>>[vector<16xi32>, vector<16xi32>], vector<16xf32>,
        %gather3A_233 = tpu.vector_load_idx %arg15[%broadcast_in_dim3A_200, %add3A_231] : memref<64x64xf32, #tpu.memory_space<vmem>>[vector<16xi32>, vector<16xi32>], vector<16xf32>,
        %select_n3A_234 = arith.select %broadcast_in_dim3A_185, %gather3A_233, %gather3A_232 : vector<16xi1>, vector<16xf32>
        tpu.vector_store_idx %arg16[%add3A_206, %add3A_231], %select_n3A_234 : memref<256x64xf32, #tpu.memory_space<vmem>>[vector<16xi32>, vector<16xi32>], vector<16xf32>,
        %slice3A_235 = vector.extract_strided_slice %min3A_44 {offsets = [9], sizes = [1], strides = [1]} : vector<16xi32> to vector<1xi32>
        %squeeze3A_236 = vector.extract %slice3A_235[0] : i32 from vector<1xi32>
        %mul3A_237 = arith.constant 128 : i32
        %mul3A_238 = arith.muli %squeeze3A_236, %mul3A_237 : i32
        %multiple_of3A_239 = tpu.assume_multiple %mul3A_238, 128 : i32
        %dma_start3A_240 = arith.constant 0 : i32
        %dma_start3A_241 = tpu.memref_slice %arg3[%dma_start3A_240, %multiple_of3A_239] : memref<64x1000000xf32, #tpu.memory_space<hbm>> -> memref<64x128xf32, #tpu.memory_space<hbm>>
        %dma_start3A_242 = arith.constant 0 : i32
        %dma_start3A_243 = tpu.memref_slice %arg3[%dma_start3A_242, %multiple_of3A_239] : memref<64x1000000xf32, #tpu.memory_space<hbm>> -> memref<64x128xf32, #tpu.memory_space<hbm>>
        tpu.enqueue_dma source(%dma_start3A_243 : memref<64x128xf32, #tpu.memory_space<hbm>>) target(%arg8 : memref<64x128xf32, #tpu.memory_space<vmem>>) target_semaphore(%arg18 : memref<!tpu.dma_semaphore, #tpu.memory_space<semaphore_mem>>)
        %dma_wait3A_244 = arith.constant 0 : i32
        %dma_wait3A_245 = arith.constant 0 : i32
        %dma_wait3A_246 = tpu.memref_slice %arg3[%dma_wait3A_244, %dma_wait3A_245] : memref<64x1000000xf32, #tpu.memory_space<hbm>> -> memref<64x128xf32, #tpu.memory_space<hbm>>
        %dma_wait3A_247 = arith.constant 0 : i32
        %dma_wait3A_248 = arith.constant 0 : i32
        %dma_wait3A_249 = tpu.memref_slice %arg3[%dma_wait3A_247, %dma_wait3A_248] : memref<64x1000000xf32, #tpu.memory_space<hbm>> -> memref<64x128xf32, #tpu.memory_space<hbm>>
        tpu.wait_dma2 semaphore(%arg19 : memref<!tpu.dma_semaphore, #tpu.memory_space<semaphore_mem>>) src(%dma_wait3A_249 : memref<64x128xf32, #tpu.memory_space<hbm>>) dst(%arg9 : memref<64x128xf32, #tpu.memory_space<vmem>>)
        %slice3A_250 = vector.extract_strided_slice %get3A_40 {offsets = [2], sizes = [1], strides = [1]} : vector<16xi32> to vector<1xi32>
        %squeeze3A_251 = vector.extract %slice3A_250[0] : i32 from vector<1xi32>
        %ge3A_252 = arith.constant 999936 : i32
        %ge3A_253 = arith.cmpi sge, %squeeze3A_251, %ge3A_252 : i32
        %broadcast_in_dim3A_254 = vector.broadcast %ge3A_253 : i1 to vector<16xi1>
        %slice3A_255 = vector.extract_strided_slice %min3A_44 {offsets = [2], sizes = [1], strides = [1]} : vector<16xi32> to vector<1xi32>
        %squeeze3A_256 = vector.extract %slice3A_255[0] : i32 from vector<1xi32>
        %mul3A_257 = arith.constant 128 : i32
        %mul3A_258 = arith.muli %squeeze3A_256, %mul3A_257 : i32
        %sub3A_259 = arith.subi %squeeze3A_251, %mul3A_258 : i32
        %min3A_260 = arith.constant 127 : i32
        %min3A_261 = arith.minsi %sub3A_259, %min3A_260 : i32
        %broadcast_in_dim3A_262 = vector.broadcast %min3A_261 : i32 to vector<16xi32>
        %sub3A_263 = arith.constant 999936 : i32
        %sub3A_264 = arith.subi %squeeze3A_251, %sub3A_263 : i32
        %jit3A_265 = arith.constant 0 : i32
        %jit3A_266 = arith.constant 63 : i32
        %max3A_267 = arith.maxsi %jit3A_265, %sub3A_264 : i32
        %min3A_268 = arith.minsi %jit3A_266, %max3A_267 : i32
        %broadcast_in_dim3A_269 = vector.broadcast %min3A_268 : i32 to vector<16xi32>
        %add3A_270 = arith.constant 2 : i32
        %add3A_271 = arith.addi %mul3A_39, %add3A_270 : i32
        %broadcast_in_dim3A_272 = arith.constant 0 : i32
        %broadcast_in_dim3A_273 = vector.broadcast %broadcast_in_dim3A_272 : i32 to vector<16xi32>
        %add3A_274 = vector.broadcast %add3A_271 : i32 to vector<16xi32>
        %add3A_275 = arith.addi %add3A_274, %broadcast_in_dim3A_273 : vector<16xi32>
        %iota3A_276 = tpu.iota {dimensions = array<i32: 0>} : vector<16xi32>
        %add3A_277 = arith.constant 0 : i32
        %add3A_278 = vector.broadcast %add3A_277 : i32 to vector<16xi32>
        %add3A_279 = arith.addi %add3A_278, %iota3A_276 : vector<16xi32>
        %gather3A_280 = tpu.vector_load_idx %arg9[%add3A_279, %broadcast_in_dim3A_262] : memref<64x128xf32, #tpu.memory_space<vmem>>[vector<16xi32>, vector<16xi32>], vector<16xf32>,
        %gather3A_281 = tpu.vector_load_idx %arg15[%broadcast_in_dim3A_269, %add3A_279] : memref<64x64xf32, #tpu.memory_space<vmem>>[vector<16xi32>, vector<16xi32>], vector<16xf32>,
        %select_n3A_282 = arith.select %broadcast_in_dim3A_254, %gather3A_281, %gather3A_280 : vector<16xi1>, vector<16xf32>
        tpu.vector_store_idx %arg16[%add3A_275, %add3A_279], %select_n3A_282 : memref<256x64xf32, #tpu.memory_space<vmem>>[vector<16xi32>, vector<16xi32>], vector<16xf32>,
        %iota3A_283 = tpu.iota {dimensions = array<i32: 0>} : vector<16xi32>
        %add3A_284 = arith.constant 16 : i32
        %add3A_285 = vector.broadcast %add3A_284 : i32 to vector<16xi32>
        %add3A_286 = arith.addi %add3A_285, %iota3A_283 : vector<16xi32>
        %gather3A_287 = tpu.vector_load_idx %arg9[%add3A_286, %broadcast_in_dim3A_262] : memref<64x128xf32, #tpu.memory_space<vmem>>[vector<16xi32>, vector<16xi32>], vector<16xf32>,
        %gather3A_288 = tpu.vector_load_idx %arg15[%broadcast_in_dim3A_269, %add3A_286] : memref<64x64xf32, #tpu.memory_space<vmem>>[vector<16xi32>, vector<16xi32>], vector<16xf32>,
        %select_n3A_289 = arith.select %broadcast_in_dim3A_254, %gather3A_288, %gather3A_287 : vector<16xi1>, vector<16xf32>
        tpu.vector_store_idx %arg16[%add3A_275, %add3A_286], %select_n3A_289 : memref<256x64xf32, #tpu.memory_space<vmem>>[vector<16xi32>, vector<16xi32>], vector<16xf32>,
        %iota3A_290 = tpu.iota {dimensions = array<i32: 0>} : vector<16xi32>
        %add3A_291 = arith.constant 32 : i32
        %add3A_292 = vector.broadcast %add3A_291 : i32 to vector<16xi32>
        %add3A_293 = arith.addi %add3A_292, %iota3A_290 : vector<16xi32>
        %gather3A_294 = tpu.vector_load_idx %arg9[%add3A_293, %broadcast_in_dim3A_262] : memref<64x128xf32, #tpu.memory_space<vmem>>[vector<16xi32>, vector<16xi32>], vector<16xf32>,
        %gather3A_295 = tpu.vector_load_idx %arg15[%broadcast_in_dim3A_269, %add3A_293] : memref<64x64xf32, #tpu.memory_space<vmem>>[vector<16xi32>, vector<16xi32>], vector<16xf32>,
        %select_n3A_296 = arith.select %broadcast_in_dim3A_254, %gather3A_295, %gather3A_294 : vector<16xi1>, vector<16xf32>
        tpu.vector_store_idx %arg16[%add3A_275, %add3A_293], %select_n3A_296 : memref<256x64xf32, #tpu.memory_space<vmem>>[vector<16xi32>, vector<16xi32>], vector<16xf32>,
        %iota3A_297 = tpu.iota {dimensions = array<i32: 0>} : vector<16xi32>
        %add3A_298 = arith.constant 48 : i32
        %add3A_299 = vector.broadcast %add3A_298 : i32 to vector<16xi32>
        %add3A_300 = arith.addi %add3A_299, %iota3A_297 : vector<16xi32>
        %gather3A_301 = tpu.vector_load_idx %arg9[%add3A_300, %broadcast_in_dim3A_262] : memref<64x128xf32, #tpu.memory_space<vmem>>[vector<16xi32>, vector<16xi32>], vector<16xf32>,
        %gather3A_302 = tpu.vector_load_idx %arg15[%broadcast_in_dim3A_269, %add3A_300] : memref<64x64xf32, #tpu.memory_space<vmem>>[vector<16xi32>, vector<16xi32>], vector<16xf32>,
        %select_n3A_303 = arith.select %broadcast_in_dim3A_254, %gather3A_302, %gather3A_301 : vector<16xi1>, vector<16xf32>
        tpu.vector_store_idx %arg16[%add3A_275, %add3A_300], %select_n3A_303 : memref<256x64xf32, #tpu.memory_space<vmem>>[vector<16xi32>, vector<16xi32>], vector<16xf32>,
        %slice3A_304 = vector.extract_strided_slice %min3A_44 {offsets = [10], sizes = [1], strides = [1]} : vector<16xi32> to vector<1xi32>
        %squeeze3A_305 = vector.extract %slice3A_304[0] : i32 from vector<1xi32>
        %mul3A_306 = arith.constant 128 : i32
        %mul3A_307 = arith.muli %squeeze3A_305, %mul3A_306 : i32
        %multiple_of3A_308 = tpu.assume_multiple %mul3A_307, 128 : i32
        %dma_start3A_309 = arith.constant 0 : i32
        %dma_start3A_310 = tpu.memref_slice %arg3[%dma_start3A_309, %multiple_of3A_308] : memref<64x1000000xf32, #tpu.memory_space<hbm>> -> memref<64x128xf32, #tpu.memory_space<hbm>>
        %dma_start3A_311 = arith.constant 0 : i32
        %dma_start3A_312 = tpu.memref_slice %arg3[%dma_start3A_311, %multiple_of3A_308] : memref<64x1000000xf32, #tpu.memory_space<hbm>> -> memref<64x128xf32, #tpu.memory_space<hbm>>
        tpu.enqueue_dma source(%dma_start3A_312 : memref<64x128xf32, #tpu.memory_space<hbm>>) target(%arg9 : memref<64x128xf32, #tpu.memory_space<vmem>>) target_semaphore(%arg19 : memref<!tpu.dma_semaphore, #tpu.memory_space<semaphore_mem>>)
        %dma_wait3A_313 = arith.constant 0 : i32
        %dma_wait3A_314 = arith.constant 0 : i32
        %dma_wait3A_315 = tpu.memref_slice %arg3[%dma_wait3A_313, %dma_wait3A_314] : memref<64x1000000xf32, #tpu.memory_space<hbm>> -> memref<64x128xf32, #tpu.memory_space<hbm>>
        %dma_wait3A_316 = arith.constant 0 : i32
        %dma_wait3A_317 = arith.constant 0 : i32
        %dma_wait3A_318 = tpu.memref_slice %arg3[%dma_wait3A_316, %dma_wait3A_317] : memref<64x1000000xf32, #tpu.memory_space<hbm>> -> memref<64x128xf32, #tpu.memory_space<hbm>>
        tpu.wait_dma2 semaphore(%arg20 : memref<!tpu.dma_semaphore, #tpu.memory_space<semaphore_mem>>) src(%dma_wait3A_318 : memref<64x128xf32, #tpu.memory_space<hbm>>) dst(%arg10 : memref<64x128xf32, #tpu.memory_space<vmem>>)
        %slice3A_319 = vector.extract_strided_slice %get3A_40 {offsets = [3], sizes = [1], strides = [1]} : vector<16xi32> to vector<1xi32>
        %squeeze3A_320 = vector.extract %slice3A_319[0] : i32 from vector<1xi32>
        %ge3A_321 = arith.constant 999936 : i32
        %ge3A_322 = arith.cmpi sge, %squeeze3A_320, %ge3A_321 : i32
        %broadcast_in_dim3A_323 = vector.broadcast %ge3A_322 : i1 to vector<16xi1>
        %slice3A_324 = vector.extract_strided_slice %min3A_44 {offsets = [3], sizes = [1], strides = [1]} : vector<16xi32> to vector<1xi32>
        %squeeze3A_325 = vector.extract %slice3A_324[0] : i32 from vector<1xi32>
        %mul3A_326 = arith.constant 128 : i32
        %mul3A_327 = arith.muli %squeeze3A_325, %mul3A_326 : i32
        %sub3A_328 = arith.subi %squeeze3A_320, %mul3A_327 : i32
        %min3A_329 = arith.constant 127 : i32
        %min3A_330 = arith.minsi %sub3A_328, %min3A_329 : i32
        %broadcast_in_dim3A_331 = vector.broadcast %min3A_330 : i32 to vector<16xi32>
        %sub3A_332 = arith.constant 999936 : i32
        %sub3A_333 = arith.subi %squeeze3A_320, %sub3A_332 : i32
        %jit3A_334 = arith.constant 0 : i32
        %jit3A_335 = arith.constant 63 : i32
        %max3A_336 = arith.maxsi %jit3A_334, %sub3A_333 : i32
        %min3A_337 = arith.minsi %jit3A_335, %max3A_336 : i32
        %broadcast_in_dim3A_338 = vector.broadcast %min3A_337 : i32 to vector<16xi32>
        %add3A_339 = arith.constant 3 : i32
        %add3A_340 = arith.addi %mul3A_39, %add3A_339 : i32
        %broadcast_in_dim3A_341 = arith.constant 0 : i32
        %broadcast_in_dim3A_342 = vector.broadcast %broadcast_in_dim3A_341 : i32 to vector<16xi32>
        %add3A_343 = vector.broadcast %add3A_340 : i32 to vector<16xi32>
        %add3A_344 = arith.addi %add3A_343, %broadcast_in_dim3A_342 : vector<16xi32>
        %iota3A_345 = tpu.iota {dimensions = array<i32: 0>} : vector<16xi32>
        %add3A_346 = arith.constant 0 : i32
        %add3A_347 = vector.broadcast %add3A_346 : i32 to vector<16xi32>
        %add3A_348 = arith.addi %add3A_347, %iota3A_345 : vector<16xi32>
        %gather3A_349 = tpu.vector_load_idx %arg10[%add3A_348, %broadcast_in_dim3A_331] : memref<64x128xf32, #tpu.memory_space<vmem>>[vector<16xi32>, vector<16xi32>], vector<16xf32>,
        %gather3A_350 = tpu.vector_load_idx %arg15[%broadcast_in_dim3A_338, %add3A_348] : memref<64x64xf32, #tpu.memory_space<vmem>>[vector<16xi32>, vector<16xi32>], vector<16xf32>,
        %select_n3A_351 = arith.select %broadcast_in_dim3A_323, %gather3A_350, %gather3A_349 : vector<16xi1>, vector<16xf32>
        tpu.vector_store_idx %arg16[%add3A_344, %add3A_348], %select_n3A_351 : memref<256x64xf32, #tpu.memory_space<vmem>>[vector<16xi32>, vector<16xi32>], vector<16xf32>,
        %iota3A_352 = tpu.iota {dimensions = array<i32: 0>} : vector<16xi32>
        %add3A_353 = arith.constant 16 : i32
        %add3A_354 = vector.broadcast %add3A_353 : i32 to vector<16xi32>
        %add3A_355 = arith.addi %add3A_354, %iota3A_352 : vector<16xi32>
        %gather3A_356 = tpu.vector_load_idx %arg10[%add3A_355, %broadcast_in_dim3A_331] : memref<64x128xf32, #tpu.memory_space<vmem>>[vector<16xi32>, vector<16xi32>], vector<16xf32>,
        %gather3A_357 = tpu.vector_load_idx %arg15[%broadcast_in_dim3A_338, %add3A_355] : memref<64x64xf32, #tpu.memory_space<vmem>>[vector<16xi32>, vector<16xi32>], vector<16xf32>,
        %select_n3A_358 = arith.select %broadcast_in_dim3A_323, %gather3A_357, %gather3A_356 : vector<16xi1>, vector<16xf32>
        tpu.vector_store_idx %arg16[%add3A_344, %add3A_355], %select_n3A_358 : memref<256x64xf32, #tpu.memory_space<vmem>>[vector<16xi32>, vector<16xi32>], vector<16xf32>,
        %iota3A_359 = tpu.iota {dimensions = array<i32: 0>} : vector<16xi32>
        %add3A_360 = arith.constant 32 : i32
        %add3A_361 = vector.broadcast %add3A_360 : i32 to vector<16xi32>
        %add3A_362 = arith.addi %add3A_361, %iota3A_359 : vector<16xi32>
        %gather3A_363 = tpu.vector_load_idx %arg10[%add3A_362, %broadcast_in_dim3A_331] : memref<64x128xf32, #tpu.memory_space<vmem>>[vector<16xi32>, vector<16xi32>], vector<16xf32>,
        %gather3A_364 = tpu.vector_load_idx %arg15[%broadcast_in_dim3A_338, %add3A_362] : memref<64x64xf32, #tpu.memory_space<vmem>>[vector<16xi32>, vector<16xi32>], vector<16xf32>,
        %select_n3A_365 = arith.select %broadcast_in_dim3A_323, %gather3A_364, %gather3A_363 : vector<16xi1>, vector<16xf32>
        tpu.vector_store_idx %arg16[%add3A_344, %add3A_362], %select_n3A_365 : memref<256x64xf32, #tpu.memory_space<vmem>>[vector<16xi32>, vector<16xi32>], vector<16xf32>,
        %iota3A_366 = tpu.iota {dimensions = array<i32: 0>} : vector<16xi32>
        %add3A_367 = arith.constant 48 : i32
        %add3A_368 = vector.broadcast %add3A_367 : i32 to vector<16xi32>
        %add3A_369 = arith.addi %add3A_368, %iota3A_366 : vector<16xi32>
        %gather3A_370 = tpu.vector_load_idx %arg10[%add3A_369, %broadcast_in_dim3A_331] : memref<64x128xf32, #tpu.memory_space<vmem>>[vector<16xi32>, vector<16xi32>], vector<16xf32>,
        %gather3A_371 = tpu.vector_load_idx %arg15[%broadcast_in_dim3A_338, %add3A_369] : memref<64x64xf32, #tpu.memory_space<vmem>>[vector<16xi32>, vector<16xi32>], vector<16xf32>,
        %select_n3A_372 = arith.select %broadcast_in_dim3A_323, %gather3A_371, %gather3A_370 : vector<16xi1>, vector<16xf32>
        tpu.vector_store_idx %arg16[%add3A_344, %add3A_369], %select_n3A_372 : memref<256x64xf32, #tpu.memory_space<vmem>>[vector<16xi32>, vector<16xi32>], vector<16xf32>,
        %slice3A_373 = vector.extract_strided_slice %min3A_44 {offsets = [11], sizes = [1], strides = [1]} : vector<16xi32> to vector<1xi32>
        %squeeze3A_374 = vector.extract %slice3A_373[0] : i32 from vector<1xi32>
        %mul3A_375 = arith.constant 128 : i32
        %mul3A_376 = arith.muli %squeeze3A_374, %mul3A_375 : i32
        %multiple_of3A_377 = tpu.assume_multiple %mul3A_376, 128 : i32
        %dma_start3A_378 = arith.constant 0 : i32
        %dma_start3A_379 = tpu.memref_slice %arg3[%dma_start3A_378, %multiple_of3A_377] : memref<64x1000000xf32, #tpu.memory_space<hbm>> -> memref<64x128xf32, #tpu.memory_space<hbm>>
        %dma_start3A_380 = arith.constant 0 : i32
        %dma_start3A_381 = tpu.memref_slice %arg3[%dma_start3A_380, %multiple_of3A_377] : memref<64x1000000xf32, #tpu.memory_space<hbm>> -> memref<64x128xf32, #tpu.memory_space<hbm>>
        tpu.enqueue_dma source(%dma_start3A_381 : memref<64x128xf32, #tpu.memory_space<hbm>>) target(%arg10 : memref<64x128xf32, #tpu.memory_space<vmem>>) target_semaphore(%arg20 : memref<!tpu.dma_semaphore, #tpu.memory_space<semaphore_mem>>)
        %dma_wait3A_382 = arith.constant 0 : i32
        %dma_wait3A_383 = arith.constant 0 : i32
        %dma_wait3A_384 = tpu.memref_slice %arg3[%dma_wait3A_382, %dma_wait3A_383] : memref<64x1000000xf32, #tpu.memory_space<hbm>> -> memref<64x128xf32, #tpu.memory_space<hbm>>
        %dma_wait3A_385 = arith.constant 0 : i32
        %dma_wait3A_386 = arith.constant 0 : i32
        %dma_wait3A_387 = tpu.memref_slice %arg3[%dma_wait3A_385, %dma_wait3A_386] : memref<64x1000000xf32, #tpu.memory_space<hbm>> -> memref<64x128xf32, #tpu.memory_space<hbm>>
        tpu.wait_dma2 semaphore(%arg21 : memref<!tpu.dma_semaphore, #tpu.memory_space<semaphore_mem>>) src(%dma_wait3A_387 : memref<64x128xf32, #tpu.memory_space<hbm>>) dst(%arg11 : memref<64x128xf32, #tpu.memory_space<vmem>>)
        %slice3A_388 = vector.extract_strided_slice %get3A_40 {offsets = [4], sizes = [1], strides = [1]} : vector<16xi32> to vector<1xi32>
        %squeeze3A_389 = vector.extract %slice3A_388[0] : i32 from vector<1xi32>
        %ge3A_390 = arith.constant 999936 : i32
        %ge3A_391 = arith.cmpi sge, %squeeze3A_389, %ge3A_390 : i32
        %broadcast_in_dim3A_392 = vector.broadcast %ge3A_391 : i1 to vector<16xi1>
        %slice3A_393 = vector.extract_strided_slice %min3A_44 {offsets = [4], sizes = [1], strides = [1]} : vector<16xi32> to vector<1xi32>
        %squeeze3A_394 = vector.extract %slice3A_393[0] : i32 from vector<1xi32>
        %mul3A_395 = arith.constant 128 : i32
        %mul3A_396 = arith.muli %squeeze3A_394, %mul3A_395 : i32
        %sub3A_397 = arith.subi %squeeze3A_389, %mul3A_396 : i32
        %min3A_398 = arith.constant 127 : i32
        %min3A_399 = arith.minsi %sub3A_397, %min3A_398 : i32
        %broadcast_in_dim3A_400 = vector.broadcast %min3A_399 : i32 to vector<16xi32>
        %sub3A_401 = arith.constant 999936 : i32
        %sub3A_402 = arith.subi %squeeze3A_389, %sub3A_401 : i32
        %jit3A_403 = arith.constant 0 : i32
        %jit3A_404 = arith.constant 63 : i32
        %max3A_405 = arith.maxsi %jit3A_403, %sub3A_402 : i32
        %min3A_406 = arith.minsi %jit3A_404, %max3A_405 : i32
        %broadcast_in_dim3A_407 = vector.broadcast %min3A_406 : i32 to vector<16xi32>
        %add3A_408 = arith.constant 4 : i32
        %add3A_409 = arith.addi %mul3A_39, %add3A_408 : i32
        %broadcast_in_dim3A_410 = arith.constant 0 : i32
        %broadcast_in_dim3A_411 = vector.broadcast %broadcast_in_dim3A_410 : i32 to vector<16xi32>
        %add3A_412 = vector.broadcast %add3A_409 : i32 to vector<16xi32>
        %add3A_413 = arith.addi %add3A_412, %broadcast_in_dim3A_411 : vector<16xi32>
        %iota3A_414 = tpu.iota {dimensions = array<i32: 0>} : vector<16xi32>
        %add3A_415 = arith.constant 0 : i32
        %add3A_416 = vector.broadcast %add3A_415 : i32 to vector<16xi32>
        %add3A_417 = arith.addi %add3A_416, %iota3A_414 : vector<16xi32>
        %gather3A_418 = tpu.vector_load_idx %arg11[%add3A_417, %broadcast_in_dim3A_400] : memref<64x128xf32, #tpu.memory_space<vmem>>[vector<16xi32>, vector<16xi32>], vector<16xf32>,
        %gather3A_419 = tpu.vector_load_idx %arg15[%broadcast_in_dim3A_407, %add3A_417] : memref<64x64xf32, #tpu.memory_space<vmem>>[vector<16xi32>, vector<16xi32>], vector<16xf32>,
        %select_n3A_420 = arith.select %broadcast_in_dim3A_392, %gather3A_419, %gather3A_418 : vector<16xi1>, vector<16xf32>
        tpu.vector_store_idx %arg16[%add3A_413, %add3A_417], %select_n3A_420 : memref<256x64xf32, #tpu.memory_space<vmem>>[vector<16xi32>, vector<16xi32>], vector<16xf32>,
        %iota3A_421 = tpu.iota {dimensions = array<i32: 0>} : vector<16xi32>
        %add3A_422 = arith.constant 16 : i32
        %add3A_423 = vector.broadcast %add3A_422 : i32 to vector<16xi32>
        %add3A_424 = arith.addi %add3A_423, %iota3A_421 : vector<16xi32>
        %gather3A_425 = tpu.vector_load_idx %arg11[%add3A_424, %broadcast_in_dim3A_400] : memref<64x128xf32, #tpu.memory_space<vmem>>[vector<16xi32>, vector<16xi32>], vector<16xf32>,
        %gather3A_426 = tpu.vector_load_idx %arg15[%broadcast_in_dim3A_407, %add3A_424] : memref<64x64xf32, #tpu.memory_space<vmem>>[vector<16xi32>, vector<16xi32>], vector<16xf32>,
        %select_n3A_427 = arith.select %broadcast_in_dim3A_392, %gather3A_426, %gather3A_425 : vector<16xi1>, vector<16xf32>
        tpu.vector_store_idx %arg16[%add3A_413, %add3A_424], %select_n3A_427 : memref<256x64xf32, #tpu.memory_space<vmem>>[vector<16xi32>, vector<16xi32>], vector<16xf32>,
        %iota3A_428 = tpu.iota {dimensions = array<i32: 0>} : vector<16xi32>
        %add3A_429 = arith.constant 32 : i32
        %add3A_430 = vector.broadcast %add3A_429 : i32 to vector<16xi32>
        %add3A_431 = arith.addi %add3A_430, %iota3A_428 : vector<16xi32>
        %gather3A_432 = tpu.vector_load_idx %arg11[%add3A_431, %broadcast_in_dim3A_400] : memref<64x128xf32, #tpu.memory_space<vmem>>[vector<16xi32>, vector<16xi32>], vector<16xf32>,
        %gather3A_433 = tpu.vector_load_idx %arg15[%broadcast_in_dim3A_407, %add3A_431] : memref<64x64xf32, #tpu.memory_space<vmem>>[vector<16xi32>, vector<16xi32>], vector<16xf32>,
        %select_n3A_434 = arith.select %broadcast_in_dim3A_392, %gather3A_433, %gather3A_432 : vector<16xi1>, vector<16xf32>
        tpu.vector_store_idx %arg16[%add3A_413, %add3A_431], %select_n3A_434 : memref<256x64xf32, #tpu.memory_space<vmem>>[vector<16xi32>, vector<16xi32>], vector<16xf32>,
        %iota3A_435 = tpu.iota {dimensions = array<i32: 0>} : vector<16xi32>
        %add3A_436 = arith.constant 48 : i32
        %add3A_437 = vector.broadcast %add3A_436 : i32 to vector<16xi32>
        %add3A_438 = arith.addi %add3A_437, %iota3A_435 : vector<16xi32>
        %gather3A_439 = tpu.vector_load_idx %arg11[%add3A_438, %broadcast_in_dim3A_400] : memref<64x128xf32, #tpu.memory_space<vmem>>[vector<16xi32>, vector<16xi32>], vector<16xf32>,
        %gather3A_440 = tpu.vector_load_idx %arg15[%broadcast_in_dim3A_407, %add3A_438] : memref<64x64xf32, #tpu.memory_space<vmem>>[vector<16xi32>, vector<16xi32>], vector<16xf32>,
        %select_n3A_441 = arith.select %broadcast_in_dim3A_392, %gather3A_440, %gather3A_439 : vector<16xi1>, vector<16xf32>
        tpu.vector_store_idx %arg16[%add3A_413, %add3A_438], %select_n3A_441 : memref<256x64xf32, #tpu.memory_space<vmem>>[vector<16xi32>, vector<16xi32>], vector<16xf32>,
        %slice3A_442 = vector.extract_strided_slice %min3A_44 {offsets = [12], sizes = [1], strides = [1]} : vector<16xi32> to vector<1xi32>
        %squeeze3A_443 = vector.extract %slice3A_442[0] : i32 from vector<1xi32>
        %mul3A_444 = arith.constant 128 : i32
        %mul3A_445 = arith.muli %squeeze3A_443, %mul3A_444 : i32
        %multiple_of3A_446 = tpu.assume_multiple %mul3A_445, 128 : i32
        %dma_start3A_447 = arith.constant 0 : i32
        %dma_start3A_448 = tpu.memref_slice %arg3[%dma_start3A_447, %multiple_of3A_446] : memref<64x1000000xf32, #tpu.memory_space<hbm>> -> memref<64x128xf32, #tpu.memory_space<hbm>>
        %dma_start3A_449 = arith.constant 0 : i32
        %dma_start3A_450 = tpu.memref_slice %arg3[%dma_start3A_449, %multiple_of3A_446] : memref<64x1000000xf32, #tpu.memory_space<hbm>> -> memref<64x128xf32, #tpu.memory_space<hbm>>
        tpu.enqueue_dma source(%dma_start3A_450 : memref<64x128xf32, #tpu.memory_space<hbm>>) target(%arg11 : memref<64x128xf32, #tpu.memory_space<vmem>>) target_semaphore(%arg21 : memref<!tpu.dma_semaphore, #tpu.memory_space<semaphore_mem>>)
        %dma_wait3A_451 = arith.constant 0 : i32
        %dma_wait3A_452 = arith.constant 0 : i32
        %dma_wait3A_453 = tpu.memref_slice %arg3[%dma_wait3A_451, %dma_wait3A_452] : memref<64x1000000xf32, #tpu.memory_space<hbm>> -> memref<64x128xf32, #tpu.memory_space<hbm>>
        %dma_wait3A_454 = arith.constant 0 : i32
        %dma_wait3A_455 = arith.constant 0 : i32
        %dma_wait3A_456 = tpu.memref_slice %arg3[%dma_wait3A_454, %dma_wait3A_455] : memref<64x1000000xf32, #tpu.memory_space<hbm>> -> memref<64x128xf32, #tpu.memory_space<hbm>>
        tpu.wait_dma2 semaphore(%arg22 : memref<!tpu.dma_semaphore, #tpu.memory_space<semaphore_mem>>) src(%dma_wait3A_456 : memref<64x128xf32, #tpu.memory_space<hbm>>) dst(%arg12 : memref<64x128xf32, #tpu.memory_space<vmem>>)
        %slice3A_457 = vector.extract_strided_slice %get3A_40 {offsets = [5], sizes = [1], strides = [1]} : vector<16xi32> to vector<1xi32>
        %squeeze3A_458 = vector.extract %slice3A_457[0] : i32 from vector<1xi32>
        %ge3A_459 = arith.constant 999936 : i32
        %ge3A_460 = arith.cmpi sge, %squeeze3A_458, %ge3A_459 : i32
        %broadcast_in_dim3A_461 = vector.broadcast %ge3A_460 : i1 to vector<16xi1>
        %slice3A_462 = vector.extract_strided_slice %min3A_44 {offsets = [5], sizes = [1], strides = [1]} : vector<16xi32> to vector<1xi32>
        %squeeze3A_463 = vector.extract %slice3A_462[0] : i32 from vector<1xi32>
        %mul3A_464 = arith.constant 128 : i32
        %mul3A_465 = arith.muli %squeeze3A_463, %mul3A_464 : i32
        %sub3A_466 = arith.subi %squeeze3A_458, %mul3A_465 : i32
        %min3A_467 = arith.constant 127 : i32
        %min3A_468 = arith.minsi %sub3A_466, %min3A_467 : i32
        %broadcast_in_dim3A_469 = vector.broadcast %min3A_468 : i32 to vector<16xi32>
        %sub3A_470 = arith.constant 999936 : i32
        %sub3A_471 = arith.subi %squeeze3A_458, %sub3A_470 : i32
        %jit3A_472 = arith.constant 0 : i32
        %jit3A_473 = arith.constant 63 : i32
        %max3A_474 = arith.maxsi %jit3A_472, %sub3A_471 : i32
        %min3A_475 = arith.minsi %jit3A_473, %max3A_474 : i32
        %broadcast_in_dim3A_476 = vector.broadcast %min3A_475 : i32 to vector<16xi32>
        %add3A_477 = arith.constant 5 : i32
        %add3A_478 = arith.addi %mul3A_39, %add3A_477 : i32
        %broadcast_in_dim3A_479 = arith.constant 0 : i32
        %broadcast_in_dim3A_480 = vector.broadcast %broadcast_in_dim3A_479 : i32 to vector<16xi32>
        %add3A_481 = vector.broadcast %add3A_478 : i32 to vector<16xi32>
        %add3A_482 = arith.addi %add3A_481, %broadcast_in_dim3A_480 : vector<16xi32>
        %iota3A_483 = tpu.iota {dimensions = array<i32: 0>} : vector<16xi32>
        %add3A_484 = arith.constant 0 : i32
        %add3A_485 = vector.broadcast %add3A_484 : i32 to vector<16xi32>
        %add3A_486 = arith.addi %add3A_485, %iota3A_483 : vector<16xi32>
        %gather3A_487 = tpu.vector_load_idx %arg12[%add3A_486, %broadcast_in_dim3A_469] : memref<64x128xf32, #tpu.memory_space<vmem>>[vector<16xi32>, vector<16xi32>], vector<16xf32>,
        %gather3A_488 = tpu.vector_load_idx %arg15[%broadcast_in_dim3A_476, %add3A_486] : memref<64x64xf32, #tpu.memory_space<vmem>>[vector<16xi32>, vector<16xi32>], vector<16xf32>,
        %select_n3A_489 = arith.select %broadcast_in_dim3A_461, %gather3A_488, %gather3A_487 : vector<16xi1>, vector<16xf32>
        tpu.vector_store_idx %arg16[%add3A_482, %add3A_486], %select_n3A_489 : memref<256x64xf32, #tpu.memory_space<vmem>>[vector<16xi32>, vector<16xi32>], vector<16xf32>,
        %iota3A_490 = tpu.iota {dimensions = array<i32: 0>} : vector<16xi32>
        %add3A_491 = arith.constant 16 : i32
        %add3A_492 = vector.broadcast %add3A_491 : i32 to vector<16xi32>
        %add3A_493 = arith.addi %add3A_492, %iota3A_490 : vector<16xi32>
        %gather3A_494 = tpu.vector_load_idx %arg12[%add3A_493, %broadcast_in_dim3A_469] : memref<64x128xf32, #tpu.memory_space<vmem>>[vector<16xi32>, vector<16xi32>], vector<16xf32>,
        %gather3A_495 = tpu.vector_load_idx %arg15[%broadcast_in_dim3A_476, %add3A_493] : memref<64x64xf32, #tpu.memory_space<vmem>>[vector<16xi32>, vector<16xi32>], vector<16xf32>,
        %select_n3A_496 = arith.select %broadcast_in_dim3A_461, %gather3A_495, %gather3A_494 : vector<16xi1>, vector<16xf32>
        tpu.vector_store_idx %arg16[%add3A_482, %add3A_493], %select_n3A_496 : memref<256x64xf32, #tpu.memory_space<vmem>>[vector<16xi32>, vector<16xi32>], vector<16xf32>,
        %iota3A_497 = tpu.iota {dimensions = array<i32: 0>} : vector<16xi32>
        %add3A_498 = arith.constant 32 : i32
        %add3A_499 = vector.broadcast %add3A_498 : i32 to vector<16xi32>
        %add3A_500 = arith.addi %add3A_499, %iota3A_497 : vector<16xi32>
        %gather3A_501 = tpu.vector_load_idx %arg12[%add3A_500, %broadcast_in_dim3A_469] : memref<64x128xf32, #tpu.memory_space<vmem>>[vector<16xi32>, vector<16xi32>], vector<16xf32>,
        %gather3A_502 = tpu.vector_load_idx %arg15[%broadcast_in_dim3A_476, %add3A_500] : memref<64x64xf32, #tpu.memory_space<vmem>>[vector<16xi32>, vector<16xi32>], vector<16xf32>,
        %select_n3A_503 = arith.select %broadcast_in_dim3A_461, %gather3A_502, %gather3A_501 : vector<16xi1>, vector<16xf32>
        tpu.vector_store_idx %arg16[%add3A_482, %add3A_500], %select_n3A_503 : memref<256x64xf32, #tpu.memory_space<vmem>>[vector<16xi32>, vector<16xi32>], vector<16xf32>,
        %iota3A_504 = tpu.iota {dimensions = array<i32: 0>} : vector<16xi32>
        %add3A_505 = arith.constant 48 : i32
        %add3A_506 = vector.broadcast %add3A_505 : i32 to vector<16xi32>
        %add3A_507 = arith.addi %add3A_506, %iota3A_504 : vector<16xi32>
        %gather3A_508 = tpu.vector_load_idx %arg12[%add3A_507, %broadcast_in_dim3A_469] : memref<64x128xf32, #tpu.memory_space<vmem>>[vector<16xi32>, vector<16xi32>], vector<16xf32>,
        %gather3A_509 = tpu.vector_load_idx %arg15[%broadcast_in_dim3A_476, %add3A_507] : memref<64x64xf32, #tpu.memory_space<vmem>>[vector<16xi32>, vector<16xi32>], vector<16xf32>,
        %select_n3A_510 = arith.select %broadcast_in_dim3A_461, %gather3A_509, %gather3A_508 : vector<16xi1>, vector<16xf32>
        tpu.vector_store_idx %arg16[%add3A_482, %add3A_507], %select_n3A_510 : memref<256x64xf32, #tpu.memory_space<vmem>>[vector<16xi32>, vector<16xi32>], vector<16xf32>,
        %slice3A_511 = vector.extract_strided_slice %min3A_44 {offsets = [13], sizes = [1], strides = [1]} : vector<16xi32> to vector<1xi32>
        %squeeze3A_512 = vector.extract %slice3A_511[0] : i32 from vector<1xi32>
        %mul3A_513 = arith.constant 128 : i32
        %mul3A_514 = arith.muli %squeeze3A_512, %mul3A_513 : i32
        %multiple_of3A_515 = tpu.assume_multiple %mul3A_514, 128 : i32
        %dma_start3A_516 = arith.constant 0 : i32
        %dma_start3A_517 = tpu.memref_slice %arg3[%dma_start3A_516, %multiple_of3A_515] : memref<64x1000000xf32, #tpu.memory_space<hbm>> -> memref<64x128xf32, #tpu.memory_space<hbm>>
        %dma_start3A_518 = arith.constant 0 : i32
        %dma_start3A_519 = tpu.memref_slice %arg3[%dma_start3A_518, %multiple_of3A_515] : memref<64x1000000xf32, #tpu.memory_space<hbm>> -> memref<64x128xf32, #tpu.memory_space<hbm>>
        tpu.enqueue_dma source(%dma_start3A_519 : memref<64x128xf32, #tpu.memory_space<hbm>>) target(%arg12 : memref<64x128xf32, #tpu.memory_space<vmem>>) target_semaphore(%arg22 : memref<!tpu.dma_semaphore, #tpu.memory_space<semaphore_mem>>)
        %dma_wait3A_520 = arith.constant 0 : i32
        %dma_wait3A_521 = arith.constant 0 : i32
        %dma_wait3A_522 = tpu.memref_slice %arg3[%dma_wait3A_520, %dma_wait3A_521] : memref<64x1000000xf32, #tpu.memory_space<hbm>> -> memref<64x128xf32, #tpu.memory_space<hbm>>
        %dma_wait3A_523 = arith.constant 0 : i32
        %dma_wait3A_524 = arith.constant 0 : i32
        %dma_wait3A_525 = tpu.memref_slice %arg3[%dma_wait3A_523, %dma_wait3A_524] : memref<64x1000000xf32, #tpu.memory_space<hbm>> -> memref<64x128xf32, #tpu.memory_space<hbm>>
        tpu.wait_dma2 semaphore(%arg23 : memref<!tpu.dma_semaphore, #tpu.memory_space<semaphore_mem>>) src(%dma_wait3A_525 : memref<64x128xf32, #tpu.memory_space<hbm>>) dst(%arg13 : memref<64x128xf32, #tpu.memory_space<vmem>>)
        %slice3A_526 = vector.extract_strided_slice %get3A_40 {offsets = [6], sizes = [1], strides = [1]} : vector<16xi32> to vector<1xi32>
        %squeeze3A_527 = vector.extract %slice3A_526[0] : i32 from vector<1xi32>
        %ge3A_528 = arith.constant 999936 : i32
        %ge3A_529 = arith.cmpi sge, %squeeze3A_527, %ge3A_528 : i32
        %broadcast_in_dim3A_530 = vector.broadcast %ge3A_529 : i1 to vector<16xi1>
        %slice3A_531 = vector.extract_strided_slice %min3A_44 {offsets = [6], sizes = [1], strides = [1]} : vector<16xi32> to vector<1xi32>
        %squeeze3A_532 = vector.extract %slice3A_531[0] : i32 from vector<1xi32>
        %mul3A_533 = arith.constant 128 : i32
        %mul3A_534 = arith.muli %squeeze3A_532, %mul3A_533 : i32
        %sub3A_535 = arith.subi %squeeze3A_527, %mul3A_534 : i32
        %min3A_536 = arith.constant 127 : i32
        %min3A_537 = arith.minsi %sub3A_535, %min3A_536 : i32
        %broadcast_in_dim3A_538 = vector.broadcast %min3A_537 : i32 to vector<16xi32>
        %sub3A_539 = arith.constant 999936 : i32
        %sub3A_540 = arith.subi %squeeze3A_527, %sub3A_539 : i32
        %jit3A_541 = arith.constant 0 : i32
        %jit3A_542 = arith.constant 63 : i32
        %max3A_543 = arith.maxsi %jit3A_541, %sub3A_540 : i32
        %min3A_544 = arith.minsi %jit3A_542, %max3A_543 : i32
        %broadcast_in_dim3A_545 = vector.broadcast %min3A_544 : i32 to vector<16xi32>
        %add3A_546 = arith.constant 6 : i32
        %add3A_547 = arith.addi %mul3A_39, %add3A_546 : i32
        %broadcast_in_dim3A_548 = arith.constant 0 : i32
        %broadcast_in_dim3A_549 = vector.broadcast %broadcast_in_dim3A_548 : i32 to vector<16xi32>
        %add3A_550 = vector.broadcast %add3A_547 : i32 to vector<16xi32>
        %add3A_551 = arith.addi %add3A_550, %broadcast_in_dim3A_549 : vector<16xi32>
        %iota3A_552 = tpu.iota {dimensions = array<i32: 0>} : vector<16xi32>
        %add3A_553 = arith.constant 0 : i32
        %add3A_554 = vector.broadcast %add3A_553 : i32 to vector<16xi32>
        %add3A_555 = arith.addi %add3A_554, %iota3A_552 : vector<16xi32>
        %gather3A_556 = tpu.vector_load_idx %arg13[%add3A_555, %broadcast_in_dim3A_538] : memref<64x128xf32, #tpu.memory_space<vmem>>[vector<16xi32>, vector<16xi32>], vector<16xf32>,
        %gather3A_557 = tpu.vector_load_idx %arg15[%broadcast_in_dim3A_545, %add3A_555] : memref<64x64xf32, #tpu.memory_space<vmem>>[vector<16xi32>, vector<16xi32>], vector<16xf32>,
        %select_n3A_558 = arith.select %broadcast_in_dim3A_530, %gather3A_557, %gather3A_556 : vector<16xi1>, vector<16xf32>
        tpu.vector_store_idx %arg16[%add3A_551, %add3A_555], %select_n3A_558 : memref<256x64xf32, #tpu.memory_space<vmem>>[vector<16xi32>, vector<16xi32>], vector<16xf32>,
        %iota3A_559 = tpu.iota {dimensions = array<i32: 0>} : vector<16xi32>
        %add3A_560 = arith.constant 16 : i32
        %add3A_561 = vector.broadcast %add3A_560 : i32 to vector<16xi32>
        %add3A_562 = arith.addi %add3A_561, %iota3A_559 : vector<16xi32>
        %gather3A_563 = tpu.vector_load_idx %arg13[%add3A_562, %broadcast_in_dim3A_538] : memref<64x128xf32, #tpu.memory_space<vmem>>[vector<16xi32>, vector<16xi32>], vector<16xf32>,
        %gather3A_564 = tpu.vector_load_idx %arg15[%broadcast_in_dim3A_545, %add3A_562] : memref<64x64xf32, #tpu.memory_space<vmem>>[vector<16xi32>, vector<16xi32>], vector<16xf32>,
        %select_n3A_565 = arith.select %broadcast_in_dim3A_530, %gather3A_564, %gather3A_563 : vector<16xi1>, vector<16xf32>
        tpu.vector_store_idx %arg16[%add3A_551, %add3A_562], %select_n3A_565 : memref<256x64xf32, #tpu.memory_space<vmem>>[vector<16xi32>, vector<16xi32>], vector<16xf32>,
        %iota3A_566 = tpu.iota {dimensions = array<i32: 0>} : vector<16xi32>
        %add3A_567 = arith.constant 32 : i32
        %add3A_568 = vector.broadcast %add3A_567 : i32 to vector<16xi32>
        %add3A_569 = arith.addi %add3A_568, %iota3A_566 : vector<16xi32>
        %gather3A_570 = tpu.vector_load_idx %arg13[%add3A_569, %broadcast_in_dim3A_538] : memref<64x128xf32, #tpu.memory_space<vmem>>[vector<16xi32>, vector<16xi32>], vector<16xf32>,
        %gather3A_571 = tpu.vector_load_idx %arg15[%broadcast_in_dim3A_545, %add3A_569] : memref<64x64xf32, #tpu.memory_space<vmem>>[vector<16xi32>, vector<16xi32>], vector<16xf32>,
        %select_n3A_572 = arith.select %broadcast_in_dim3A_530, %gather3A_571, %gather3A_570 : vector<16xi1>, vector<16xf32>
        tpu.vector_store_idx %arg16[%add3A_551, %add3A_569], %select_n3A_572 : memref<256x64xf32, #tpu.memory_space<vmem>>[vector<16xi32>, vector<16xi32>], vector<16xf32>,
        %iota3A_573 = tpu.iota {dimensions = array<i32: 0>} : vector<16xi32>
        %add3A_574 = arith.constant 48 : i32
        %add3A_575 = vector.broadcast %add3A_574 : i32 to vector<16xi32>
        %add3A_576 = arith.addi %add3A_575, %iota3A_573 : vector<16xi32>
        %gather3A_577 = tpu.vector_load_idx %arg13[%add3A_576, %broadcast_in_dim3A_538] : memref<64x128xf32, #tpu.memory_space<vmem>>[vector<16xi32>, vector<16xi32>], vector<16xf32>,
        %gather3A_578 = tpu.vector_load_idx %arg15[%broadcast_in_dim3A_545, %add3A_576] : memref<64x64xf32, #tpu.memory_space<vmem>>[vector<16xi32>, vector<16xi32>], vector<16xf32>,
        %select_n3A_579 = arith.select %broadcast_in_dim3A_530, %gather3A_578, %gather3A_577 : vector<16xi1>, vector<16xf32>
        tpu.vector_store_idx %arg16[%add3A_551, %add3A_576], %select_n3A_579 : memref<256x64xf32, #tpu.memory_space<vmem>>[vector<16xi32>, vector<16xi32>], vector<16xf32>,
        %slice3A_580 = vector.extract_strided_slice %min3A_44 {offsets = [14], sizes = [1], strides = [1]} : vector<16xi32> to vector<1xi32>
        %squeeze3A_581 = vector.extract %slice3A_580[0] : i32 from vector<1xi32>
        %mul3A_582 = arith.constant 128 : i32
        %mul3A_583 = arith.muli %squeeze3A_581, %mul3A_582 : i32
        %multiple_of3A_584 = tpu.assume_multiple %mul3A_583, 128 : i32
        %dma_start3A_585 = arith.constant 0 : i32
        %dma_start3A_586 = tpu.memref_slice %arg3[%dma_start3A_585, %multiple_of3A_584] : memref<64x1000000xf32, #tpu.memory_space<hbm>> -> memref<64x128xf32, #tpu.memory_space<hbm>>
        %dma_start3A_587 = arith.constant 0 : i32
        %dma_start3A_588 = tpu.memref_slice %arg3[%dma_start3A_587, %multiple_of3A_584] : memref<64x1000000xf32, #tpu.memory_space<hbm>> -> memref<64x128xf32, #tpu.memory_space<hbm>>
        tpu.enqueue_dma source(%dma_start3A_588 : memref<64x128xf32, #tpu.memory_space<hbm>>) target(%arg13 : memref<64x128xf32, #tpu.memory_space<vmem>>) target_semaphore(%arg23 : memref<!tpu.dma_semaphore, #tpu.memory_space<semaphore_mem>>)
        %dma_wait3A_589 = arith.constant 0 : i32
        %dma_wait3A_590 = arith.constant 0 : i32
        %dma_wait3A_591 = tpu.memref_slice %arg3[%dma_wait3A_589, %dma_wait3A_590] : memref<64x1000000xf32, #tpu.memory_space<hbm>> -> memref<64x128xf32, #tpu.memory_space<hbm>>
        %dma_wait3A_592 = arith.constant 0 : i32
        %dma_wait3A_593 = arith.constant 0 : i32
        %dma_wait3A_594 = tpu.memref_slice %arg3[%dma_wait3A_592, %dma_wait3A_593] : memref<64x1000000xf32, #tpu.memory_space<hbm>> -> memref<64x128xf32, #tpu.memory_space<hbm>>
        tpu.wait_dma2 semaphore(%arg24 : memref<!tpu.dma_semaphore, #tpu.memory_space<semaphore_mem>>) src(%dma_wait3A_594 : memref<64x128xf32, #tpu.memory_space<hbm>>) dst(%arg14 : memref<64x128xf32, #tpu.memory_space<vmem>>)
        %slice3A_595 = vector.extract_strided_slice %get3A_40 {offsets = [7], sizes = [1], strides = [1]} : vector<16xi32> to vector<1xi32>
        %squeeze3A_596 = vector.extract %slice3A_595[0] : i32 from vector<1xi32>
        %ge3A_597 = arith.constant 999936 : i32
        %ge3A_598 = arith.cmpi sge, %squeeze3A_596, %ge3A_597 : i32
        %broadcast_in_dim3A_599 = vector.broadcast %ge3A_598 : i1 to vector<16xi1>
        %slice3A_600 = vector.extract_strided_slice %min3A_44 {offsets = [7], sizes = [1], strides = [1]} : vector<16xi32> to vector<1xi32>
        %squeeze3A_601 = vector.extract %slice3A_600[0] : i32 from vector<1xi32>
        %mul3A_602 = arith.constant 128 : i32
        %mul3A_603 = arith.muli %squeeze3A_601, %mul3A_602 : i32
        %sub3A_604 = arith.subi %squeeze3A_596, %mul3A_603 : i32
        %min3A_605 = arith.constant 127 : i32
        %min3A_606 = arith.minsi %sub3A_604, %min3A_605 : i32
        %broadcast_in_dim3A_607 = vector.broadcast %min3A_606 : i32 to vector<16xi32>
        %sub3A_608 = arith.constant 999936 : i32
        %sub3A_609 = arith.subi %squeeze3A_596, %sub3A_608 : i32
        %jit3A_610 = arith.constant 0 : i32
        %jit3A_611 = arith.constant 63 : i32
        %max3A_612 = arith.maxsi %jit3A_610, %sub3A_609 : i32
        %min3A_613 = arith.minsi %jit3A_611, %max3A_612 : i32
        %broadcast_in_dim3A_614 = vector.broadcast %min3A_613 : i32 to vector<16xi32>
        %add3A_615 = arith.constant 7 : i32
        %add3A_616 = arith.addi %mul3A_39, %add3A_615 : i32
        %broadcast_in_dim3A_617 = arith.constant 0 : i32
        %broadcast_in_dim3A_618 = vector.broadcast %broadcast_in_dim3A_617 : i32 to vector<16xi32>
        %add3A_619 = vector.broadcast %add3A_616 : i32 to vector<16xi32>
        %add3A_620 = arith.addi %add3A_619, %broadcast_in_dim3A_618 : vector<16xi32>
        %iota3A_621 = tpu.iota {dimensions = array<i32: 0>} : vector<16xi32>
        %add3A_622 = arith.constant 0 : i32
        %add3A_623 = vector.broadcast %add3A_622 : i32 to vector<16xi32>
        %add3A_624 = arith.addi %add3A_623, %iota3A_621 : vector<16xi32>
        %gather3A_625 = tpu.vector_load_idx %arg14[%add3A_624, %broadcast_in_dim3A_607] : memref<64x128xf32, #tpu.memory_space<vmem>>[vector<16xi32>, vector<16xi32>], vector<16xf32>,
        %gather3A_626 = tpu.vector_load_idx %arg15[%broadcast_in_dim3A_614, %add3A_624] : memref<64x64xf32, #tpu.memory_space<vmem>>[vector<16xi32>, vector<16xi32>], vector<16xf32>,
        %select_n3A_627 = arith.select %broadcast_in_dim3A_599, %gather3A_626, %gather3A_625 : vector<16xi1>, vector<16xf32>
        tpu.vector_store_idx %arg16[%add3A_620, %add3A_624], %select_n3A_627 : memref<256x64xf32, #tpu.memory_space<vmem>>[vector<16xi32>, vector<16xi32>], vector<16xf32>,
        %iota3A_628 = tpu.iota {dimensions = array<i32: 0>} : vector<16xi32>
        %add3A_629 = arith.constant 16 : i32
        %add3A_630 = vector.broadcast %add3A_629 : i32 to vector<16xi32>
        %add3A_631 = arith.addi %add3A_630, %iota3A_628 : vector<16xi32>
        %gather3A_632 = tpu.vector_load_idx %arg14[%add3A_631, %broadcast_in_dim3A_607] : memref<64x128xf32, #tpu.memory_space<vmem>>[vector<16xi32>, vector<16xi32>], vector<16xf32>,
        %gather3A_633 = tpu.vector_load_idx %arg15[%broadcast_in_dim3A_614, %add3A_631] : memref<64x64xf32, #tpu.memory_space<vmem>>[vector<16xi32>, vector<16xi32>], vector<16xf32>,
        %select_n3A_634 = arith.select %broadcast_in_dim3A_599, %gather3A_633, %gather3A_632 : vector<16xi1>, vector<16xf32>
        tpu.vector_store_idx %arg16[%add3A_620, %add3A_631], %select_n3A_634 : memref<256x64xf32, #tpu.memory_space<vmem>>[vector<16xi32>, vector<16xi32>], vector<16xf32>,
        %iota3A_635 = tpu.iota {dimensions = array<i32: 0>} : vector<16xi32>
        %add3A_636 = arith.constant 32 : i32
        %add3A_637 = vector.broadcast %add3A_636 : i32 to vector<16xi32>
        %add3A_638 = arith.addi %add3A_637, %iota3A_635 : vector<16xi32>
        %gather3A_639 = tpu.vector_load_idx %arg14[%add3A_638, %broadcast_in_dim3A_607] : memref<64x128xf32, #tpu.memory_space<vmem>>[vector<16xi32>, vector<16xi32>], vector<16xf32>,
        %gather3A_640 = tpu.vector_load_idx %arg15[%broadcast_in_dim3A_614, %add3A_638] : memref<64x64xf32, #tpu.memory_space<vmem>>[vector<16xi32>, vector<16xi32>], vector<16xf32>,
        %select_n3A_641 = arith.select %broadcast_in_dim3A_599, %gather3A_640, %gather3A_639 : vector<16xi1>, vector<16xf32>
        tpu.vector_store_idx %arg16[%add3A_620, %add3A_638], %select_n3A_641 : memref<256x64xf32, #tpu.memory_space<vmem>>[vector<16xi32>, vector<16xi32>], vector<16xf32>,
        %iota3A_642 = tpu.iota {dimensions = array<i32: 0>} : vector<16xi32>
        %add3A_643 = arith.constant 48 : i32
        %add3A_644 = vector.broadcast %add3A_643 : i32 to vector<16xi32>
        %add3A_645 = arith.addi %add3A_644, %iota3A_642 : vector<16xi32>
        %gather3A_646 = tpu.vector_load_idx %arg14[%add3A_645, %broadcast_in_dim3A_607] : memref<64x128xf32, #tpu.memory_space<vmem>>[vector<16xi32>, vector<16xi32>], vector<16xf32>,
        %gather3A_647 = tpu.vector_load_idx %arg15[%broadcast_in_dim3A_614, %add3A_645] : memref<64x64xf32, #tpu.memory_space<vmem>>[vector<16xi32>, vector<16xi32>], vector<16xf32>,
        %select_n3A_648 = arith.select %broadcast_in_dim3A_599, %gather3A_647, %gather3A_646 : vector<16xi1>, vector<16xf32>
        tpu.vector_store_idx %arg16[%add3A_620, %add3A_645], %select_n3A_648 : memref<256x64xf32, #tpu.memory_space<vmem>>[vector<16xi32>, vector<16xi32>], vector<16xf32>,
        %slice3A_649 = vector.extract_strided_slice %min3A_44 {offsets = [15], sizes = [1], strides = [1]} : vector<16xi32> to vector<1xi32>
        %squeeze3A_650 = vector.extract %slice3A_649[0] : i32 from vector<1xi32>
        %mul3A_651 = arith.constant 128 : i32
        %mul3A_652 = arith.muli %squeeze3A_650, %mul3A_651 : i32
        %multiple_of3A_653 = tpu.assume_multiple %mul3A_652, 128 : i32
        %dma_start3A_654 = arith.constant 0 : i32
        %dma_start3A_655 = tpu.memref_slice %arg3[%dma_start3A_654, %multiple_of3A_653] : memref<64x1000000xf32, #tpu.memory_space<hbm>> -> memref<64x128xf32, #tpu.memory_space<hbm>>
        %dma_start3A_656 = arith.constant 0 : i32
        %dma_start3A_657 = tpu.memref_slice %arg3[%dma_start3A_656, %multiple_of3A_653] : memref<64x1000000xf32, #tpu.memory_space<hbm>> -> memref<64x128xf32, #tpu.memory_space<hbm>>
        tpu.enqueue_dma source(%dma_start3A_657 : memref<64x128xf32, #tpu.memory_space<hbm>>) target(%arg14 : memref<64x128xf32, #tpu.memory_space<vmem>>) target_semaphore(%arg24 : memref<!tpu.dma_semaphore, #tpu.memory_space<semaphore_mem>>)
        %dma_wait3A_658 = arith.constant 0 : i32
        %dma_wait3A_659 = arith.constant 0 : i32
        %dma_wait3A_660 = tpu.memref_slice %arg3[%dma_wait3A_658, %dma_wait3A_659] : memref<64x1000000xf32, #tpu.memory_space<hbm>> -> memref<64x128xf32, #tpu.memory_space<hbm>>
        %dma_wait3A_661 = arith.constant 0 : i32
        %dma_wait3A_662 = arith.constant 0 : i32
        %dma_wait3A_663 = tpu.memref_slice %arg3[%dma_wait3A_661, %dma_wait3A_662] : memref<64x1000000xf32, #tpu.memory_space<hbm>> -> memref<64x128xf32, #tpu.memory_space<hbm>>
        tpu.wait_dma2 semaphore(%arg17 : memref<!tpu.dma_semaphore, #tpu.memory_space<semaphore_mem>>) src(%dma_wait3A_663 : memref<64x128xf32, #tpu.memory_space<hbm>>) dst(%arg7 : memref<64x128xf32, #tpu.memory_space<vmem>>)
        %slice3A_664 = vector.extract_strided_slice %get3A_40 {offsets = [8], sizes = [1], strides = [1]} : vector<16xi32> to vector<1xi32>
        %squeeze3A_665 = vector.extract %slice3A_664[0] : i32 from vector<1xi32>
        %ge3A_666 = arith.constant 999936 : i32
        %ge3A_667 = arith.cmpi sge, %squeeze3A_665, %ge3A_666 : i32
        %broadcast_in_dim3A_668 = vector.broadcast %ge3A_667 : i1 to vector<16xi1>
        %slice3A_669 = vector.extract_strided_slice %min3A_44 {offsets = [8], sizes = [1], strides = [1]} : vector<16xi32> to vector<1xi32>
        %squeeze3A_670 = vector.extract %slice3A_669[0] : i32 from vector<1xi32>
        %mul3A_671 = arith.constant 128 : i32
        %mul3A_672 = arith.muli %squeeze3A_670, %mul3A_671 : i32
        %sub3A_673 = arith.subi %squeeze3A_665, %mul3A_672 : i32
        %min3A_674 = arith.constant 127 : i32
        %min3A_675 = arith.minsi %sub3A_673, %min3A_674 : i32
        %broadcast_in_dim3A_676 = vector.broadcast %min3A_675 : i32 to vector<16xi32>
        %sub3A_677 = arith.constant 999936 : i32
        %sub3A_678 = arith.subi %squeeze3A_665, %sub3A_677 : i32
        %jit3A_679 = arith.constant 0 : i32
        %jit3A_680 = arith.constant 63 : i32
        %max3A_681 = arith.maxsi %jit3A_679, %sub3A_678 : i32
        %min3A_682 = arith.minsi %jit3A_680, %max3A_681 : i32
        %broadcast_in_dim3A_683 = vector.broadcast %min3A_682 : i32 to vector<16xi32>
        %add3A_684 = arith.constant 8 : i32
        %add3A_685 = arith.addi %mul3A_39, %add3A_684 : i32
        %broadcast_in_dim3A_686 = arith.constant 0 : i32
        %broadcast_in_dim3A_687 = vector.broadcast %broadcast_in_dim3A_686 : i32 to vector<16xi32>
        %add3A_688 = vector.broadcast %add3A_685 : i32 to vector<16xi32>
        %add3A_689 = arith.addi %add3A_688, %broadcast_in_dim3A_687 : vector<16xi32>
        %iota3A_690 = tpu.iota {dimensions = array<i32: 0>} : vector<16xi32>
        %add3A_691 = arith.constant 0 : i32
        %add3A_692 = vector.broadcast %add3A_691 : i32 to vector<16xi32>
        %add3A_693 = arith.addi %add3A_692, %iota3A_690 : vector<16xi32>
        %gather3A_694 = tpu.vector_load_idx %arg7[%add3A_693, %broadcast_in_dim3A_676] : memref<64x128xf32, #tpu.memory_space<vmem>>[vector<16xi32>, vector<16xi32>], vector<16xf32>,
        %gather3A_695 = tpu.vector_load_idx %arg15[%broadcast_in_dim3A_683, %add3A_693] : memref<64x64xf32, #tpu.memory_space<vmem>>[vector<16xi32>, vector<16xi32>], vector<16xf32>,
        %select_n3A_696 = arith.select %broadcast_in_dim3A_668, %gather3A_695, %gather3A_694 : vector<16xi1>, vector<16xf32>
        tpu.vector_store_idx %arg16[%add3A_689, %add3A_693], %select_n3A_696 : memref<256x64xf32, #tpu.memory_space<vmem>>[vector<16xi32>, vector<16xi32>], vector<16xf32>,
        %iota3A_697 = tpu.iota {dimensions = array<i32: 0>} : vector<16xi32>
        %add3A_698 = arith.constant 16 : i32
        %add3A_699 = vector.broadcast %add3A_698 : i32 to vector<16xi32>
        %add3A_700 = arith.addi %add3A_699, %iota3A_697 : vector<16xi32>
        %gather3A_701 = tpu.vector_load_idx %arg7[%add3A_700, %broadcast_in_dim3A_676] : memref<64x128xf32, #tpu.memory_space<vmem>>[vector<16xi32>, vector<16xi32>], vector<16xf32>,
        %gather3A_702 = tpu.vector_load_idx %arg15[%broadcast_in_dim3A_683, %add3A_700] : memref<64x64xf32, #tpu.memory_space<vmem>>[vector<16xi32>, vector<16xi32>], vector<16xf32>,
        %select_n3A_703 = arith.select %broadcast_in_dim3A_668, %gather3A_702, %gather3A_701 : vector<16xi1>, vector<16xf32>
        tpu.vector_store_idx %arg16[%add3A_689, %add3A_700], %select_n3A_703 : memref<256x64xf32, #tpu.memory_space<vmem>>[vector<16xi32>, vector<16xi32>], vector<16xf32>,
        %iota3A_704 = tpu.iota {dimensions = array<i32: 0>} : vector<16xi32>
        %add3A_705 = arith.constant 32 : i32
        %add3A_706 = vector.broadcast %add3A_705 : i32 to vector<16xi32>
        %add3A_707 = arith.addi %add3A_706, %iota3A_704 : vector<16xi32>
        %gather3A_708 = tpu.vector_load_idx %arg7[%add3A_707, %broadcast_in_dim3A_676] : memref<64x128xf32, #tpu.memory_space<vmem>>[vector<16xi32>, vector<16xi32>], vector<16xf32>,
        %gather3A_709 = tpu.vector_load_idx %arg15[%broadcast_in_dim3A_683, %add3A_707] : memref<64x64xf32, #tpu.memory_space<vmem>>[vector<16xi32>, vector<16xi32>], vector<16xf32>,
        %select_n3A_710 = arith.select %broadcast_in_dim3A_668, %gather3A_709, %gather3A_708 : vector<16xi1>, vector<16xf32>
        tpu.vector_store_idx %arg16[%add3A_689, %add3A_707], %select_n3A_710 : memref<256x64xf32, #tpu.memory_space<vmem>>[vector<16xi32>, vector<16xi32>], vector<16xf32>,
        %iota3A_711 = tpu.iota {dimensions = array<i32: 0>} : vector<16xi32>
        %add3A_712 = arith.constant 48 : i32
        %add3A_713 = vector.broadcast %add3A_712 : i32 to vector<16xi32>
        %add3A_714 = arith.addi %add3A_713, %iota3A_711 : vector<16xi32>
        %gather3A_715 = tpu.vector_load_idx %arg7[%add3A_714, %broadcast_in_dim3A_676] : memref<64x128xf32, #tpu.memory_space<vmem>>[vector<16xi32>, vector<16xi32>], vector<16xf32>,
        %gather3A_716 = tpu.vector_load_idx %arg15[%broadcast_in_dim3A_683, %add3A_714] : memref<64x64xf32, #tpu.memory_space<vmem>>[vector<16xi32>, vector<16xi32>], vector<16xf32>,
        %select_n3A_717 = arith.select %broadcast_in_dim3A_668, %gather3A_716, %gather3A_715 : vector<16xi1>, vector<16xf32>
        tpu.vector_store_idx %arg16[%add3A_689, %add3A_714], %select_n3A_717 : memref<256x64xf32, #tpu.memory_space<vmem>>[vector<16xi32>, vector<16xi32>], vector<16xf32>,
        %dma_wait3A_718 = arith.constant 0 : i32
        %dma_wait3A_719 = arith.constant 0 : i32
        %dma_wait3A_720 = tpu.memref_slice %arg3[%dma_wait3A_718, %dma_wait3A_719] : memref<64x1000000xf32, #tpu.memory_space<hbm>> -> memref<64x128xf32, #tpu.memory_space<hbm>>
        %dma_wait3A_721 = arith.constant 0 : i32
        %dma_wait3A_722 = arith.constant 0 : i32
        %dma_wait3A_723 = tpu.memref_slice %arg3[%dma_wait3A_721, %dma_wait3A_722] : memref<64x1000000xf32, #tpu.memory_space<hbm>> -> memref<64x128xf32, #tpu.memory_space<hbm>>
        tpu.wait_dma2 semaphore(%arg18 : memref<!tpu.dma_semaphore, #tpu.memory_space<semaphore_mem>>) src(%dma_wait3A_723 : memref<64x128xf32, #tpu.memory_space<hbm>>) dst(%arg8 : memref<64x128xf32, #tpu.memory_space<vmem>>)
        %slice3A_724 = vector.extract_strided_slice %get3A_40 {offsets = [9], sizes = [1], strides = [1]} : vector<16xi32> to vector<1xi32>
        %squeeze3A_725 = vector.extract %slice3A_724[0] : i32 from vector<1xi32>
        %ge3A_726 = arith.constant 999936 : i32
        %ge3A_727 = arith.cmpi sge, %squeeze3A_725, %ge3A_726 : i32
        %broadcast_in_dim3A_728 = vector.broadcast %ge3A_727 : i1 to vector<16xi1>
        %slice3A_729 = vector.extract_strided_slice %min3A_44 {offsets = [9], sizes = [1], strides = [1]} : vector<16xi32> to vector<1xi32>
        %squeeze3A_730 = vector.extract %slice3A_729[0] : i32 from vector<1xi32>
        %mul3A_731 = arith.constant 128 : i32
        %mul3A_732 = arith.muli %squeeze3A_730, %mul3A_731 : i32
        %sub3A_733 = arith.subi %squeeze3A_725, %mul3A_732 : i32
        %min3A_734 = arith.constant 127 : i32
        %min3A_735 = arith.minsi %sub3A_733, %min3A_734 : i32
        %broadcast_in_dim3A_736 = vector.broadcast %min3A_735 : i32 to vector<16xi32>
        %sub3A_737 = arith.constant 999936 : i32
        %sub3A_738 = arith.subi %squeeze3A_725, %sub3A_737 : i32
        %jit3A_739 = arith.constant 0 : i32
        %jit3A_740 = arith.constant 63 : i32
        %max3A_741 = arith.maxsi %jit3A_739, %sub3A_738 : i32
        %min3A_742 = arith.minsi %jit3A_740, %max3A_741 : i32
        %broadcast_in_dim3A_743 = vector.broadcast %min3A_742 : i32 to vector<16xi32>
        %add3A_744 = arith.constant 9 : i32
        %add3A_745 = arith.addi %mul3A_39, %add3A_744 : i32
        %broadcast_in_dim3A_746 = arith.constant 0 : i32
        %broadcast_in_dim3A_747 = vector.broadcast %broadcast_in_dim3A_746 : i32 to vector<16xi32>
        %add3A_748 = vector.broadcast %add3A_745 : i32 to vector<16xi32>
        %add3A_749 = arith.addi %add3A_748, %broadcast_in_dim3A_747 : vector<16xi32>
        %iota3A_750 = tpu.iota {dimensions = array<i32: 0>} : vector<16xi32>
        %add3A_751 = arith.constant 0 : i32
        %add3A_752 = vector.broadcast %add3A_751 : i32 to vector<16xi32>
        %add3A_753 = arith.addi %add3A_752, %iota3A_750 : vector<16xi32>
        %gather3A_754 = tpu.vector_load_idx %arg8[%add3A_753, %broadcast_in_dim3A_736] : memref<64x128xf32, #tpu.memory_space<vmem>>[vector<16xi32>, vector<16xi32>], vector<16xf32>,
        %gather3A_755 = tpu.vector_load_idx %arg15[%broadcast_in_dim3A_743, %add3A_753] : memref<64x64xf32, #tpu.memory_space<vmem>>[vector<16xi32>, vector<16xi32>], vector<16xf32>,
        %select_n3A_756 = arith.select %broadcast_in_dim3A_728, %gather3A_755, %gather3A_754 : vector<16xi1>, vector<16xf32>
        tpu.vector_store_idx %arg16[%add3A_749, %add3A_753], %select_n3A_756 : memref<256x64xf32, #tpu.memory_space<vmem>>[vector<16xi32>, vector<16xi32>], vector<16xf32>,
        %iota3A_757 = tpu.iota {dimensions = array<i32: 0>} : vector<16xi32>
        %add3A_758 = arith.constant 16 : i32
        %add3A_759 = vector.broadcast %add3A_758 : i32 to vector<16xi32>
        %add3A_760 = arith.addi %add3A_759, %iota3A_757 : vector<16xi32>
        %gather3A_761 = tpu.vector_load_idx %arg8[%add3A_760, %broadcast_in_dim3A_736] : memref<64x128xf32, #tpu.memory_space<vmem>>[vector<16xi32>, vector<16xi32>], vector<16xf32>,
        %gather3A_762 = tpu.vector_load_idx %arg15[%broadcast_in_dim3A_743, %add3A_760] : memref<64x64xf32, #tpu.memory_space<vmem>>[vector<16xi32>, vector<16xi32>], vector<16xf32>,
        %select_n3A_763 = arith.select %broadcast_in_dim3A_728, %gather3A_762, %gather3A_761 : vector<16xi1>, vector<16xf32>
        tpu.vector_store_idx %arg16[%add3A_749, %add3A_760], %select_n3A_763 : memref<256x64xf32, #tpu.memory_space<vmem>>[vector<16xi32>, vector<16xi32>], vector<16xf32>,
        %iota3A_764 = tpu.iota {dimensions = array<i32: 0>} : vector<16xi32>
        %add3A_765 = arith.constant 32 : i32
        %add3A_766 = vector.broadcast %add3A_765 : i32 to vector<16xi32>
        %add3A_767 = arith.addi %add3A_766, %iota3A_764 : vector<16xi32>
        %gather3A_768 = tpu.vector_load_idx %arg8[%add3A_767, %broadcast_in_dim3A_736] : memref<64x128xf32, #tpu.memory_space<vmem>>[vector<16xi32>, vector<16xi32>], vector<16xf32>,
        %gather3A_769 = tpu.vector_load_idx %arg15[%broadcast_in_dim3A_743, %add3A_767] : memref<64x64xf32, #tpu.memory_space<vmem>>[vector<16xi32>, vector<16xi32>], vector<16xf32>,
        %select_n3A_770 = arith.select %broadcast_in_dim3A_728, %gather3A_769, %gather3A_768 : vector<16xi1>, vector<16xf32>
        tpu.vector_store_idx %arg16[%add3A_749, %add3A_767], %select_n3A_770 : memref<256x64xf32, #tpu.memory_space<vmem>>[vector<16xi32>, vector<16xi32>], vector<16xf32>,
        %iota3A_771 = tpu.iota {dimensions = array<i32: 0>} : vector<16xi32>
        %add3A_772 = arith.constant 48 : i32
        %add3A_773 = vector.broadcast %add3A_772 : i32 to vector<16xi32>
        %add3A_774 = arith.addi %add3A_773, %iota3A_771 : vector<16xi32>
        %gather3A_775 = tpu.vector_load_idx %arg8[%add3A_774, %broadcast_in_dim3A_736] : memref<64x128xf32, #tpu.memory_space<vmem>>[vector<16xi32>, vector<16xi32>], vector<16xf32>,
        %gather3A_776 = tpu.vector_load_idx %arg15[%broadcast_in_dim3A_743, %add3A_774] : memref<64x64xf32, #tpu.memory_space<vmem>>[vector<16xi32>, vector<16xi32>], vector<16xf32>,
        %select_n3A_777 = arith.select %broadcast_in_dim3A_728, %gather3A_776, %gather3A_775 : vector<16xi1>, vector<16xf32>
        tpu.vector_store_idx %arg16[%add3A_749, %add3A_774], %select_n3A_777 : memref<256x64xf32, #tpu.memory_space<vmem>>[vector<16xi32>, vector<16xi32>], vector<16xf32>,
        %dma_wait3A_778 = arith.constant 0 : i32
        %dma_wait3A_779 = arith.constant 0 : i32
        %dma_wait3A_780 = tpu.memref_slice %arg3[%dma_wait3A_778, %dma_wait3A_779] : memref<64x1000000xf32, #tpu.memory_space<hbm>> -> memref<64x128xf32, #tpu.memory_space<hbm>>
        %dma_wait3A_781 = arith.constant 0 : i32
        %dma_wait3A_782 = arith.constant 0 : i32
        %dma_wait3A_783 = tpu.memref_slice %arg3[%dma_wait3A_781, %dma_wait3A_782] : memref<64x1000000xf32, #tpu.memory_space<hbm>> -> memref<64x128xf32, #tpu.memory_space<hbm>>
        tpu.wait_dma2 semaphore(%arg19 : memref<!tpu.dma_semaphore, #tpu.memory_space<semaphore_mem>>) src(%dma_wait3A_783 : memref<64x128xf32, #tpu.memory_space<hbm>>) dst(%arg9 : memref<64x128xf32, #tpu.memory_space<vmem>>)
        %slice3A_784 = vector.extract_strided_slice %get3A_40 {offsets = [10], sizes = [1], strides = [1]} : vector<16xi32> to vector<1xi32>
        %squeeze3A_785 = vector.extract %slice3A_784[0] : i32 from vector<1xi32>
        %ge3A_786 = arith.constant 999936 : i32
        %ge3A_787 = arith.cmpi sge, %squeeze3A_785, %ge3A_786 : i32
        %broadcast_in_dim3A_788 = vector.broadcast %ge3A_787 : i1 to vector<16xi1>
        %slice3A_789 = vector.extract_strided_slice %min3A_44 {offsets = [10], sizes = [1], strides = [1]} : vector<16xi32> to vector<1xi32>
        %squeeze3A_790 = vector.extract %slice3A_789[0] : i32 from vector<1xi32>
        %mul3A_791 = arith.constant 128 : i32
        %mul3A_792 = arith.muli %squeeze3A_790, %mul3A_791 : i32
        %sub3A_793 = arith.subi %squeeze3A_785, %mul3A_792 : i32
        %min3A_794 = arith.constant 127 : i32
        %min3A_795 = arith.minsi %sub3A_793, %min3A_794 : i32
        %broadcast_in_dim3A_796 = vector.broadcast %min3A_795 : i32 to vector<16xi32>
        %sub3A_797 = arith.constant 999936 : i32
        %sub3A_798 = arith.subi %squeeze3A_785, %sub3A_797 : i32
        %jit3A_799 = arith.constant 0 : i32
        %jit3A_800 = arith.constant 63 : i32
        %max3A_801 = arith.maxsi %jit3A_799, %sub3A_798 : i32
        %min3A_802 = arith.minsi %jit3A_800, %max3A_801 : i32
        %broadcast_in_dim3A_803 = vector.broadcast %min3A_802 : i32 to vector<16xi32>
        %add3A_804 = arith.constant 10 : i32
        %add3A_805 = arith.addi %mul3A_39, %add3A_804 : i32
        %broadcast_in_dim3A_806 = arith.constant 0 : i32
        %broadcast_in_dim3A_807 = vector.broadcast %broadcast_in_dim3A_806 : i32 to vector<16xi32>
        %add3A_808 = vector.broadcast %add3A_805 : i32 to vector<16xi32>
        %add3A_809 = arith.addi %add3A_808, %broadcast_in_dim3A_807 : vector<16xi32>
        %iota3A_810 = tpu.iota {dimensions = array<i32: 0>} : vector<16xi32>
        %add3A_811 = arith.constant 0 : i32
        %add3A_812 = vector.broadcast %add3A_811 : i32 to vector<16xi32>
        %add3A_813 = arith.addi %add3A_812, %iota3A_810 : vector<16xi32>
        %gather3A_814 = tpu.vector_load_idx %arg9[%add3A_813, %broadcast_in_dim3A_796] : memref<64x128xf32, #tpu.memory_space<vmem>>[vector<16xi32>, vector<16xi32>], vector<16xf32>,
        %gather3A_815 = tpu.vector_load_idx %arg15[%broadcast_in_dim3A_803, %add3A_813] : memref<64x64xf32, #tpu.memory_space<vmem>>[vector<16xi32>, vector<16xi32>], vector<16xf32>,
        %select_n3A_816 = arith.select %broadcast_in_dim3A_788, %gather3A_815, %gather3A_814 : vector<16xi1>, vector<16xf32>
        tpu.vector_store_idx %arg16[%add3A_809, %add3A_813], %select_n3A_816 : memref<256x64xf32, #tpu.memory_space<vmem>>[vector<16xi32>, vector<16xi32>], vector<16xf32>,
        %iota3A_817 = tpu.iota {dimensions = array<i32: 0>} : vector<16xi32>
        %add3A_818 = arith.constant 16 : i32
        %add3A_819 = vector.broadcast %add3A_818 : i32 to vector<16xi32>
        %add3A_820 = arith.addi %add3A_819, %iota3A_817 : vector<16xi32>
        %gather3A_821 = tpu.vector_load_idx %arg9[%add3A_820, %broadcast_in_dim3A_796] : memref<64x128xf32, #tpu.memory_space<vmem>>[vector<16xi32>, vector<16xi32>], vector<16xf32>,
        %gather3A_822 = tpu.vector_load_idx %arg15[%broadcast_in_dim3A_803, %add3A_820] : memref<64x64xf32, #tpu.memory_space<vmem>>[vector<16xi32>, vector<16xi32>], vector<16xf32>,
        %select_n3A_823 = arith.select %broadcast_in_dim3A_788, %gather3A_822, %gather3A_821 : vector<16xi1>, vector<16xf32>
        tpu.vector_store_idx %arg16[%add3A_809, %add3A_820], %select_n3A_823 : memref<256x64xf32, #tpu.memory_space<vmem>>[vector<16xi32>, vector<16xi32>], vector<16xf32>,
        %iota3A_824 = tpu.iota {dimensions = array<i32: 0>} : vector<16xi32>
        %add3A_825 = arith.constant 32 : i32
        %add3A_826 = vector.broadcast %add3A_825 : i32 to vector<16xi32>
        %add3A_827 = arith.addi %add3A_826, %iota3A_824 : vector<16xi32>
        %gather3A_828 = tpu.vector_load_idx %arg9[%add3A_827, %broadcast_in_dim3A_796] : memref<64x128xf32, #tpu.memory_space<vmem>>[vector<16xi32>, vector<16xi32>], vector<16xf32>,
        %gather3A_829 = tpu.vector_load_idx %arg15[%broadcast_in_dim3A_803, %add3A_827] : memref<64x64xf32, #tpu.memory_space<vmem>>[vector<16xi32>, vector<16xi32>], vector<16xf32>,
        %select_n3A_830 = arith.select %broadcast_in_dim3A_788, %gather3A_829, %gather3A_828 : vector<16xi1>, vector<16xf32>
        tpu.vector_store_idx %arg16[%add3A_809, %add3A_827], %select_n3A_830 : memref<256x64xf32, #tpu.memory_space<vmem>>[vector<16xi32>, vector<16xi32>], vector<16xf32>,
        %iota3A_831 = tpu.iota {dimensions = array<i32: 0>} : vector<16xi32>
        %add3A_832 = arith.constant 48 : i32
        %add3A_833 = vector.broadcast %add3A_832 : i32 to vector<16xi32>
        %add3A_834 = arith.addi %add3A_833, %iota3A_831 : vector<16xi32>
        %gather3A_835 = tpu.vector_load_idx %arg9[%add3A_834, %broadcast_in_dim3A_796] : memref<64x128xf32, #tpu.memory_space<vmem>>[vector<16xi32>, vector<16xi32>], vector<16xf32>,
        %gather3A_836 = tpu.vector_load_idx %arg15[%broadcast_in_dim3A_803, %add3A_834] : memref<64x64xf32, #tpu.memory_space<vmem>>[vector<16xi32>, vector<16xi32>], vector<16xf32>,
        %select_n3A_837 = arith.select %broadcast_in_dim3A_788, %gather3A_836, %gather3A_835 : vector<16xi1>, vector<16xf32>
        tpu.vector_store_idx %arg16[%add3A_809, %add3A_834], %select_n3A_837 : memref<256x64xf32, #tpu.memory_space<vmem>>[vector<16xi32>, vector<16xi32>], vector<16xf32>,
        %dma_wait3A_838 = arith.constant 0 : i32
        %dma_wait3A_839 = arith.constant 0 : i32
        %dma_wait3A_840 = tpu.memref_slice %arg3[%dma_wait3A_838, %dma_wait3A_839] : memref<64x1000000xf32, #tpu.memory_space<hbm>> -> memref<64x128xf32, #tpu.memory_space<hbm>>
        %dma_wait3A_841 = arith.constant 0 : i32
        %dma_wait3A_842 = arith.constant 0 : i32
        %dma_wait3A_843 = tpu.memref_slice %arg3[%dma_wait3A_841, %dma_wait3A_842] : memref<64x1000000xf32, #tpu.memory_space<hbm>> -> memref<64x128xf32, #tpu.memory_space<hbm>>
        tpu.wait_dma2 semaphore(%arg20 : memref<!tpu.dma_semaphore, #tpu.memory_space<semaphore_mem>>) src(%dma_wait3A_843 : memref<64x128xf32, #tpu.memory_space<hbm>>) dst(%arg10 : memref<64x128xf32, #tpu.memory_space<vmem>>)
        %slice3A_844 = vector.extract_strided_slice %get3A_40 {offsets = [11], sizes = [1], strides = [1]} : vector<16xi32> to vector<1xi32>
        %squeeze3A_845 = vector.extract %slice3A_844[0] : i32 from vector<1xi32>
        %ge3A_846 = arith.constant 999936 : i32
        %ge3A_847 = arith.cmpi sge, %squeeze3A_845, %ge3A_846 : i32
        %broadcast_in_dim3A_848 = vector.broadcast %ge3A_847 : i1 to vector<16xi1>
        %slice3A_849 = vector.extract_strided_slice %min3A_44 {offsets = [11], sizes = [1], strides = [1]} : vector<16xi32> to vector<1xi32>
        %squeeze3A_850 = vector.extract %slice3A_849[0] : i32 from vector<1xi32>
        %mul3A_851 = arith.constant 128 : i32
        %mul3A_852 = arith.muli %squeeze3A_850, %mul3A_851 : i32
        %sub3A_853 = arith.subi %squeeze3A_845, %mul3A_852 : i32
        %min3A_854 = arith.constant 127 : i32
        %min3A_855 = arith.minsi %sub3A_853, %min3A_854 : i32
        %broadcast_in_dim3A_856 = vector.broadcast %min3A_855 : i32 to vector<16xi32>
        %sub3A_857 = arith.constant 999936 : i32
        %sub3A_858 = arith.subi %squeeze3A_845, %sub3A_857 : i32
        %jit3A_859 = arith.constant 0 : i32
        %jit3A_860 = arith.constant 63 : i32
        %max3A_861 = arith.maxsi %jit3A_859, %sub3A_858 : i32
        %min3A_862 = arith.minsi %jit3A_860, %max3A_861 : i32
        %broadcast_in_dim3A_863 = vector.broadcast %min3A_862 : i32 to vector<16xi32>
        %add3A_864 = arith.constant 11 : i32
        %add3A_865 = arith.addi %mul3A_39, %add3A_864 : i32
        %broadcast_in_dim3A_866 = arith.constant 0 : i32
        %broadcast_in_dim3A_867 = vector.broadcast %broadcast_in_dim3A_866 : i32 to vector<16xi32>
        %add3A_868 = vector.broadcast %add3A_865 : i32 to vector<16xi32>
        %add3A_869 = arith.addi %add3A_868, %broadcast_in_dim3A_867 : vector<16xi32>
        %iota3A_870 = tpu.iota {dimensions = array<i32: 0>} : vector<16xi32>
        %add3A_871 = arith.constant 0 : i32
        %add3A_872 = vector.broadcast %add3A_871 : i32 to vector<16xi32>
        %add3A_873 = arith.addi %add3A_872, %iota3A_870 : vector<16xi32>
        %gather3A_874 = tpu.vector_load_idx %arg10[%add3A_873, %broadcast_in_dim3A_856] : memref<64x128xf32, #tpu.memory_space<vmem>>[vector<16xi32>, vector<16xi32>], vector<16xf32>,
        %gather3A_875 = tpu.vector_load_idx %arg15[%broadcast_in_dim3A_863, %add3A_873] : memref<64x64xf32, #tpu.memory_space<vmem>>[vector<16xi32>, vector<16xi32>], vector<16xf32>,
        %select_n3A_876 = arith.select %broadcast_in_dim3A_848, %gather3A_875, %gather3A_874 : vector<16xi1>, vector<16xf32>
        tpu.vector_store_idx %arg16[%add3A_869, %add3A_873], %select_n3A_876 : memref<256x64xf32, #tpu.memory_space<vmem>>[vector<16xi32>, vector<16xi32>], vector<16xf32>,
        %iota3A_877 = tpu.iota {dimensions = array<i32: 0>} : vector<16xi32>
        %add3A_878 = arith.constant 16 : i32
        %add3A_879 = vector.broadcast %add3A_878 : i32 to vector<16xi32>
        %add3A_880 = arith.addi %add3A_879, %iota3A_877 : vector<16xi32>
        %gather3A_881 = tpu.vector_load_idx %arg10[%add3A_880, %broadcast_in_dim3A_856] : memref<64x128xf32, #tpu.memory_space<vmem>>[vector<16xi32>, vector<16xi32>], vector<16xf32>,
        %gather3A_882 = tpu.vector_load_idx %arg15[%broadcast_in_dim3A_863, %add3A_880] : memref<64x64xf32, #tpu.memory_space<vmem>>[vector<16xi32>, vector<16xi32>], vector<16xf32>,
        %select_n3A_883 = arith.select %broadcast_in_dim3A_848, %gather3A_882, %gather3A_881 : vector<16xi1>, vector<16xf32>
        tpu.vector_store_idx %arg16[%add3A_869, %add3A_880], %select_n3A_883 : memref<256x64xf32, #tpu.memory_space<vmem>>[vector<16xi32>, vector<16xi32>], vector<16xf32>,
        %iota3A_884 = tpu.iota {dimensions = array<i32: 0>} : vector<16xi32>
        %add3A_885 = arith.constant 32 : i32
        %add3A_886 = vector.broadcast %add3A_885 : i32 to vector<16xi32>
        %add3A_887 = arith.addi %add3A_886, %iota3A_884 : vector<16xi32>
        %gather3A_888 = tpu.vector_load_idx %arg10[%add3A_887, %broadcast_in_dim3A_856] : memref<64x128xf32, #tpu.memory_space<vmem>>[vector<16xi32>, vector<16xi32>], vector<16xf32>,
        %gather3A_889 = tpu.vector_load_idx %arg15[%broadcast_in_dim3A_863, %add3A_887] : memref<64x64xf32, #tpu.memory_space<vmem>>[vector<16xi32>, vector<16xi32>], vector<16xf32>,
        %select_n3A_890 = arith.select %broadcast_in_dim3A_848, %gather3A_889, %gather3A_888 : vector<16xi1>, vector<16xf32>
        tpu.vector_store_idx %arg16[%add3A_869, %add3A_887], %select_n3A_890 : memref<256x64xf32, #tpu.memory_space<vmem>>[vector<16xi32>, vector<16xi32>], vector<16xf32>,
        %iota3A_891 = tpu.iota {dimensions = array<i32: 0>} : vector<16xi32>
        %add3A_892 = arith.constant 48 : i32
        %add3A_893 = vector.broadcast %add3A_892 : i32 to vector<16xi32>
        %add3A_894 = arith.addi %add3A_893, %iota3A_891 : vector<16xi32>
        %gather3A_895 = tpu.vector_load_idx %arg10[%add3A_894, %broadcast_in_dim3A_856] : memref<64x128xf32, #tpu.memory_space<vmem>>[vector<16xi32>, vector<16xi32>], vector<16xf32>,
        %gather3A_896 = tpu.vector_load_idx %arg15[%broadcast_in_dim3A_863, %add3A_894] : memref<64x64xf32, #tpu.memory_space<vmem>>[vector<16xi32>, vector<16xi32>], vector<16xf32>,
        %select_n3A_897 = arith.select %broadcast_in_dim3A_848, %gather3A_896, %gather3A_895 : vector<16xi1>, vector<16xf32>
        tpu.vector_store_idx %arg16[%add3A_869, %add3A_894], %select_n3A_897 : memref<256x64xf32, #tpu.memory_space<vmem>>[vector<16xi32>, vector<16xi32>], vector<16xf32>,
        %dma_wait3A_898 = arith.constant 0 : i32
        %dma_wait3A_899 = arith.constant 0 : i32
        %dma_wait3A_900 = tpu.memref_slice %arg3[%dma_wait3A_898, %dma_wait3A_899] : memref<64x1000000xf32, #tpu.memory_space<hbm>> -> memref<64x128xf32, #tpu.memory_space<hbm>>
        %dma_wait3A_901 = arith.constant 0 : i32
        %dma_wait3A_902 = arith.constant 0 : i32
        %dma_wait3A_903 = tpu.memref_slice %arg3[%dma_wait3A_901, %dma_wait3A_902] : memref<64x1000000xf32, #tpu.memory_space<hbm>> -> memref<64x128xf32, #tpu.memory_space<hbm>>
        tpu.wait_dma2 semaphore(%arg21 : memref<!tpu.dma_semaphore, #tpu.memory_space<semaphore_mem>>) src(%dma_wait3A_903 : memref<64x128xf32, #tpu.memory_space<hbm>>) dst(%arg11 : memref<64x128xf32, #tpu.memory_space<vmem>>)
        %slice3A_904 = vector.extract_strided_slice %get3A_40 {offsets = [12], sizes = [1], strides = [1]} : vector<16xi32> to vector<1xi32>
        %squeeze3A_905 = vector.extract %slice3A_904[0] : i32 from vector<1xi32>
        %ge3A_906 = arith.constant 999936 : i32
        %ge3A_907 = arith.cmpi sge, %squeeze3A_905, %ge3A_906 : i32
        %broadcast_in_dim3A_908 = vector.broadcast %ge3A_907 : i1 to vector<16xi1>
        %slice3A_909 = vector.extract_strided_slice %min3A_44 {offsets = [12], sizes = [1], strides = [1]} : vector<16xi32> to vector<1xi32>
        %squeeze3A_910 = vector.extract %slice3A_909[0] : i32 from vector<1xi32>
        %mul3A_911 = arith.constant 128 : i32
        %mul3A_912 = arith.muli %squeeze3A_910, %mul3A_911 : i32
        %sub3A_913 = arith.subi %squeeze3A_905, %mul3A_912 : i32
        %min3A_914 = arith.constant 127 : i32
        %min3A_915 = arith.minsi %sub3A_913, %min3A_914 : i32
        %broadcast_in_dim3A_916 = vector.broadcast %min3A_915 : i32 to vector<16xi32>
        %sub3A_917 = arith.constant 999936 : i32
        %sub3A_918 = arith.subi %squeeze3A_905, %sub3A_917 : i32
        %jit3A_919 = arith.constant 0 : i32
        %jit3A_920 = arith.constant 63 : i32
        %max3A_921 = arith.maxsi %jit3A_919, %sub3A_918 : i32
        %min3A_922 = arith.minsi %jit3A_920, %max3A_921 : i32
        %broadcast_in_dim3A_923 = vector.broadcast %min3A_922 : i32 to vector<16xi32>
        %add3A_924 = arith.constant 12 : i32
        %add3A_925 = arith.addi %mul3A_39, %add3A_924 : i32
        %broadcast_in_dim3A_926 = arith.constant 0 : i32
        %broadcast_in_dim3A_927 = vector.broadcast %broadcast_in_dim3A_926 : i32 to vector<16xi32>
        %add3A_928 = vector.broadcast %add3A_925 : i32 to vector<16xi32>
        %add3A_929 = arith.addi %add3A_928, %broadcast_in_dim3A_927 : vector<16xi32>
        %iota3A_930 = tpu.iota {dimensions = array<i32: 0>} : vector<16xi32>
        %add3A_931 = arith.constant 0 : i32
        %add3A_932 = vector.broadcast %add3A_931 : i32 to vector<16xi32>
        %add3A_933 = arith.addi %add3A_932, %iota3A_930 : vector<16xi32>
        %gather3A_934 = tpu.vector_load_idx %arg11[%add3A_933, %broadcast_in_dim3A_916] : memref<64x128xf32, #tpu.memory_space<vmem>>[vector<16xi32>, vector<16xi32>], vector<16xf32>,
        %gather3A_935 = tpu.vector_load_idx %arg15[%broadcast_in_dim3A_923, %add3A_933] : memref<64x64xf32, #tpu.memory_space<vmem>>[vector<16xi32>, vector<16xi32>], vector<16xf32>,
        %select_n3A_936 = arith.select %broadcast_in_dim3A_908, %gather3A_935, %gather3A_934 : vector<16xi1>, vector<16xf32>
        tpu.vector_store_idx %arg16[%add3A_929, %add3A_933], %select_n3A_936 : memref<256x64xf32, #tpu.memory_space<vmem>>[vector<16xi32>, vector<16xi32>], vector<16xf32>,
        %iota3A_937 = tpu.iota {dimensions = array<i32: 0>} : vector<16xi32>
        %add3A_938 = arith.constant 16 : i32
        %add3A_939 = vector.broadcast %add3A_938 : i32 to vector<16xi32>
        %add3A_940 = arith.addi %add3A_939, %iota3A_937 : vector<16xi32>
        %gather3A_941 = tpu.vector_load_idx %arg11[%add3A_940, %broadcast_in_dim3A_916] : memref<64x128xf32, #tpu.memory_space<vmem>>[vector<16xi32>, vector<16xi32>], vector<16xf32>,
        %gather3A_942 = tpu.vector_load_idx %arg15[%broadcast_in_dim3A_923, %add3A_940] : memref<64x64xf32, #tpu.memory_space<vmem>>[vector<16xi32>, vector<16xi32>], vector<16xf32>,
        %select_n3A_943 = arith.select %broadcast_in_dim3A_908, %gather3A_942, %gather3A_941 : vector<16xi1>, vector<16xf32>
        tpu.vector_store_idx %arg16[%add3A_929, %add3A_940], %select_n3A_943 : memref<256x64xf32, #tpu.memory_space<vmem>>[vector<16xi32>, vector<16xi32>], vector<16xf32>,
        %iota3A_944 = tpu.iota {dimensions = array<i32: 0>} : vector<16xi32>
        %add3A_945 = arith.constant 32 : i32
        %add3A_946 = vector.broadcast %add3A_945 : i32 to vector<16xi32>
        %add3A_947 = arith.addi %add3A_946, %iota3A_944 : vector<16xi32>
        %gather3A_948 = tpu.vector_load_idx %arg11[%add3A_947, %broadcast_in_dim3A_916] : memref<64x128xf32, #tpu.memory_space<vmem>>[vector<16xi32>, vector<16xi32>], vector<16xf32>,
        %gather3A_949 = tpu.vector_load_idx %arg15[%broadcast_in_dim3A_923, %add3A_947] : memref<64x64xf32, #tpu.memory_space<vmem>>[vector<16xi32>, vector<16xi32>], vector<16xf32>,
        %select_n3A_950 = arith.select %broadcast_in_dim3A_908, %gather3A_949, %gather3A_948 : vector<16xi1>, vector<16xf32>
        tpu.vector_store_idx %arg16[%add3A_929, %add3A_947], %select_n3A_950 : memref<256x64xf32, #tpu.memory_space<vmem>>[vector<16xi32>, vector<16xi32>], vector<16xf32>,
        %iota3A_951 = tpu.iota {dimensions = array<i32: 0>} : vector<16xi32>
        %add3A_952 = arith.constant 48 : i32
        %add3A_953 = vector.broadcast %add3A_952 : i32 to vector<16xi32>
        %add3A_954 = arith.addi %add3A_953, %iota3A_951 : vector<16xi32>
        %gather3A_955 = tpu.vector_load_idx %arg11[%add3A_954, %broadcast_in_dim3A_916] : memref<64x128xf32, #tpu.memory_space<vmem>>[vector<16xi32>, vector<16xi32>], vector<16xf32>,
        %gather3A_956 = tpu.vector_load_idx %arg15[%broadcast_in_dim3A_923, %add3A_954] : memref<64x64xf32, #tpu.memory_space<vmem>>[vector<16xi32>, vector<16xi32>], vector<16xf32>,
        %select_n3A_957 = arith.select %broadcast_in_dim3A_908, %gather3A_956, %gather3A_955 : vector<16xi1>, vector<16xf32>
        tpu.vector_store_idx %arg16[%add3A_929, %add3A_954], %select_n3A_957 : memref<256x64xf32, #tpu.memory_space<vmem>>[vector<16xi32>, vector<16xi32>], vector<16xf32>,
        %dma_wait3A_958 = arith.constant 0 : i32
        %dma_wait3A_959 = arith.constant 0 : i32
        %dma_wait3A_960 = tpu.memref_slice %arg3[%dma_wait3A_958, %dma_wait3A_959] : memref<64x1000000xf32, #tpu.memory_space<hbm>> -> memref<64x128xf32, #tpu.memory_space<hbm>>
        %dma_wait3A_961 = arith.constant 0 : i32
        %dma_wait3A_962 = arith.constant 0 : i32
        %dma_wait3A_963 = tpu.memref_slice %arg3[%dma_wait3A_961, %dma_wait3A_962] : memref<64x1000000xf32, #tpu.memory_space<hbm>> -> memref<64x128xf32, #tpu.memory_space<hbm>>
        tpu.wait_dma2 semaphore(%arg22 : memref<!tpu.dma_semaphore, #tpu.memory_space<semaphore_mem>>) src(%dma_wait3A_963 : memref<64x128xf32, #tpu.memory_space<hbm>>) dst(%arg12 : memref<64x128xf32, #tpu.memory_space<vmem>>)
        %slice3A_964 = vector.extract_strided_slice %get3A_40 {offsets = [13], sizes = [1], strides = [1]} : vector<16xi32> to vector<1xi32>
        %squeeze3A_965 = vector.extract %slice3A_964[0] : i32 from vector<1xi32>
        %ge3A_966 = arith.constant 999936 : i32
        %ge3A_967 = arith.cmpi sge, %squeeze3A_965, %ge3A_966 : i32
        %broadcast_in_dim3A_968 = vector.broadcast %ge3A_967 : i1 to vector<16xi1>
        %slice3A_969 = vector.extract_strided_slice %min3A_44 {offsets = [13], sizes = [1], strides = [1]} : vector<16xi32> to vector<1xi32>
        %squeeze3A_970 = vector.extract %slice3A_969[0] : i32 from vector<1xi32>
        %mul3A_971 = arith.constant 128 : i32
        %mul3A_972 = arith.muli %squeeze3A_970, %mul3A_971 : i32
        %sub3A_973 = arith.subi %squeeze3A_965, %mul3A_972 : i32
        %min3A_974 = arith.constant 127 : i32
        %min3A_975 = arith.minsi %sub3A_973, %min3A_974 : i32
        %broadcast_in_dim3A_976 = vector.broadcast %min3A_975 : i32 to vector<16xi32>
        %sub3A_977 = arith.constant 999936 : i32
        %sub3A_978 = arith.subi %squeeze3A_965, %sub3A_977 : i32
        %jit3A_979 = arith.constant 0 : i32
        %jit3A_980 = arith.constant 63 : i32
        %max3A_981 = arith.maxsi %jit3A_979, %sub3A_978 : i32
        %min3A_982 = arith.minsi %jit3A_980, %max3A_981 : i32
        %broadcast_in_dim3A_983 = vector.broadcast %min3A_982 : i32 to vector<16xi32>
        %add3A_984 = arith.constant 13 : i32
        %add3A_985 = arith.addi %mul3A_39, %add3A_984 : i32
        %broadcast_in_dim3A_986 = arith.constant 0 : i32
        %broadcast_in_dim3A_987 = vector.broadcast %broadcast_in_dim3A_986 : i32 to vector<16xi32>
        %add3A_988 = vector.broadcast %add3A_985 : i32 to vector<16xi32>
        %add3A_989 = arith.addi %add3A_988, %broadcast_in_dim3A_987 : vector<16xi32>
        %iota3A_990 = tpu.iota {dimensions = array<i32: 0>} : vector<16xi32>
        %add3A_991 = arith.constant 0 : i32
        %add3A_992 = vector.broadcast %add3A_991 : i32 to vector<16xi32>
        %add3A_993 = arith.addi %add3A_992, %iota3A_990 : vector<16xi32>
        %gather3A_994 = tpu.vector_load_idx %arg12[%add3A_993, %broadcast_in_dim3A_976] : memref<64x128xf32, #tpu.memory_space<vmem>>[vector<16xi32>, vector<16xi32>], vector<16xf32>,
        %gather3A_995 = tpu.vector_load_idx %arg15[%broadcast_in_dim3A_983, %add3A_993] : memref<64x64xf32, #tpu.memory_space<vmem>>[vector<16xi32>, vector<16xi32>], vector<16xf32>,
        %select_n3A_996 = arith.select %broadcast_in_dim3A_968, %gather3A_995, %gather3A_994 : vector<16xi1>, vector<16xf32>
        tpu.vector_store_idx %arg16[%add3A_989, %add3A_993], %select_n3A_996 : memref<256x64xf32, #tpu.memory_space<vmem>>[vector<16xi32>, vector<16xi32>], vector<16xf32>,
        %iota3A_997 = tpu.iota {dimensions = array<i32: 0>} : vector<16xi32>
        %add3A_998 = arith.constant 16 : i32
        %add3A_999 = vector.broadcast %add3A_998 : i32 to vector<16xi32>
        %add3A_1000 = arith.addi %add3A_999, %iota3A_997 : vector<16xi32>
        %gather3A_1001 = tpu.vector_load_idx %arg12[%add3A_1000, %broadcast_in_dim3A_976] : memref<64x128xf32, #tpu.memory_space<vmem>>[vector<16xi32>, vector<16xi32>], vector<16xf32>,
        %gather3A_1002 = tpu.vector_load_idx %arg15[%broadcast_in_dim3A_983, %add3A_1000] : memref<64x64xf32, #tpu.memory_space<vmem>>[vector<16xi32>, vector<16xi32>], vector<16xf32>,
        %select_n3A_1003 = arith.select %broadcast_in_dim3A_968, %gather3A_1002, %gather3A_1001 : vector<16xi1>, vector<16xf32>
        tpu.vector_store_idx %arg16[%add3A_989, %add3A_1000], %select_n3A_1003 : memref<256x64xf32, #tpu.memory_space<vmem>>[vector<16xi32>, vector<16xi32>], vector<16xf32>,
        %iota3A_1004 = tpu.iota {dimensions = array<i32: 0>} : vector<16xi32>
        %add3A_1005 = arith.constant 32 : i32
        %add3A_1006 = vector.broadcast %add3A_1005 : i32 to vector<16xi32>
        %add3A_1007 = arith.addi %add3A_1006, %iota3A_1004 : vector<16xi32>
        %gather3A_1008 = tpu.vector_load_idx %arg12[%add3A_1007, %broadcast_in_dim3A_976] : memref<64x128xf32, #tpu.memory_space<vmem>>[vector<16xi32>, vector<16xi32>], vector<16xf32>,
        %gather3A_1009 = tpu.vector_load_idx %arg15[%broadcast_in_dim3A_983, %add3A_1007] : memref<64x64xf32, #tpu.memory_space<vmem>>[vector<16xi32>, vector<16xi32>], vector<16xf32>,
        %select_n3A_1010 = arith.select %broadcast_in_dim3A_968, %gather3A_1009, %gather3A_1008 : vector<16xi1>, vector<16xf32>
        tpu.vector_store_idx %arg16[%add3A_989, %add3A_1007], %select_n3A_1010 : memref<256x64xf32, #tpu.memory_space<vmem>>[vector<16xi32>, vector<16xi32>], vector<16xf32>,
        %iota3A_1011 = tpu.iota {dimensions = array<i32: 0>} : vector<16xi32>
        %add3A_1012 = arith.constant 48 : i32
        %add3A_1013 = vector.broadcast %add3A_1012 : i32 to vector<16xi32>
        %add3A_1014 = arith.addi %add3A_1013, %iota3A_1011 : vector<16xi32>
        %gather3A_1015 = tpu.vector_load_idx %arg12[%add3A_1014, %broadcast_in_dim3A_976] : memref<64x128xf32, #tpu.memory_space<vmem>>[vector<16xi32>, vector<16xi32>], vector<16xf32>,
        %gather3A_1016 = tpu.vector_load_idx %arg15[%broadcast_in_dim3A_983, %add3A_1014] : memref<64x64xf32, #tpu.memory_space<vmem>>[vector<16xi32>, vector<16xi32>], vector<16xf32>,
        %select_n3A_1017 = arith.select %broadcast_in_dim3A_968, %gather3A_1016, %gather3A_1015 : vector<16xi1>, vector<16xf32>
        tpu.vector_store_idx %arg16[%add3A_989, %add3A_1014], %select_n3A_1017 : memref<256x64xf32, #tpu.memory_space<vmem>>[vector<16xi32>, vector<16xi32>], vector<16xf32>,
        %dma_wait3A_1018 = arith.constant 0 : i32
        %dma_wait3A_1019 = arith.constant 0 : i32
        %dma_wait3A_1020 = tpu.memref_slice %arg3[%dma_wait3A_1018, %dma_wait3A_1019] : memref<64x1000000xf32, #tpu.memory_space<hbm>> -> memref<64x128xf32, #tpu.memory_space<hbm>>
        %dma_wait3A_1021 = arith.constant 0 : i32
        %dma_wait3A_1022 = arith.constant 0 : i32
        %dma_wait3A_1023 = tpu.memref_slice %arg3[%dma_wait3A_1021, %dma_wait3A_1022] : memref<64x1000000xf32, #tpu.memory_space<hbm>> -> memref<64x128xf32, #tpu.memory_space<hbm>>
        tpu.wait_dma2 semaphore(%arg23 : memref<!tpu.dma_semaphore, #tpu.memory_space<semaphore_mem>>) src(%dma_wait3A_1023 : memref<64x128xf32, #tpu.memory_space<hbm>>) dst(%arg13 : memref<64x128xf32, #tpu.memory_space<vmem>>)
        %slice3A_1024 = vector.extract_strided_slice %get3A_40 {offsets = [14], sizes = [1], strides = [1]} : vector<16xi32> to vector<1xi32>
        %squeeze3A_1025 = vector.extract %slice3A_1024[0] : i32 from vector<1xi32>
        %ge3A_1026 = arith.constant 999936 : i32
        %ge3A_1027 = arith.cmpi sge, %squeeze3A_1025, %ge3A_1026 : i32
        %broadcast_in_dim3A_1028 = vector.broadcast %ge3A_1027 : i1 to vector<16xi1>
        %slice3A_1029 = vector.extract_strided_slice %min3A_44 {offsets = [14], sizes = [1], strides = [1]} : vector<16xi32> to vector<1xi32>
        %squeeze3A_1030 = vector.extract %slice3A_1029[0] : i32 from vector<1xi32>
        %mul3A_1031 = arith.constant 128 : i32
        %mul3A_1032 = arith.muli %squeeze3A_1030, %mul3A_1031 : i32
        %sub3A_1033 = arith.subi %squeeze3A_1025, %mul3A_1032 : i32
        %min3A_1034 = arith.constant 127 : i32
        %min3A_1035 = arith.minsi %sub3A_1033, %min3A_1034 : i32
        %broadcast_in_dim3A_1036 = vector.broadcast %min3A_1035 : i32 to vector<16xi32>
        %sub3A_1037 = arith.constant 999936 : i32
        %sub3A_1038 = arith.subi %squeeze3A_1025, %sub3A_1037 : i32
        %jit3A_1039 = arith.constant 0 : i32
        %jit3A_1040 = arith.constant 63 : i32
        %max3A_1041 = arith.maxsi %jit3A_1039, %sub3A_1038 : i32
        %min3A_1042 = arith.minsi %jit3A_1040, %max3A_1041 : i32
        %broadcast_in_dim3A_1043 = vector.broadcast %min3A_1042 : i32 to vector<16xi32>
        %add3A_1044 = arith.constant 14 : i32
        %add3A_1045 = arith.addi %mul3A_39, %add3A_1044 : i32
        %broadcast_in_dim3A_1046 = arith.constant 0 : i32
        %broadcast_in_dim3A_1047 = vector.broadcast %broadcast_in_dim3A_1046 : i32 to vector<16xi32>
        %add3A_1048 = vector.broadcast %add3A_1045 : i32 to vector<16xi32>
        %add3A_1049 = arith.addi %add3A_1048, %broadcast_in_dim3A_1047 : vector<16xi32>
        %iota3A_1050 = tpu.iota {dimensions = array<i32: 0>} : vector<16xi32>
        %add3A_1051 = arith.constant 0 : i32
        %add3A_1052 = vector.broadcast %add3A_1051 : i32 to vector<16xi32>
        %add3A_1053 = arith.addi %add3A_1052, %iota3A_1050 : vector<16xi32>
        %gather3A_1054 = tpu.vector_load_idx %arg13[%add3A_1053, %broadcast_in_dim3A_1036] : memref<64x128xf32, #tpu.memory_space<vmem>>[vector<16xi32>, vector<16xi32>], vector<16xf32>,
        %gather3A_1055 = tpu.vector_load_idx %arg15[%broadcast_in_dim3A_1043, %add3A_1053] : memref<64x64xf32, #tpu.memory_space<vmem>>[vector<16xi32>, vector<16xi32>], vector<16xf32>,
        %select_n3A_1056 = arith.select %broadcast_in_dim3A_1028, %gather3A_1055, %gather3A_1054 : vector<16xi1>, vector<16xf32>
        tpu.vector_store_idx %arg16[%add3A_1049, %add3A_1053], %select_n3A_1056 : memref<256x64xf32, #tpu.memory_space<vmem>>[vector<16xi32>, vector<16xi32>], vector<16xf32>,
        %iota3A_1057 = tpu.iota {dimensions = array<i32: 0>} : vector<16xi32>
        %add3A_1058 = arith.constant 16 : i32
        %add3A_1059 = vector.broadcast %add3A_1058 : i32 to vector<16xi32>
        %add3A_1060 = arith.addi %add3A_1059, %iota3A_1057 : vector<16xi32>
        %gather3A_1061 = tpu.vector_load_idx %arg13[%add3A_1060, %broadcast_in_dim3A_1036] : memref<64x128xf32, #tpu.memory_space<vmem>>[vector<16xi32>, vector<16xi32>], vector<16xf32>,
        %gather3A_1062 = tpu.vector_load_idx %arg15[%broadcast_in_dim3A_1043, %add3A_1060] : memref<64x64xf32, #tpu.memory_space<vmem>>[vector<16xi32>, vector<16xi32>], vector<16xf32>,
        %select_n3A_1063 = arith.select %broadcast_in_dim3A_1028, %gather3A_1062, %gather3A_1061 : vector<16xi1>, vector<16xf32>
        tpu.vector_store_idx %arg16[%add3A_1049, %add3A_1060], %select_n3A_1063 : memref<256x64xf32, #tpu.memory_space<vmem>>[vector<16xi32>, vector<16xi32>], vector<16xf32>,
        %iota3A_1064 = tpu.iota {dimensions = array<i32: 0>} : vector<16xi32>
        %add3A_1065 = arith.constant 32 : i32
        %add3A_1066 = vector.broadcast %add3A_1065 : i32 to vector<16xi32>
        %add3A_1067 = arith.addi %add3A_1066, %iota3A_1064 : vector<16xi32>
        %gather3A_1068 = tpu.vector_load_idx %arg13[%add3A_1067, %broadcast_in_dim3A_1036] : memref<64x128xf32, #tpu.memory_space<vmem>>[vector<16xi32>, vector<16xi32>], vector<16xf32>,
        %gather3A_1069 = tpu.vector_load_idx %arg15[%broadcast_in_dim3A_1043, %add3A_1067] : memref<64x64xf32, #tpu.memory_space<vmem>>[vector<16xi32>, vector<16xi32>], vector<16xf32>,
        %select_n3A_1070 = arith.select %broadcast_in_dim3A_1028, %gather3A_1069, %gather3A_1068 : vector<16xi1>, vector<16xf32>
        tpu.vector_store_idx %arg16[%add3A_1049, %add3A_1067], %select_n3A_1070 : memref<256x64xf32, #tpu.memory_space<vmem>>[vector<16xi32>, vector<16xi32>], vector<16xf32>,
        %iota3A_1071 = tpu.iota {dimensions = array<i32: 0>} : vector<16xi32>
        %add3A_1072 = arith.constant 48 : i32
        %add3A_1073 = vector.broadcast %add3A_1072 : i32 to vector<16xi32>
        %add3A_1074 = arith.addi %add3A_1073, %iota3A_1071 : vector<16xi32>
        %gather3A_1075 = tpu.vector_load_idx %arg13[%add3A_1074, %broadcast_in_dim3A_1036] : memref<64x128xf32, #tpu.memory_space<vmem>>[vector<16xi32>, vector<16xi32>], vector<16xf32>,
        %gather3A_1076 = tpu.vector_load_idx %arg15[%broadcast_in_dim3A_1043, %add3A_1074] : memref<64x64xf32, #tpu.memory_space<vmem>>[vector<16xi32>, vector<16xi32>], vector<16xf32>,
        %select_n3A_1077 = arith.select %broadcast_in_dim3A_1028, %gather3A_1076, %gather3A_1075 : vector<16xi1>, vector<16xf32>
        tpu.vector_store_idx %arg16[%add3A_1049, %add3A_1074], %select_n3A_1077 : memref<256x64xf32, #tpu.memory_space<vmem>>[vector<16xi32>, vector<16xi32>], vector<16xf32>,
        %dma_wait3A_1078 = arith.constant 0 : i32
        %dma_wait3A_1079 = arith.constant 0 : i32
        %dma_wait3A_1080 = tpu.memref_slice %arg3[%dma_wait3A_1078, %dma_wait3A_1079] : memref<64x1000000xf32, #tpu.memory_space<hbm>> -> memref<64x128xf32, #tpu.memory_space<hbm>>
        %dma_wait3A_1081 = arith.constant 0 : i32
        %dma_wait3A_1082 = arith.constant 0 : i32
        %dma_wait3A_1083 = tpu.memref_slice %arg3[%dma_wait3A_1081, %dma_wait3A_1082] : memref<64x1000000xf32, #tpu.memory_space<hbm>> -> memref<64x128xf32, #tpu.memory_space<hbm>>
        tpu.wait_dma2 semaphore(%arg24 : memref<!tpu.dma_semaphore, #tpu.memory_space<semaphore_mem>>) src(%dma_wait3A_1083 : memref<64x128xf32, #tpu.memory_space<hbm>>) dst(%arg14 : memref<64x128xf32, #tpu.memory_space<vmem>>)
        %slice3A_1084 = vector.extract_strided_slice %get3A_40 {offsets = [15], sizes = [1], strides = [1]} : vector<16xi32> to vector<1xi32>
        %squeeze3A_1085 = vector.extract %slice3A_1084[0] : i32 from vector<1xi32>
        %ge3A_1086 = arith.constant 999936 : i32
        %ge3A_1087 = arith.cmpi sge, %squeeze3A_1085, %ge3A_1086 : i32
        %broadcast_in_dim3A_1088 = vector.broadcast %ge3A_1087 : i1 to vector<16xi1>
        %slice3A_1089 = vector.extract_strided_slice %min3A_44 {offsets = [15], sizes = [1], strides = [1]} : vector<16xi32> to vector<1xi32>
        %squeeze3A_1090 = vector.extract %slice3A_1089[0] : i32 from vector<1xi32>
        %mul3A_1091 = arith.constant 128 : i32
        %mul3A_1092 = arith.muli %squeeze3A_1090, %mul3A_1091 : i32
        %sub3A_1093 = arith.subi %squeeze3A_1085, %mul3A_1092 : i32
        %min3A_1094 = arith.constant 127 : i32
        %min3A_1095 = arith.minsi %sub3A_1093, %min3A_1094 : i32
        %broadcast_in_dim3A_1096 = vector.broadcast %min3A_1095 : i32 to vector<16xi32>
        %sub3A_1097 = arith.constant 999936 : i32
        %sub3A_1098 = arith.subi %squeeze3A_1085, %sub3A_1097 : i32
        %jit3A_1099 = arith.constant 0 : i32
        %jit3A_1100 = arith.constant 63 : i32
        %max3A_1101 = arith.maxsi %jit3A_1099, %sub3A_1098 : i32
        %min3A_1102 = arith.minsi %jit3A_1100, %max3A_1101 : i32
        %broadcast_in_dim3A_1103 = vector.broadcast %min3A_1102 : i32 to vector<16xi32>
        %add3A_1104 = arith.constant 15 : i32
        %add3A_1105 = arith.addi %mul3A_39, %add3A_1104 : i32
        %broadcast_in_dim3A_1106 = arith.constant 0 : i32
        %broadcast_in_dim3A_1107 = vector.broadcast %broadcast_in_dim3A_1106 : i32 to vector<16xi32>
        %add3A_1108 = vector.broadcast %add3A_1105 : i32 to vector<16xi32>
        %add3A_1109 = arith.addi %add3A_1108, %broadcast_in_dim3A_1107 : vector<16xi32>
        %iota3A_1110 = tpu.iota {dimensions = array<i32: 0>} : vector<16xi32>
        %add3A_1111 = arith.constant 0 : i32
        %add3A_1112 = vector.broadcast %add3A_1111 : i32 to vector<16xi32>
        %add3A_1113 = arith.addi %add3A_1112, %iota3A_1110 : vector<16xi32>
        %gather3A_1114 = tpu.vector_load_idx %arg14[%add3A_1113, %broadcast_in_dim3A_1096] : memref<64x128xf32, #tpu.memory_space<vmem>>[vector<16xi32>, vector<16xi32>], vector<16xf32>,
        %gather3A_1115 = tpu.vector_load_idx %arg15[%broadcast_in_dim3A_1103, %add3A_1113] : memref<64x64xf32, #tpu.memory_space<vmem>>[vector<16xi32>, vector<16xi32>], vector<16xf32>,
        %select_n3A_1116 = arith.select %broadcast_in_dim3A_1088, %gather3A_1115, %gather3A_1114 : vector<16xi1>, vector<16xf32>
        tpu.vector_store_idx %arg16[%add3A_1109, %add3A_1113], %select_n3A_1116 : memref<256x64xf32, #tpu.memory_space<vmem>>[vector<16xi32>, vector<16xi32>], vector<16xf32>,
        %iota3A_1117 = tpu.iota {dimensions = array<i32: 0>} : vector<16xi32>
        %add3A_1118 = arith.constant 16 : i32
        %add3A_1119 = vector.broadcast %add3A_1118 : i32 to vector<16xi32>
        %add3A_1120 = arith.addi %add3A_1119, %iota3A_1117 : vector<16xi32>
        %gather3A_1121 = tpu.vector_load_idx %arg14[%add3A_1120, %broadcast_in_dim3A_1096] : memref<64x128xf32, #tpu.memory_space<vmem>>[vector<16xi32>, vector<16xi32>], vector<16xf32>,
        %gather3A_1122 = tpu.vector_load_idx %arg15[%broadcast_in_dim3A_1103, %add3A_1120] : memref<64x64xf32, #tpu.memory_space<vmem>>[vector<16xi32>, vector<16xi32>], vector<16xf32>,
        %select_n3A_1123 = arith.select %broadcast_in_dim3A_1088, %gather3A_1122, %gather3A_1121 : vector<16xi1>, vector<16xf32>
        tpu.vector_store_idx %arg16[%add3A_1109, %add3A_1120], %select_n3A_1123 : memref<256x64xf32, #tpu.memory_space<vmem>>[vector<16xi32>, vector<16xi32>], vector<16xf32>,
        %iota3A_1124 = tpu.iota {dimensions = array<i32: 0>} : vector<16xi32>
        %add3A_1125 = arith.constant 32 : i32
        %add3A_1126 = vector.broadcast %add3A_1125 : i32 to vector<16xi32>
        %add3A_1127 = arith.addi %add3A_1126, %iota3A_1124 : vector<16xi32>
        %gather3A_1128 = tpu.vector_load_idx %arg14[%add3A_1127, %broadcast_in_dim3A_1096] : memref<64x128xf32, #tpu.memory_space<vmem>>[vector<16xi32>, vector<16xi32>], vector<16xf32>,
        %gather3A_1129 = tpu.vector_load_idx %arg15[%broadcast_in_dim3A_1103, %add3A_1127] : memref<64x64xf32, #tpu.memory_space<vmem>>[vector<16xi32>, vector<16xi32>], vector<16xf32>,
        %select_n3A_1130 = arith.select %broadcast_in_dim3A_1088, %gather3A_1129, %gather3A_1128 : vector<16xi1>, vector<16xf32>
        tpu.vector_store_idx %arg16[%add3A_1109, %add3A_1127], %select_n3A_1130 : memref<256x64xf32, #tpu.memory_space<vmem>>[vector<16xi32>, vector<16xi32>], vector<16xf32>,
        %iota3A_1131 = tpu.iota {dimensions = array<i32: 0>} : vector<16xi32>
        %add3A_1132 = arith.constant 48 : i32
        %add3A_1133 = vector.broadcast %add3A_1132 : i32 to vector<16xi32>
        %add3A_1134 = arith.addi %add3A_1133, %iota3A_1131 : vector<16xi32>
        %gather3A_1135 = tpu.vector_load_idx %arg14[%add3A_1134, %broadcast_in_dim3A_1096] : memref<64x128xf32, #tpu.memory_space<vmem>>[vector<16xi32>, vector<16xi32>], vector<16xf32>,
        %gather3A_1136 = tpu.vector_load_idx %arg15[%broadcast_in_dim3A_1103, %add3A_1134] : memref<64x64xf32, #tpu.memory_space<vmem>>[vector<16xi32>, vector<16xi32>], vector<16xf32>,
        %select_n3A_1137 = arith.select %broadcast_in_dim3A_1088, %gather3A_1136, %gather3A_1135 : vector<16xi1>, vector<16xf32>
        tpu.vector_store_idx %arg16[%add3A_1109, %add3A_1134], %select_n3A_1137 : memref<256x64xf32, #tpu.memory_space<vmem>>[vector<16xi32>, vector<16xi32>], vector<16xf32>,
      }
      %mul3A_23 = arith.constant 256 : i32
      %mul3A_24 = arith.muli %scan3A_8, %mul3A_23 : i32
      %add3A_25 = arith.addi %mul3A_2, %mul3A_24 : i32
      "tpu.region"() ({
        %run_scoped3A = tpu.sem_alloc : memref<!tpu.dma_semaphore, #tpu.memory_space<semaphore_mem>>
        %dma_start3A = arith.constant 0 : i32
        %dma_start3A_26 = tpu.memref_slice %arg5[%add3A_25, %dma_start3A] : memref<16384x64xf32, #tpu.memory_space<hbm>> -> memref<256x64xf32, #tpu.memory_space<hbm>>
        %dma_start3A_27 = arith.constant 0 : i32
        %dma_start3A_28 = tpu.memref_slice %arg5[%add3A_25, %dma_start3A_27] : memref<16384x64xf32, #tpu.memory_space<hbm>> -> memref<256x64xf32, #tpu.memory_space<hbm>>
        tpu.enqueue_dma source(%arg16 : memref<256x64xf32, #tpu.memory_space<vmem>>) target(%dma_start3A_28 : memref<256x64xf32, #tpu.memory_space<hbm>>) target_semaphore(%run_scoped3A : memref<!tpu.dma_semaphore, #tpu.memory_space<semaphore_mem>>)
        %dma_wait3A = arith.constant 0 : i32
        %dma_wait3A_29 = tpu.memref_slice %arg5[%add3A_25, %dma_wait3A] : memref<16384x64xf32, #tpu.memory_space<hbm>> -> memref<256x64xf32, #tpu.memory_space<hbm>>
        %dma_wait3A_30 = arith.constant 0 : i32
        %dma_wait3A_31 = tpu.memref_slice %arg5[%add3A_25, %dma_wait3A_30] : memref<16384x64xf32, #tpu.memory_space<hbm>> -> memref<256x64xf32, #tpu.memory_space<hbm>>
        tpu.wait_dma2 semaphore(%run_scoped3A : memref<!tpu.dma_semaphore, #tpu.memory_space<semaphore_mem>>) src(%arg16 : memref<256x64xf32, #tpu.memory_space<vmem>>) dst(%dma_wait3A_31 : memref<256x64xf32, #tpu.memory_space<hbm>>)
        tpu.yield
      }) : () -> ()
    }
    %scan3A_7 = arith.constant 2 : i32
    return
  }
}

module attributes {stable_mosaic.version = 14 : i64} {
  func.func @_tc_rest_body(%arg0: i32, %arg1: memref<1x1x256xi32, #tpu.memory_space<vmem>>, %arg2: memref<1x1x256xi32, #tpu.memory_space<vmem>>, %arg3: memref<1x1x256xf32, #tpu.memory_space<vmem>>, %arg4: memref<1000x64xf32, #tpu.memory_space<vmem>>, %arg5: memref<100x64xf32, #tpu.memory_space<vmem>>, %arg6: memref<1101x64xf32, #tpu.memory_space<vmem>>, %arg7: memref<1x1100xf32, #tpu.memory_space<vmem>>, %arg8: memref<1x2xf32, #tpu.memory_space<vmem>>, %arg9: memref<256x193xf32, #tpu.memory_space<vmem>>) attributes {dimension_semantics = [#tpu.dimension_semantics<arbitrary>], iteration_bounds = array<i64: 64>, scalar_prefetch = 0 : i64, scratch_operands = 0 : i64, tpu.core_type = #tpu.core_type<tc>, window_params = [{transform_indices = @transform_0, window_bounds = array<i64: 1, 1, 256>}, {transform_indices = @transform_1, window_bounds = array<i64: 1, 1, 256>}, {transform_indices = @transform_2, window_bounds = array<i64: 1, 1, 256>}, {pipeline_mode = #tpu.pipeline_mode<synchronous>, transform_indices = @transform_3, window_bounds = array<i64: 1000, 64>}, {pipeline_mode = #tpu.pipeline_mode<synchronous>, transform_indices = @transform_4, window_bounds = array<i64: 100, 64>}, {pipeline_mode = #tpu.pipeline_mode<synchronous>, transform_indices = @transform_5, window_bounds = array<i64: 1101, 64>}, {pipeline_mode = #tpu.pipeline_mode<synchronous>, transform_indices = @transform_6, window_bounds = array<i64: 1, 1100>}, {pipeline_mode = #tpu.pipeline_mode<synchronous>, transform_indices = @transform_7, window_bounds = array<i64: 1, 2>}, {transform_indices = @transform_8, window_bounds = array<i64: 256, 193>}]} {
    %get3A = arith.constant 0 : index
    %get3A_0 = arith.constant 0 : index
    %get3A_1 = arith.constant 0 : index
    %get3A_2 = vector.load %arg1[%get3A, %get3A_0, %get3A_1] : memref<1x1x256xi32, #tpu.memory_space<vmem>>, vector<1x1x256xi32>
    %get3A_3 = vector.shape_cast %get3A_2 : vector<1x1x256xi32> to vector<256xi32>
    %get3A_4 = arith.constant 0 : index
    %get3A_5 = arith.constant 0 : index
    %get3A_6 = arith.constant 0 : index
    %get3A_7 = vector.load %arg2[%get3A_4, %get3A_5, %get3A_6] : memref<1x1x256xi32, #tpu.memory_space<vmem>>, vector<1x1x256xi32>
    %get3A_8 = vector.shape_cast %get3A_7 : vector<1x1x256xi32> to vector<256xi32>
    %get3A_9 = arith.constant 0 : index
    %get3A_10 = arith.constant 0 : index
    %get3A_11 = arith.constant 0 : index
    %get3A_12 = vector.load %arg3[%get3A_9, %get3A_10, %get3A_11] : memref<1x1x256xf32, #tpu.memory_space<vmem>>, vector<1x1x256xf32>
    %get3A_13 = vector.shape_cast %get3A_12 : vector<1x1x256xf32> to vector<256xf32>
    %get3A_14 = arith.constant 0 : index
    %get3A_15 = arith.constant 0 : index
    %get3A_16 = vector.load %arg7[%get3A_14, %get3A_15] : memref<1x1100xf32, #tpu.memory_space<vmem>>, vector<1x1100xf32>
    %get3A_17 = vector.shape_cast %get3A_16 : vector<1x1100xf32> to vector<1100xf32>
    %get3A_18 = arith.constant 0 : index
    %get3A_19 = arith.constant 0 : index
    %get3A_20 = vector.load %arg8[%get3A_18, %get3A_19] : memref<1x2xf32, #tpu.memory_space<vmem>>, vector<1x1xf32>
    %get3A_21 = vector.extract %get3A_20[0, 0] : f32 from vector<1x1xf32>
    %get3A_22 = arith.constant 0 : index
    %get3A_23 = arith.constant 1 : index
    %get3A_24 = vector.load %arg8[%get3A_22, %get3A_23] : memref<1x2xf32, #tpu.memory_space<vmem>>, vector<1x1xf32>
    %get3A_25 = vector.extract %get3A_24[0, 0] : f32 from vector<1x1xf32>
    %broadcast_in_dim3A = vector.shape_cast %get3A_3 : vector<256xi32> to vector<256x1xi32>
    %iota3A = tpu.iota {dimensions = array<i32: 1>} : vector<1x1000xi32>
    %eq3A = vector.broadcast %broadcast_in_dim3A : vector<256x1xi32> to vector<256x1000xi32>
    %eq3A_26 = vector.broadcast %iota3A : vector<1x1000xi32> to vector<256x1000xi32>
    %eq3A_27 = arith.cmpi eq, %eq3A, %eq3A_26 : vector<256x1000xi32>
    %convert_element_type3A = arith.extui %eq3A_27 : vector<256x1000xi1> to vector<256x1000xi32>
    %convert_element_type3A_28 = arith.sitofp %convert_element_type3A : vector<256x1000xi32> to vector<256x1000xf32>
    %get3A_29 = arith.constant 0 : index
    %get3A_30 = arith.constant 0 : index
    %get3A_31 = vector.load %arg4[%get3A_29, %get3A_30] : memref<1000x64xf32, #tpu.memory_space<vmem>>, vector<1000x64xf32>
    %dot_general3A = arith.constant dense<0.000000e+00> : vector<256x64xf32>
    %dot_general3A_32 = tpu.matmul %convert_element_type3A_28, %get3A_31, %dot_general3A {dimension_numbers = #tpu.dot_dimension_numbers<[1], [0], [0], [1], [0, 0, 1, 1], [], []>, precision = #tpu.contract_precision<fp32>, transpose_lhs_hint = false} : vector<256x1000xf32>, vector<1000x64xf32>, vector<256x64xf32> -> vector<256x64xf32>
    %broadcast_in_dim3A_33 = vector.shape_cast %get3A_8 : vector<256xi32> to vector<256x1xi32>
    %iota3A_34 = tpu.iota {dimensions = array<i32: 1>} : vector<1x100xi32>
    %eq3A_35 = vector.broadcast %broadcast_in_dim3A_33 : vector<256x1xi32> to vector<256x100xi32>
    %eq3A_36 = vector.broadcast %iota3A_34 : vector<1x100xi32> to vector<256x100xi32>
    %eq3A_37 = arith.cmpi eq, %eq3A_35, %eq3A_36 : vector<256x100xi32>
    %convert_element_type3A_38 = arith.extui %eq3A_37 : vector<256x100xi1> to vector<256x100xi32>
    %convert_element_type3A_39 = arith.sitofp %convert_element_type3A_38 : vector<256x100xi32> to vector<256x100xf32>
    %get3A_40 = arith.constant 0 : index
    %get3A_41 = arith.constant 0 : index
    %get3A_42 = vector.load %arg5[%get3A_40, %get3A_41] : memref<100x64xf32, #tpu.memory_space<vmem>>, vector<100x64xf32>
    %dot_general3A_43 = arith.constant dense<0.000000e+00> : vector<256x64xf32>
    %dot_general3A_44 = tpu.matmul %convert_element_type3A_39, %get3A_42, %dot_general3A_43 {dimension_numbers = #tpu.dot_dimension_numbers<[1], [0], [0], [1], [0, 0, 1, 1], [], []>, precision = #tpu.contract_precision<fp32>, transpose_lhs_hint = false} : vector<256x100xf32>, vector<100x64xf32>, vector<256x64xf32> -> vector<256x64xf32>
    %broadcast_in_dim3A_45 = vector.shape_cast %get3A_17 : vector<1100xf32> to vector<1x1100xf32>
    %broadcast_in_dim3A_46 = vector.shape_cast %get3A_13 : vector<256xf32> to vector<256x1xf32>
    %lt3A = vector.broadcast %broadcast_in_dim3A_45 : vector<1x1100xf32> to vector<256x1100xf32>
    %lt3A_47 = vector.broadcast %broadcast_in_dim3A_46 : vector<256x1xf32> to vector<256x1100xf32>
    %lt3A_48 = arith.cmpf olt, %lt3A, %lt3A_47 : vector<256x1100xf32>
    %convert_element_type3A_49 = arith.extui %lt3A_48 : vector<256x1100xi1> to vector<256x1100xi32>
    %reduce_sum3A = arith.constant dense<0> : vector<256xi32>
    %reduce_sum3A_50 = vector.multi_reduction <add>, %convert_element_type3A_49, %reduce_sum3A [1] : vector<256x1100xi32> to vector<256xi32>
    %broadcast_in_dim3A_51 = vector.shape_cast %reduce_sum3A_50 : vector<256xi32> to vector<256x1xi32>
    %iota3A_52 = tpu.iota {dimensions = array<i32: 1>} : vector<1x1101xi32>
    %eq3A_53 = vector.broadcast %broadcast_in_dim3A_51 : vector<256x1xi32> to vector<256x1101xi32>
    %eq3A_54 = vector.broadcast %iota3A_52 : vector<1x1101xi32> to vector<256x1101xi32>
    %eq3A_55 = arith.cmpi eq, %eq3A_53, %eq3A_54 : vector<256x1101xi32>
    %convert_element_type3A_56 = arith.extui %eq3A_55 : vector<256x1101xi1> to vector<256x1101xi32>
    %convert_element_type3A_57 = arith.sitofp %convert_element_type3A_56 : vector<256x1101xi32> to vector<256x1101xf32>
    %get3A_58 = arith.constant 0 : index
    %get3A_59 = arith.constant 0 : index
    %get3A_60 = vector.load %arg6[%get3A_58, %get3A_59] : memref<1101x64xf32, #tpu.memory_space<vmem>>, vector<1101x64xf32>
    %dot_general3A_61 = arith.constant dense<0.000000e+00> : vector<256x64xf32>
    %dot_general3A_62 = tpu.matmul %convert_element_type3A_57, %get3A_60, %dot_general3A_61 {dimension_numbers = #tpu.dot_dimension_numbers<[1], [0], [0], [1], [0, 0, 1, 1], [], []>, precision = #tpu.contract_precision<fp32>, transpose_lhs_hint = false} : vector<256x1101xf32>, vector<1101x64xf32>, vector<256x64xf32> -> vector<256x64xf32>
    %sub3A = vector.broadcast %get3A_21 : f32 to vector<256xf32>
    %sub3A_63 = arith.subf %get3A_13, %sub3A : vector<256xf32>
    %mul3A = vector.broadcast %get3A_25 : f32 to vector<256xf32>
    %mul3A_64 = arith.mulf %sub3A_63, %mul3A : vector<256xf32>
    %swap3A = arith.constant 0 : index
    %swap3A_65 = arith.constant 0 : index
    %swap3A_66 = vector.load %arg9[%swap3A, %swap3A_65] : memref<256x193xf32, #tpu.memory_space<vmem>>, vector<256x64xf32>
    tpu.vector_store %arg9[%swap3A, %swap3A_65], %dot_general3A_32 {strides = array<i32>} : memref<256x193xf32, #tpu.memory_space<vmem>>, vector<256x64xf32>,
    %swap3A_67 = arith.constant 0 : index
    %swap3A_68 = arith.constant 64 : index
    %swap3A_69 = vector.load %arg9[%swap3A_67, %swap3A_68] : memref<256x193xf32, #tpu.memory_space<vmem>>, vector<256x64xf32>
    tpu.vector_store %arg9[%swap3A_67, %swap3A_68], %dot_general3A_44 {strides = array<i32>} : memref<256x193xf32, #tpu.memory_space<vmem>>, vector<256x64xf32>,
    %broadcast_in_dim3A_70 = vector.shape_cast %mul3A_64 : vector<256xf32> to vector<256x1xf32>
    %swap3A_71 = arith.constant 0 : index
    %swap3A_72 = arith.constant 128 : index
    %swap3A_73 = vector.load %arg9[%swap3A_71, %swap3A_72] : memref<256x193xf32, #tpu.memory_space<vmem>>, vector<256x1xf32>
    tpu.vector_store %arg9[%swap3A_71, %swap3A_72], %broadcast_in_dim3A_70 {strides = array<i32>} : memref<256x193xf32, #tpu.memory_space<vmem>>, vector<256x1xf32>,
    %swap3A_74 = arith.constant 0 : index
    %swap3A_75 = arith.constant 129 : index
    %swap3A_76 = vector.load %arg9[%swap3A_74, %swap3A_75] : memref<256x193xf32, #tpu.memory_space<vmem>>, vector<256x64xf32>
    tpu.vector_store %arg9[%swap3A_74, %swap3A_75], %dot_general3A_62 {strides = array<i32>} : memref<256x193xf32, #tpu.memory_space<vmem>>, vector<256x64xf32>,
    return
  }
  func.func @transform_0(%arg0: i32) -> (i32, i32, i32) {
    %c0_i32 = arith.constant 0 : i32
    %c0_i32_0 = arith.constant 0 : i32
    %c0_i32_1 = arith.constant 0 : i32
    return %arg0, %c0_i32, %c0_i32_0 : i32, i32, i32
  }
  func.func @transform_1(%arg0: i32) -> (i32, i32, i32) {
    %c0_i32 = arith.constant 0 : i32
    %c0_i32_0 = arith.constant 0 : i32
    %c0_i32_1 = arith.constant 0 : i32
    return %arg0, %c0_i32, %c0_i32_0 : i32, i32, i32
  }
  func.func @transform_2(%arg0: i32) -> (i32, i32, i32) {
    %c0_i32 = arith.constant 0 : i32
    %c0_i32_0 = arith.constant 0 : i32
    %c0_i32_1 = arith.constant 0 : i32
    return %arg0, %c0_i32, %c0_i32_0 : i32, i32, i32
  }
  func.func @transform_3(%arg0: i32) -> (i32, i32) {
    %c0_i32 = arith.constant 0 : i32
    %c0_i32_0 = arith.constant 0 : i32
    %c0_i32_1 = arith.constant 0 : i32
    return %c0_i32, %c0_i32_0 : i32, i32
  }
  func.func @transform_4(%arg0: i32) -> (i32, i32) {
    %c0_i32 = arith.constant 0 : i32
    %c0_i32_0 = arith.constant 0 : i32
    %c0_i32_1 = arith.constant 0 : i32
    return %c0_i32, %c0_i32_0 : i32, i32
  }
  func.func @transform_5(%arg0: i32) -> (i32, i32) {
    %c0_i32 = arith.constant 0 : i32
    %c0_i32_0 = arith.constant 0 : i32
    %c0_i32_1 = arith.constant 0 : i32
    return %c0_i32, %c0_i32_0 : i32, i32
  }
  func.func @transform_6(%arg0: i32) -> (i32, i32) {
    %c0_i32 = arith.constant 0 : i32
    %c0_i32_0 = arith.constant 0 : i32
    %c0_i32_1 = arith.constant 0 : i32
    return %c0_i32, %c0_i32_0 : i32, i32
  }
  func.func @transform_7(%arg0: i32) -> (i32, i32) {
    %c0_i32 = arith.constant 0 : i32
    %c0_i32_0 = arith.constant 0 : i32
    %c0_i32_1 = arith.constant 0 : i32
    return %c0_i32, %c0_i32_0 : i32, i32
  }
  func.func @transform_8(%arg0: i32) -> (i32, i32) {
    %c0_i32 = arith.constant 0 : i32
    %c0_i32_0 = arith.constant 0 : i32
    return %arg0, %c0_i32 : i32, i32
  }
}

</mosaic_0001>

<sc_bundles>
// kernel: kernel.4.cloned.1.call-start
scs
__scs_entry_jumppad:
0x0: {  	(pc) =	sbr.rel $0x88, $3  }
0x1: {  	(tag) =	ssettag $0x0;
	lr =	simm.s32 $0x1  }
0x2: {  	[smem:$0x3F96] =	sst lr;
	_ =	strace $0xD0000000  }
0x3: {  	_ = 	snop  }
0x4: {  	_ = 	snop  }
0x5: {  	_ = 	snop  }
0x6: {  	_ = 	snop  }
0x7: {  	_ = 	snop  }
__scs_overlays_trampoline_lowered:
0x8: {  	[smem:$0x3FA5] =	sst s0  }
0x9: {  	[smem:$0x3FA6] =	sst s1  }
0xa: {  	[smem:$0x3FA7] =	sst s2  }
0xb: {  	[smem:$0x3FA8] =	sst s3  }
0xc: {  	[smem:$0x3FA9] =	sst s4  }
0xd: {  	[smem:$0x3FAA] =	sst s5  }
0xe: {  	[smem:$0x3FAB] =	sst s6  }
0xf: {  	[smem:$0x3FAC] =	sst s7  }
0x10: {  	[smem:$0x3FAD] =	sst s8  }
0x11: {  	[smem:$0x3FAE] =	sst s9;
	s0 =	simm.s32 @!p0 $0x0  }
0x12: {  	s1 =	sld [smem:$0x3F94];
	s0 =	simm.s32 @p0 $0x1  }
0x13: {  	[smem:$0x3FAF] =	sst s0;
	s0 =	simm.s32 @!p1 $0x0  }
0x14: {  	s2 =	sld [smem:$0x3F93];
	s0 =	simm.s32 @p1 $0x1  }
0x15: {  	[smem:$0x3FB0] =	sst s0;
	s0 =	simm.s32 @!p2 $0x0  }
0x16: {  	s3 =	sld [smem:$0x3FDB];
	s0 =	simm.s32 @p2 $0x1  }
0x17: {  	s4 =	simm.s32 $0x1BF5;
	[smem:$0x3FB2] =	sst s0  }
0x18: {  	s0 =	sld [smem:$0x3F95];
	_ =	swait.ge [sflag:s4], $0x0  }
0x19: {  	s7 =	sld [smem:$0x3F96]  }
0x1a: {  	s8 =	sadd.s32 $0xFFFFE003, lr  }
0x1b: {  	s9 =	sadd.s32 $0xFFFFFEF7, lr;
	s5 =	simm.s32 $0xFFFFFFFF;
	p2 =	slt.u32 s8, $0xFFFFF086  }
0x1c: {  	p1 =	slt.u32 s9, $0xF7A;
	s5 =	simm.s32 @!p2 $0x0  }
0x1d: {  	s5 =	simm.s32 @p1 $0x1;
	p0 =	seq.s32 s7, s2  }
0x1e: {  	s7 =	smul.u32 @!p0 $0xF7A, s2;
	p2 =	seq.s32 @!p0 s5, $0x0  }
0x1f: {  	s9 =	smul.u32 $0xF7A, s1;
	s8 =	simm.s32 @!p0 $0x1BF5;
	p2 =	por !p2, p0  }
0x20: {  	[sflag:s8] =	ssyncset.s32 @!p0 $0xFFFFF086;
	s6 =	sadd.s32 @!p0 s3, s7;
	s7 =	simm.s32 @!p0 $0x108  }
0x21: {  	s3 =	sadd.s32 s3, s9;
	s6 =	sadd.s32 @!p0 $0x88, s6;
	s7 =	simm.s32 @p2 $0x1082  }
0x22: {  	[simem:s7], [sflag:s8] =	dma.local @!p0 [hbm:s6], $0xF7A  }
0x23: {  	s9 =	sor.u32 $0xD0000000, s2;
	s6 =	simm.s32 $0x108;
	_ =	swait.ge @!p0 [sflag:s8], $0x0  }
0x24: {  	s3 =	sadd.s32 $0x88, s3;
	s6 =	simm.s32 @!p1 $0x1082;
	[sflag:s4] =	ssyncset.s32 $0xFFFFF086  }
0x25: {  	[simem:s6], [sflag:s4] =	dma.local [hbm:s3], $0xF7A  }
0x26: {  	[smem:$0x3F96] =	sst s1;
	(tag) =	ssettag s2;
	_ =	strace s9  }
0x27: {  	s1 =	sld [smem:$0x3FA6]  }
0x28: {  	s2 =	sld [smem:$0x3FA7]  }
0x29: {  	s4 =	sld [smem:$0x3FA9]  }
0x2a: {  	p0 =	seq.s32 s5, $0x0;
	s5 =	sld [smem:$0x3FAA]  }
0x2b: {  	s6 =	sld [smem:$0x3FAB]  }
0x2c: {  	s7 =	sld [smem:$0x3FAC]  }
0x2d: {  	s3 =	simm.s32 $0x108;
	s8 =	sld [smem:$0x3FAD]  }
0x2e: {  	s3 =	simm.s32 @!p0 $0x1082;
	s9 =	sld [smem:$0x3FAE]  }
0x2f: {  	lr =	sadd.s32 s0, s3;
	s0 =	sld [smem:$0x3FA5]  }
0x30: {  	s3 =	sld [smem:$0x3FA8]  }
0x31: {  	[smem:$0x3FB1] =	sst s10  }
0x32: {  	s10 =	sld [smem:$0x3FAF];
	_ =	sdelay $0x3  }
0x33: {  	p0 =	seq.s32 s10, $0x1;
	s10 =	sld [smem:$0x3FB1];
	_ =	sdelay $0x3  }
0x34: {  	[smem:$0x3FB1] =	sst s10  }
0x35: {  	s10 =	sld [smem:$0x3FB0];
	_ =	sdelay $0x3  }
0x36: {  	p1 =	seq.s32 s10, $0x1;
	s10 =	sld [smem:$0x3FB1];
	_ =	sdelay $0x3  }
0x37: {  	[smem:$0x3FB1] =	sst s10  }
0x38: {  	s10 =	sld [smem:$0x3FB2]  }
0x39: {  	_ = 	snop;
	(pc) =	sbr.ind lr, $3  }
0x3a: {  	_ = 	snop  }
0x3b: {  	_ = 	snop  }
0x3c: {  	p2 =	seq.s32 s10, $0x1;
	s10 =	sld [smem:$0x3FB1]  }
0x3d: {  	_ =	shalt  }
0x3e: {  	_ =	shalt  }
0x3f: {  	_ =	shalt  }
0x40: {  	_ =	shalt  }
0x41: {  	_ =	shalt  }
0x42: {  	_ =	shalt  }
0x43: {  	_ =	shalt  }
0x44: {  	_ =	shalt  }
0x45: {  	_ =	shalt  }
0x46: {  	_ =	shalt  }
0x47: {  	_ =	shalt  }
0x48: {  	_ =	shalt  }
0x49: {  	_ =	shalt  }
0x4a: {  	_ =	shalt  }
0x4b: {  	_ =	shalt  }
0x4c: {  	_ =	shalt  }
0x4d: {  	_ =	shalt  }
0x4e: {  	_ =	shalt  }
0x4f: {  	_ =	shalt  }
0x50: {  	_ =	shalt  }
0x51: {  	_ =	shalt  }
0x52: {  	_ =	shalt  }
0x53: {  	_ =	shalt  }
0x54: {  	_ =	shalt  }
0x55: {  	_ =	shalt  }
0x56: {  	_ =	shalt  }
0x57: {  	_ =	shalt  }
0x58: {  	_ =	shalt  }
0x59: {  	_ =	shalt  }
0x5a: {  	_ =	shalt  }
0x5b: {  	_ =	shalt  }
0x5c: {  	_ =	shalt  }
0x5d: {  	_ =	shalt  }
0x5e: {  	_ =	shalt  }
0x5f: {  	_ =	shalt  }
0x60: {  	_ =	shalt  }
0x61: {  	_ =	shalt  }
0x62: {  	_ =	shalt  }
0x63: {  	_ =	shalt  }
0x64: {  	_ =	shalt  }
0x65: {  	_ =	shalt  }
0x66: {  	_ =	shalt  }
0x67: {  	_ =	shalt  }
0x68: {  	_ =	shalt  }
0x69: {  	_ =	shalt  }
0x6a: {  	_ =	shalt  }
0x6b: {  	_ =	shalt  }
0x6c: {  	_ =	shalt  }
0x6d: {  	_ =	shalt  }
0x6e: {  	_ =	shalt  }
0x6f: {  	_ =	shalt  }
0x70: {  	_ =	shalt  }
0x71: {  	_ =	shalt  }
0x72: {  	_ =	shalt  }
0x73: {  	_ =	shalt  }
0x74: {  	_ =	shalt  }
0x75: {  	_ =	shalt  }
0x76: {  	_ =	shalt  }
0x77: {  	_ =	shalt  }
0x78: {  	_ =	shalt  }
0x79: {  	_ =	shalt  }
0x7a: {  	_ =	shalt  }
0x7b: {  	_ =	shalt  }
0x7c: {  	_ =	shalt  }
0x7d: {  	_ =	shalt  }
0x7e: {  	_ =	shalt  }
0x7f: {  	_ =	shalt  }
0x80: {  	_ =	shalt  }
0x81: {  	_ =	shalt  }
0x82: {  	_ =	shalt  }
0x83: {  	_ =	shalt  }
0x84: {  	_ =	shalt  }
0x85: {  	_ =	shalt  }
0x86: {  	_ =	shalt  }
0x87: {  	_ =	shalt  }
.Lfunc_end0:
.L_simem_size_0:
called_computation_lowered:
.L_overlay_start_0:
0x88: {  	s2 =	sld [smem:$0x3FD9]  }
0x89: {  	s3 =	sld [smem:$0x3FFE];
	_ =	sdelay $0x1  }
0x8a: {  	s1 =	srdreg.scid  }
0x8b: {  	s0 =	sand.u32 $0x1, s1  }
0x8c: {  	s17 =	sshll.u32 s0, $0xA;
	s2 =	sadd.s32 s3, s2  }
0x8d: {  	s2 =	sadd.s32 s2, s17  }
0x8e: {  	[smem:$0x3FBD] =	sst s2  }
0x8f: {  	_ = 	snop  }
0x90: {  	s2 =	sld [smem:$0x3FC9]  }
0x91: {  	s18 =	sld [smem:$0x3FC5]  }
0x92: {  	s4 =	sld [smem:$0x3FD0];
	(tm) =	ssettm $0x1  }
0x93: {  	s5 =	sld [smem:$0x3FFB];
	_ =	sdelay $0x3  }
0x94: {  	_ =	strace s5  }
0x95: {  	s5 =	sld [smem:$0x3FFC];
	_ =	sdelay $0x3  }
0x96: {  	_ =	strace s5  }
0x97: {  	s5 =	sld [smem:$0x3FFD];
	_ =	sdelay $0x3  }
0x98: {  	_ =	strace s5  }
0x99: {  	_ =	strace $0x8FFFFFFF  }
0x9a: {  	s19 =	sld [smem:$0x3FDB];
	_ =	sdelay $0x1  }
0x9b: {  	s6 =	simm.s32 $_scs_section_size  }
0x9c: {  	s7 =	simm.s32 $_size__tile_overlayer_lowered;
	s8 =	simm.s32 $_tile_overlayer_lowered  }
0x9d: {  	s22 =	simm.s32 $0x1BFF;
	s21 =	sshll.u32 s8, $0x1;
	s5 =	sadd.s32 s6, s19  }
0x9e: {  	s9 =	simm.s32 $0x0;
	s20 =	sshll.u32 s7, $0x1;
	s7 =	sadd.s32 s21, s5  }
0x9f: {  	[timem:s9], [sflag:s22] =	dma.local [hbm:s7], s20  }
0xa0: {  	_ =	swait.ge [sflag:s22], s20  }
0xa1: {  	s6 =	ssub.s32 $0x0, s20;
	[sflag:s22] =	ssyncset.done $0x0  }
0xa2: {  	[sflag:s22] =	ssyncadd.s32 s6;
	_ =	sdelay $0x1  }
0xa3: {  	s23 =	simm.s32 $0x1B8B  }
0xa4: {  	_ =	swait.ge [sflag:s23], $0x1  }
0xa5: {  	[sflag:s23] =	ssyncset.done $0x0  }
0xa6: {  	s25 =	simm.s32 $0x1B8E;
	s24 =	sld [smem:$0x3FFE];
	[sflag:s23] =	ssyncadd.s32 $0xFFFFFFFF  }
0xa7: {  	s26 =	simm.s32 $execute0_lowered;
	[smem:$0x3FD2] =	sst s25  }
0xa8: {  	s7 =	sshll.u32 s26, $0x1;
	_ =	strace $0x80000046;
	[dreg:$0x1] =	wrdreg $0xFFFFFFFF  }
0xa9: {  	s28 =	simm.s32 $_size_execute0_lowered;
	s5 =	sadd.s32 s5, s7;
	[dreg:$0x0] =	wrdreg $0x0  }
0xaa: {  	s7 =	sshll.u32 s28, $0x1;
	[dreg:$0x2] =	wrdreg s5  }
0xab: {  	[dreg:$0x3] =	wrdreg s7  }
0xac: {  	[dreg:$0x4] =	wrdreg $0xC0  }
0xad: {  	_ =	task [dreg:s9], $0x5FFFF  }
0xae: {  	[dreg:$0x1] =	wrdreg $0xFFFFFFFF  }
0xaf: {  	[dreg:$0x0] =	wrdreg $0x60  }
0xb0: {  	[dreg:$0x2] =	wrdreg s2  }
0xb1: {  	[dreg:$0x3] =	wrdreg s18  }
0xb2: {  	[dreg:$0x4] =	wrdreg s24  }
0xb3: {  	[dreg:$0x5] =	wrdreg s4  }
0xb4: {  	[dreg:$0x6] =	wrdreg $0x9  }
0xb5: {  	_ =	task.clear_ibuf [dreg:s9], $0x7FFFF;
	_ =	strace $0x90000046  }
0xb6: {  	s29 =	simm.s32 $0x9;
	_ =	strace $0x80000048  }
0xb7: {  	_ =	swait.ge [sflag:s29], $0x1  }
0xb8: {  	[sflag:s29] =	ssyncadd.s32 $0xFFFFFFFF  }
0xb9: {  	_ =	strace $0x90000048  }
0xba: {  	_ =	sfence  }
0xbb: {  	s30 =	sld [smem:$0x0];
	_ =	sdelay $0x2  }
0xbc: {  	s31 =	sshll.u32 s1, $0xD;
	s1 =	sshrl.u32 s1, $0x2  }
0xbd: {  	s3 =	sand.u32 $0x4000, s31;
	s1 =	sadd.s32 s1, s30  }
0xbe: {  	s0 =	sor.u32 s3, s0;
	s1 =	sshll.u32 s1, $0x11  }
0xbf: {  	s0 =	sor.u32 s1, s0  }
0xc0: {  	s0 =	sadd.s32 $0x8F2B, s0  }
0xc1: {  	[sflag:s0] =	ssyncadd.remote.s32 $0x1  }
0xc2: {  	_ =	sfence.sel $0xFFFF  }
0xc3: {  	[dreg:$0x0] =	wrdreg $0xFFFFFFFF;
	(pc) =	sbr.abs _section_cstart, $3  }
0xc4: {  	[dreg:$0x1] =	wrdreg $0xFFFFFFFF  }
0xc5: {  	_ =	task.clear_ibuf [dreg:s9], $0x2FFFF;
	_ =	strace $0x9FFFFFFF  }
0xc6: {  	(tm) =	ssettm $0x7FFFFFFF  }
0xc7: {  	_ =	shalt  }
tec
execute0_lowered:
.L_overlay_start_1:
0x0: {  	(tag) =	ssettag $0x1  }
0x1: {  	s0 =	rddreg [dreg:$0x0]  }
0x2: {  	s1 =	rddreg [dreg:$0x1]  }
0x3: {  	s2 =	rddreg [dreg:$0x2]  }
0x4: {  	s3 =	rddreg [dreg:$0x3];
	s4 =	srdreg.scid  }
0x5: {  	s6 =	simm.s32 $0x0;
	s5 =	stileid.u32;
	s9 =	simm.s32 $0x10200  }
0x6: {  	s10 =	simm.s32 $0x400;
	s11 =	simm.s32 $0x7A1400;
	s26 =	simm.s32 $0x200  }
0x7: {  	s13 =	simm.s32 $0x2200;
	s14 =	simm.s32 $0x4200;
	s15 =	simm.s32 $0x6200  }
0x8: {  	s16 =	simm.s32 $0x8200;
	s17 =	simm.s32 $0xA200;
	s18 =	simm.s32 $0xC200  }
0x9: {  	s19 =	simm.s32 $0xE200;
	s23 =	simm.s32 $0x1;
	s4 =	sand.u32 $0x1, s4  }
0xa: {  	[smem:$0x7FF] =	sst s6;
	s5 =	sshll.u32 s5, $0xA;
	s28 =	sshll.u32 s4, $0x9  }
0xb: {  	s2 =	sadd.s32 $0x1200, s2;
	s4 =	ssub.s32 $0x2, s4;
	s5 =	sor.u32 s28, s5  }
0xc: {  	_ =	strace $0x80000047;
	s29 =	sshrl.u32 s4, $0x1;
	s6 =	sshrl.u32 s5, $0x3  }
0xd: {  	v0 =	vlaneseq.u32;
	[dreg:$0x5] =	wrdreg s2;
	s2 =	ssub.s32 s4, s29;
	s0 =	sadd.s32 s0, s6  }
0xe: {  	v1 =	vmul.u32 $0x80, v0;
	s30 =	sshll.u32 s5, $0x4;
	s31 =	smax.u32 s2, $0x1;
	[dreg:$0x6] =	wrdreg s0  }
0xf: {  	s21 =	simm.s32 $0x12200;
	v3 =	vor.u32 $0x10, v0;
	v5 =	vor.u32 $0x20, v0;
	v7 =	vor.u32 $0x30, v0;
	s0 =	sadd.s32 s3, s30;
	[dreg:$0x8] =	wrdreg s31  }
0x10: {  	s25 =	simm.s32 $0x2;
	v2 =	vor.u32 $0x800, v1;
	v4 =	vor.u32 $0x1000, v1;
	v6 =	vor.u32 $0x1800, v1;
	s2 =	simm.s32 $0x0;
	[dreg:$0x7] =	wrdreg s0  }
.LBB2_1:
0x11: {  	[dreg:$0x9] =	wrdreg s2  }
0x12: {  	s0 =	simm.s32 $0x0;
	s30 =	rddreg [dreg:$0x6];
	s3 =	simm.s32 $0x9  }
0x13: {  	[tilespmem:s0], [sflag:$0x9] =	stream.linear.gather [hbm4b:s30+s0], $0x200, $0x38;
	[tilespmem:$0x1A200] =	vst v63  }
0x14: {  	_ =	swait.ge [sflag:s3], $0x200  }
0x15: {  	[sflag:s3] =	ssyncset.done $0x0  }
0x16: {  	s31 =	rddreg [dreg:$0x5];
	[sflag:s3] =	ssyncadd.s32 $0xFFFFFE00  }
0x17: {  	[tilespmem:s9], [sflag:$0x9] =	stream.linear.gather [hbm4b:s31+s0], $0x2000, $0x38;
	[tilespmem:$0x1A200] =	vst v63  }
0x18: {  	_ =	swait.ge [sflag:s3], $0x2000  }
0x19: {  	p1 =	por $0x1, $0x1;
	[sflag:s3] =	ssyncset.done $0x0  }
0x1a: {  	s2 =	simm.s32 $0x0;
	[sflag:s3] =	ssyncadd.s32 $0xFFFFE000;
	s3 =	simm.s32 $0x10  }
.LBB2_2:
0x1b: {  	s0 =	sshll.u32 s2, $0x4  }
0x1c: {  	[dreg:$0xb] =	wrdreg s2;
	s2 =	sshll.u32 s2, $0x8;
	p0 =	por p1, p1  }
0x1d: {  	[dreg:$0xa] =	wrdreg s3;
	s4 =	ssub.s32 s3, s0;
	s5 =	sand.u32 $0x3FFFFF00, s2  }
.LBB2_3:
0x1e: {  	v8 =	vld [tilespmem:s5+$0x0];
	_ =	sdelay $0x4  }
0x1f: {  	v9 =	vshrl.u32 v8, $0x7  }
0x20: {  	v9 =	vmin.u32 v9, $0x1E83  }
0x21: {  	v9 =	vshll.u32 v9, $0x7  }
0x22: {  	(v2sf) =	vpush v9, $0x0  }
0x23: {  	(v2sf) =	vpush v9, $0x1;
	_ =	sdelay $0x1  }
0x24: {  	(v2sf) =	vpush v9, $0x2;
	_ =	sdelay $0x1  }
0x25: {  	(v2sf) =	vpush v9, $0x3;
	_ =	sdelay $0x1  }
0x26: {  	(v2sf) =	vpush v9, $0x4;
	_ =	sdelay $0x1  }
0x27: {  	(v2sf) =	vpush v9, $0x5;
	_ =	sdelay $0x1  }
0x28: {  	(v2sf) =	vpush v9, $0x6;
	_ =	sdelay $0x3  }
0x29: {  	s3 =	spop (v2sf);
	(v2sf) =	vpush v9, $0x7  }
0x2a: {  	s6 =	spop (v2sf);
	s0 =	sadd.s32 s1, s3  }
0x2b: {  	[tilespmem:s26], [sflag:$0x1] =	stream.strided.gather [hbm4b:s0+s10], $0x2000, s11, s10, $0x38;
	[tilespmem:$0x1A200] =	vst v63  }
0x2c: {  	s8 =	spop (v2sf);
	s24 =	sadd.s32 s1, s6  }
0x2d: {  	[tilespmem:s13], [sflag:$0x2] =	stream.strided.gather [hbm4b:s24+s10], $0x2000, s11, s10, $0x38;
	[tilespmem:$0x1A200] =	vst v63  }
0x2e: {  	s0 =	spop (v2sf);
	s7 =	sadd.s32 s1, s8  }
0x2f: {  	[tilespmem:s14], [sflag:$0x3] =	stream.strided.gather [hbm4b:s7+s10], $0x2000, s11, s10, $0x38;
	[tilespmem:$0x1A200] =	vst v63  }
0x30: {  	s31 =	spop (v2sf);
	s26 =	sadd.s32 s1, s0  }
0x31: {  	[tilespmem:s15], [sflag:$0x4] =	stream.strided.gather [hbm4b:s26+s10], $0x2000, s11, s10, $0x38;
	[tilespmem:$0x1A200] =	vst v63  }
0x32: {  	s20 =	spop (v2sf);
	s28 =	sadd.s32 s1, s31  }
0x33: {  	[tilespmem:s16], [sflag:$0x5] =	stream.strided.gather [hbm4b:s28+s10], $0x2000, s11, s10, $0x38;
	[tilespmem:$0x1A200] =	vst v63  }
0x34: {  	s22 =	spop (v2sf);
	s29 =	sadd.s32 s1, s20  }
0x35: {  	[tilespmem:s17], [sflag:$0x6] =	stream.strided.gather [hbm4b:s29+s10], $0x2000, s11, s10, $0x38;
	[tilespmem:$0x1A200] =	vst v63  }
0x36: {  	s30 =	sadd.s32 s1, s22  }
0x37: {  	[tilespmem:s18], [sflag:$0x7] =	stream.strided.gather [hbm4b:s30+s10], $0x2000, s11, s10, $0x38;
	[tilespmem:$0x1A200] =	vst v63  }
0x38: {  	s30 =	spop (v2sf)  }
0x39: {  	s13 =	sadd.s32 s1, s30  }
0x3a: {  	[tilespmem:s19], [sflag:$0x8] =	stream.strided.gather [hbm4b:s13+s10], $0x2000, s11, s10, $0x38;
	[tilespmem:$0x1A200] =	vst v63  }
0x3b: {  	_ =	swait.ge [sflag:s23], $0x2000  }
0x3c: {  	(v2sf) =	vpush v8, $0x0;
	_ =	sdelay $0xe  }
0x3d: {  	s23 =	spop (v2sf)  }
0x3e: {  	s7 =	sadd.s32 $0xFFF0BE00, s23  }
0x3f: {  	s3 =	ssub.s32 s23, s3;
	p1 =	sgt.s32 s7, $0x0  }
0x40: {  	p2 =	slt.s32 s3, $0x7F;
	s7 =	simm.s32 @!p1 $0x0  }
0x41: {  	s3 =	simm.s32 @!p2 $0x7F;
	s7 =	smin.u32 s7, $0x3F  }
0x42: {  	v10 =	vadd.s32 s3, v1;
	s24 =	sshll.u32 s7, $0x7  }
0x43: {  	v11 =	vor.u32 s24, v0  }
0x44: {  	s26 =	simm.s32 $0x1  }
0x45: {  	[sflag:s26] =	ssyncset.done $0x0  }
0x46: {  	s13 =	simm.s32 $0x200;
	[sflag:s26] =	ssyncadd.s32 $0xFFFFE000  }
0x47: {  	s7 =	sshll.u32 s2, $0x7;
	v10 =	vld.idx.msk [tilespmem:v10+s13+$0x0], $0xffff  }
0x48: {  	s7 =	sand.u32 $0x7800, s7;
	v11 =	vld.idx.msk [tilespmem:v11+s9+$0x0], $0xffff  }
0x49: {  	v12 =	vor.u32 s7, v0  }
0x4a: {  	v13 =	vadd.s32 s3, v2  }
0x4b: {  	v14 =	vor.u32 s24, v3  }
0x4c: {  	p6 =	sgt.s32 s23, $0xF41FF  }
0x4d: {  	v10 =	vpsel p6, v11, v10  }
0x4e: {  	[tilespmem:v12+s21+$0x0] =	vst.idx.msk $0xffff, v10  }
0x4f: {  	v10 =	vld.idx.msk [tilespmem:v13+s13+$0x0], $0xffff  }
0x50: {  	v24 =	vld.idx.msk [tilespmem:v14+s9+$0x0], $0xffff  }
0x51: {  	v25 =	vor.u32 s7, v3  }
0x52: {  	v26 =	vadd.s32 s3, v4  }
0x53: {  	v27 =	vor.u32 s24, v5;
	_ =	sdelay $0x1  }
0x54: {  	v10 =	vpsel p6, v24, v10  }
0x55: {  	(v2sf) =	vpush v9, $0x8;
	[tilespmem:v25+s21+$0x0] =	vst.idx.msk $0xffff, v10  }
0x56: {  	v10 =	vld.idx.msk [tilespmem:v26+s13+$0x0], $0xffff  }
0x57: {  	v28 =	vld.idx.msk [tilespmem:v27+s9+$0x0], $0xffff  }
0x58: {  	v29 =	vor.u32 s7, v5  }
0x59: {  	v30 =	vadd.s32 s3, v6  }
0x5a: {  	v31 =	vor.u32 s24, v7;
	_ =	sdelay $0x1  }
0x5b: {  	v10 =	vpsel p6, v28, v10  }
0x5c: {  	[tilespmem:v29+s21+$0x0] =	vst.idx.msk $0xffff, v10  }
0x5d: {  	v10 =	vld.idx.msk [tilespmem:v30+s13+$0x0], $0xffff  }
0x5e: {  	v32 =	vld.idx.msk [tilespmem:v31+s9+$0x0], $0xffff  }
0x5f: {  	v33 =	vor.u32 s7, v7;
	_ =	sdelay $0x3  }
0x60: {  	s3 =	spop (v2sf);
	v10 =	vpsel p6, v32, v10  }
0x61: {  	s24 =	sadd.s32 s1, s3;
	[tilespmem:v33+s21+$0x0] =	vst.idx.msk $0xffff, v10  }
0x62: {  	[tilespmem:s13], [sflag:$0x1] =	stream.strided.gather [hbm4b:s24+s10], $0x2000, s11, s10, $0x38;
	[tilespmem:$0x1A200] =	vst v63  }
0x63: {  	_ =	swait.ge [sflag:s25], $0x2000  }
0x64: {  	(v2sf) =	vpush v8, $0x1;
	_ =	sdelay $0xe  }
0x65: {  	s23 =	spop (v2sf)  }
0x66: {  	s24 =	sadd.s32 $0xFFF0BE00, s23  }
0x67: {  	s6 =	ssub.s32 s23, s6;
	p1 =	sgt.s32 s24, $0x0  }
0x68: {  	p2 =	slt.s32 s6, $0x7F;
	s24 =	simm.s32 @!p1 $0x0  }
0x69: {  	s6 =	simm.s32 @!p2 $0x7F;
	s24 =	smin.u32 s24, $0x3F  }
0x6a: {  	v34 =	vadd.s32 s6, v1;
	s24 =	sshll.u32 s24, $0x7  }
0x6b: {  	v35 =	vor.u32 s24, v0;
	_ =	sdelay $0x1  }
0x6c: {  	[sflag:s25] =	ssyncset.done $0x0  }
0x6d: {  	s13 =	simm.s32 $0x2200;
	[sflag:s25] =	ssyncadd.s32 $0xFFFFE000  }
0x6e: {  	v10 =	vld.idx.msk [tilespmem:v34+s13+$0x0], $0xffff  }
0x6f: {  	s25 =	sor.u32 $0x80, s7;
	v11 =	vld.idx.msk [tilespmem:v35+s9+$0x0], $0xffff  }
0x70: {  	v36 =	vor.u32 s25, v0  }
0x71: {  	v37 =	vadd.s32 s6, v2  }
0x72: {  	v38 =	vor.u32 s24, v3  }
0x73: {  	p2 =	sgt.s32 s23, $0xF41FF  }
0x74: {  	v10 =	vpsel p2, v11, v10  }
0x75: {  	[tilespmem:v36+s21+$0x0] =	vst.idx.msk $0xffff, v10  }
0x76: {  	v10 =	vld.idx.msk [tilespmem:v37+s13+$0x0], $0xffff  }
0x77: {  	v39 =	vld.idx.msk [tilespmem:v38+s9+$0x0], $0xffff  }
0x78: {  	v40 =	vor.u32 s25, v3  }
0x79: {  	v41 =	vadd.s32 s6, v4  }
0x7a: {  	v42 =	vor.u32 s24, v5;
	_ =	sdelay $0x1  }
0x7b: {  	v10 =	vpsel p2, v39, v10  }
0x7c: {  	(v2sf) =	vpush v9, $0x9;
	[tilespmem:v40+s21+$0x0] =	vst.idx.msk $0xffff, v10  }
0x7d: {  	v10 =	vld.idx.msk [tilespmem:v41+s13+$0x0], $0xffff  }
0x7e: {  	v43 =	vld.idx.msk [tilespmem:v42+s9+$0x0], $0xffff  }
0x7f: {  	v44 =	vor.u32 s25, v5  }
0x80: {  	v45 =	vadd.s32 s6, v6  }
0x81: {  	v46 =	vor.u32 s24, v7;
	_ =	sdelay $0x1  }
0x82: {  	v10 =	vpsel p2, v43, v10  }
0x83: {  	[tilespmem:v44+s21+$0x0] =	vst.idx.msk $0xffff, v10  }
0x84: {  	v10 =	vld.idx.msk [tilespmem:v45+s13+$0x0], $0xffff  }
0x85: {  	v47 =	vld.idx.msk [tilespmem:v46+s9+$0x0], $0xffff  }
0x86: {  	v48 =	vor.u32 s25, v7;
	_ =	sdelay $0x3  }
0x87: {  	s6 =	spop (v2sf);
	v10 =	vpsel p2, v47, v10  }
0x88: {  	s28 =	simm.s32 $0x3;
	s24 =	sadd.s32 s1, s6;
	[tilespmem:v48+s21+$0x0] =	vst.idx.msk $0xffff, v10  }
0x89: {  	[tilespmem:s13], [sflag:$0x2] =	stream.strided.gather [hbm4b:s24+s10], $0x2000, s11, s10, $0x38;
	[tilespmem:$0x1A200] =	vst v63  }
0x8a: {  	_ =	swait.ge [sflag:s28], $0x2000  }
0x8b: {  	(v2sf) =	vpush v8, $0x2;
	_ =	sdelay $0xe  }
0x8c: {  	s23 =	spop (v2sf)  }
0x8d: {  	s24 =	sadd.s32 $0xFFF0BE00, s23  }
0x8e: {  	s8 =	ssub.s32 s23, s8;
	p1 =	sgt.s32 s24, $0x0  }
0x8f: {  	p2 =	slt.s32 s8, $0x7F;
	s24 =	simm.s32 @!p1 $0x0  }
0x90: {  	s8 =	simm.s32 @!p2 $0x7F;
	s24 =	smin.u32 s24, $0x3F  }
0x91: {  	v49 =	vadd.s32 s8, v1;
	s24 =	sshll.u32 s24, $0x7  }
0x92: {  	v50 =	vor.u32 s24, v0;
	_ =	sdelay $0x1  }
0x93: {  	[sflag:s28] =	ssyncset.done $0x0  }
0x94: {  	[sflag:s28] =	ssyncadd.s32 $0xFFFFE000  }
0x95: {  	v10 =	vld.idx.msk [tilespmem:v49+s14+$0x0], $0xffff  }
0x96: {  	s25 =	sor.u32 $0x100, s7;
	v11 =	vld.idx.msk [tilespmem:v50+s9+$0x0], $0xffff  }
0x97: {  	v51 =	vor.u32 s25, v0  }
0x98: {  	v52 =	vadd.s32 s8, v2  }
0x99: {  	v53 =	vor.u32 s24, v3  }
0x9a: {  	p3 =	sgt.s32 s23, $0xF41FF  }
0x9b: {  	v10 =	vpsel p3, v11, v10  }
0x9c: {  	[tilespmem:v51+s21+$0x0] =	vst.idx.msk $0xffff, v10  }
0x9d: {  	v10 =	vld.idx.msk [tilespmem:v52+s14+$0x0], $0xffff  }
0x9e: {  	v54 =	vld.idx.msk [tilespmem:v53+s9+$0x0], $0xffff  }
0x9f: {  	v55 =	vor.u32 s25, v3  }
0xa0: {  	v56 =	vadd.s32 s8, v4  }
0xa1: {  	v57 =	vor.u32 s24, v5;
	_ =	sdelay $0x1  }
0xa2: {  	v10 =	vpsel p3, v54, v10  }
0xa3: {  	(v2sf) =	vpush v9, $0xA;
	[tilespmem:v55+s21+$0x0] =	vst.idx.msk $0xffff, v10  }
0xa4: {  	v10 =	vld.idx.msk [tilespmem:v56+s14+$0x0], $0xffff  }
0xa5: {  	v58 =	vld.idx.msk [tilespmem:v57+s9+$0x0], $0xffff  }
0xa6: {  	v59 =	vor.u32 s25, v5  }
0xa7: {  	v60 =	vadd.s32 s8, v6  }
0xa8: {  	v61 =	vor.u32 s24, v7;
	_ =	sdelay $0x1  }
0xa9: {  	v10 =	vpsel p3, v58, v10  }
0xaa: {  	[tilespmem:v59+s21+$0x0] =	vst.idx.msk $0xffff, v10  }
0xab: {  	v10 =	vld.idx.msk [tilespmem:v60+s14+$0x0], $0xffff  }
0xac: {  	v62 =	vld.idx.msk [tilespmem:v61+s9+$0x0], $0xffff  }
0xad: {  	v63 =	vor.u32 s25, v7;
	_ =	sdelay $0x3  }
0xae: {  	s8 =	spop (v2sf);
	v10 =	vpsel p3, v62, v10  }
0xaf: {  	s28 =	simm.s32 $0x4;
	s25 =	sadd.s32 s1, s8;
	[tilespmem:v63+s21+$0x0] =	vst.idx.msk $0xffff, v10  }
0xb0: {  	[tilespmem:s14], [sflag:$0x3] =	stream.strided.gather [hbm4b:s25+s10], $0x2000, s11, s10, $0x38;
	[tilespmem:$0x1A200] =	vst v63  }
0xb1: {  	_ =	swait.ge [sflag:s28], $0x2000  }
0xb2: {  	(v2sf) =	vpush v8, $0x3;
	_ =	sdelay $0xe  }
0xb3: {  	s23 =	spop (v2sf)  }
0xb4: {  	s24 =	sadd.s32 $0xFFF0BE00, s23  }
0xb5: {  	s0 =	ssub.s32 s23, s0;
	p1 =	sgt.s32 s24, $0x0  }
0xb6: {  	p2 =	slt.s32 s0, $0x7F;
	s24 =	simm.s32 @!p1 $0x0  }
0xb7: {  	s0 =	simm.s32 @!p2 $0x7F;
	s24 =	smin.u32 s24, $0x3F  }
0xb8: {  	v14 =	vadd.s32 s0, v1;
	s24 =	sshll.u32 s24, $0x7  }
0xb9: {  	v15 =	vor.u32 s24, v0;
	_ =	sdelay $0x1  }
0xba: {  	[sflag:s28] =	ssyncset.done $0x0  }
0xbb: {  	[sflag:s28] =	ssyncadd.s32 $0xFFFFE000  }
0xbc: {  	v10 =	vld.idx.msk [tilespmem:v14+s15+$0x0], $0xffff  }
0xbd: {  	s25 =	sor.u32 $0x180, s7;
	v11 =	vld.idx.msk [tilespmem:v15+s9+$0x0], $0xffff  }
0xbe: {  	v16 =	vor.u32 s25, v0  }
0xbf: {  	v17 =	vadd.s32 s0, v2  }
0xc0: {  	v18 =	vor.u32 s24, v3  }
0xc1: {  	p4 =	sgt.s32 s23, $0xF41FF  }
0xc2: {  	v10 =	vpsel p4, v11, v10  }
0xc3: {  	[tilespmem:v16+s21+$0x0] =	vst.idx.msk $0xffff, v10  }
0xc4: {  	v10 =	vld.idx.msk [tilespmem:v17+s15+$0x0], $0xffff  }
0xc5: {  	v19 =	vld.idx.msk [tilespmem:v18+s9+$0x0], $0xffff  }
0xc6: {  	v20 =	vor.u32 s25, v3  }
0xc7: {  	v21 =	vadd.s32 s0, v4  }
0xc8: {  	v22 =	vor.u32 s24, v5;
	_ =	sdelay $0x1  }
0xc9: {  	v10 =	vpsel p4, v19, v10  }
0xca: {  	(v2sf) =	vpush v9, $0xB;
	[tilespmem:v20+s21+$0x0] =	vst.idx.msk $0xffff, v10  }
0xcb: {  	v10 =	vld.idx.msk [tilespmem:v21+s15+$0x0], $0xffff  }
0xcc: {  	v23 =	vld.idx.msk [tilespmem:v22+s9+$0x0], $0xffff  }
0xcd: {  	v24 =	vor.u32 s25, v5  }
0xce: {  	v25 =	vadd.s32 s0, v6  }
0xcf: {  	v26 =	vor.u32 s24, v7;
	_ =	sdelay $0x1  }
0xd0: {  	v10 =	vpsel p4, v23, v10  }
0xd1: {  	[tilespmem:v24+s21+$0x0] =	vst.idx.msk $0xffff, v10  }
0xd2: {  	v10 =	vld.idx.msk [tilespmem:v25+s15+$0x0], $0xffff  }
0xd3: {  	v27 =	vld.idx.msk [tilespmem:v26+s9+$0x0], $0xffff  }
0xd4: {  	v28 =	vor.u32 s25, v7;
	_ =	sdelay $0x3  }
0xd5: {  	s0 =	spop (v2sf);
	v10 =	vpsel p4, v27, v10  }
0xd6: {  	s29 =	simm.s32 $0x5;
	s24 =	sadd.s32 s1, s0;
	[tilespmem:v28+s21+$0x0] =	vst.idx.msk $0xffff, v10  }
0xd7: {  	[tilespmem:s15], [sflag:$0x4] =	stream.strided.gather [hbm4b:s24+s10], $0x2000, s11, s10, $0x38;
	[tilespmem:$0x1A200] =	vst v63  }
0xd8: {  	_ =	swait.ge [sflag:s29], $0x2000  }
0xd9: {  	(v2sf) =	vpush v8, $0x4;
	_ =	sdelay $0xe  }
0xda: {  	s23 =	spop (v2sf)  }
0xdb: {  	s24 =	sadd.s32 $0xFFF0BE00, s23  }
0xdc: {  	s25 =	ssub.s32 s23, s31;
	p1 =	sgt.s32 s24, $0x0  }
0xdd: {  	p2 =	slt.s32 s25, $0x7F;
	s24 =	simm.s32 @!p1 $0x0  }
0xde: {  	s25 =	simm.s32 @!p2 $0x7F;
	s24 =	smin.u32 s24, $0x3F  }
0xdf: {  	v29 =	vadd.s32 s25, v1;
	s24 =	sshll.u32 s24, $0x7  }
0xe0: {  	v30 =	vor.u32 s24, v0;
	_ =	sdelay $0x1  }
0xe1: {  	[sflag:s29] =	ssyncset.done $0x0  }
0xe2: {  	[sflag:s29] =	ssyncadd.s32 $0xFFFFE000  }
0xe3: {  	v10 =	vld.idx.msk [tilespmem:v29+s16+$0x0], $0xffff  }
0xe4: {  	s31 =	sor.u32 $0x200, s7;
	v11 =	vld.idx.msk [tilespmem:v30+s9+$0x0], $0xffff  }
0xe5: {  	v31 =	vor.u32 s31, v0  }
0xe6: {  	v32 =	vadd.s32 s25, v2  }
0xe7: {  	v33 =	vor.u32 s24, v3  }
0xe8: {  	p5 =	sgt.s32 s23, $0xF41FF  }
0xe9: {  	v10 =	vpsel p5, v11, v10  }
0xea: {  	[tilespmem:v31+s21+$0x0] =	vst.idx.msk $0xffff, v10  }
0xeb: {  	v10 =	vld.idx.msk [tilespmem:v32+s16+$0x0], $0xffff  }
0xec: {  	v34 =	vld.idx.msk [tilespmem:v33+s9+$0x0], $0xffff  }
0xed: {  	v35 =	vor.u32 s31, v3  }
0xee: {  	v36 =	vadd.s32 s25, v4  }
0xef: {  	v37 =	vor.u32 s24, v5;
	_ =	sdelay $0x1  }
0xf0: {  	v10 =	vpsel p5, v34, v10  }
0xf1: {  	(v2sf) =	vpush v9, $0xC;
	[tilespmem:v35+s21+$0x0] =	vst.idx.msk $0xffff, v10  }
0xf2: {  	v10 =	vld.idx.msk [tilespmem:v36+s16+$0x0], $0xffff  }
0xf3: {  	v38 =	vld.idx.msk [tilespmem:v37+s9+$0x0], $0xffff  }
0xf4: {  	v39 =	vor.u32 s31, v5  }
0xf5: {  	v40 =	vadd.s32 s25, v6  }
0xf6: {  	v41 =	vor.u32 s24, v7;
	_ =	sdelay $0x1  }
0xf7: {  	v10 =	vpsel p5, v38, v10  }
0xf8: {  	[tilespmem:v39+s21+$0x0] =	vst.idx.msk $0xffff, v10  }
0xf9: {  	v10 =	vld.idx.msk [tilespmem:v40+s16+$0x0], $0xffff  }
0xfa: {  	v42 =	vld.idx.msk [tilespmem:v41+s9+$0x0], $0xffff  }
0xfb: {  	v43 =	vor.u32 s31, v7;
	_ =	sdelay $0x3  }
0xfc: {  	s31 =	spop (v2sf);
	v10 =	vpsel p5, v42, v10  }
0xfd: {  	s29 =	simm.s32 $0x6;
	s25 =	sadd.s32 s1, s31;
	[tilespmem:v43+s21+$0x0] =	vst.idx.msk $0xffff, v10  }
0xfe: {  	[tilespmem:s16], [sflag:$0x5] =	stream.strided.gather [hbm4b:s25+s10], $0x2000, s11, s10, $0x38;
	[tilespmem:$0x1A200] =	vst v63  }
0xff: {  	_ =	swait.ge [sflag:s29], $0x2000  }
0x100: {  	(v2sf) =	vpush v8, $0x5;
	_ =	sdelay $0xe  }
0x101: {  	s23 =	spop (v2sf)  }
0x102: {  	s24 =	sadd.s32 $0xFFF0BE00, s23  }
0x103: {  	s20 =	ssub.s32 s23, s20;
	p1 =	sgt.s32 s24, $0x0  }
0x104: {  	p2 =	slt.s32 s20, $0x7F;
	s24 =	simm.s32 @!p1 $0x0  }
0x105: {  	s20 =	simm.s32 @!p2 $0x7F;
	s24 =	smin.u32 s24, $0x3F  }
0x106: {  	v44 =	vadd.s32 s20, v1;
	s24 =	sshll.u32 s24, $0x7  }
0x107: {  	v45 =	vor.u32 s24, v0;
	_ =	sdelay $0x1  }
0x108: {  	[sflag:s29] =	ssyncset.done $0x0  }
0x109: {  	[sflag:s29] =	ssyncadd.s32 $0xFFFFE000  }
0x10a: {  	v10 =	vld.idx.msk [tilespmem:v44+s17+$0x0], $0xffff  }
0x10b: {  	s25 =	sor.u32 $0x280, s7;
	v11 =	vld.idx.msk [tilespmem:v45+s9+$0x0], $0xffff  }
0x10c: {  	v46 =	vor.u32 s25, v0  }
0x10d: {  	v47 =	vadd.s32 s20, v2  }
0x10e: {  	v48 =	vor.u32 s24, v3  }
0x10f: {  	p6 =	sgt.s32 s23, $0xF41FF  }
0x110: {  	v10 =	vpsel p6, v11, v10  }
0x111: {  	[tilespmem:v46+s21+$0x0] =	vst.idx.msk $0xffff, v10  }
0x112: {  	v10 =	vld.idx.msk [tilespmem:v47+s17+$0x0], $0xffff  }
0x113: {  	v49 =	vld.idx.msk [tilespmem:v48+s9+$0x0], $0xffff  }
0x114: {  	v50 =	vor.u32 s25, v3  }
0x115: {  	v51 =	vadd.s32 s20, v4  }
0x116: {  	v52 =	vor.u32 s24, v5;
	_ =	sdelay $0x1  }
0x117: {  	v10 =	vpsel p6, v49, v10  }
0x118: {  	(v2sf) =	vpush v9, $0xD;
	[tilespmem:v50+s21+$0x0] =	vst.idx.msk $0xffff, v10  }
0x119: {  	v10 =	vld.idx.msk [tilespmem:v51+s17+$0x0], $0xffff  }
0x11a: {  	v53 =	vld.idx.msk [tilespmem:v52+s9+$0x0], $0xffff  }
0x11b: {  	v54 =	vor.u32 s25, v5  }
0x11c: {  	v55 =	vadd.s32 s20, v6  }
0x11d: {  	v56 =	vor.u32 s24, v7;
	_ =	sdelay $0x1  }
0x11e: {  	v10 =	vpsel p6, v53, v10  }
0x11f: {  	[tilespmem:v54+s21+$0x0] =	vst.idx.msk $0xffff, v10  }
0x120: {  	v10 =	vld.idx.msk [tilespmem:v55+s17+$0x0], $0xffff  }
0x121: {  	v57 =	vld.idx.msk [tilespmem:v56+s9+$0x0], $0xffff  }
0x122: {  	v58 =	vor.u32 s25, v7;
	_ =	sdelay $0x3  }
0x123: {  	s20 =	spop (v2sf);
	v10 =	vpsel p6, v57, v10  }
0x124: {  	s12 =	simm.s32 $0x7;
	s24 =	sadd.s32 s1, s20;
	[tilespmem:v58+s21+$0x0] =	vst.idx.msk $0xffff, v10  }
0x125: {  	[tilespmem:s17], [sflag:$0x6] =	stream.strided.gather [hbm4b:s24+s10], $0x2000, s11, s10, $0x38;
	[tilespmem:$0x1A200] =	vst v63  }
0x126: {  	_ =	swait.ge [sflag:s12], $0x2000  }
0x127: {  	(v2sf) =	vpush v8, $0x6;
	_ =	sdelay $0xe  }
0x128: {  	s25 =	spop (v2sf)  }
0x129: {  	s24 =	sadd.s32 $0xFFF0BE00, s25  }
0x12a: {  	s22 =	ssub.s32 s25, s22;
	p1 =	sgt.s32 s24, $0x0  }
0x12b: {  	p2 =	slt.s32 s22, $0x7F;
	s24 =	simm.s32 @!p1 $0x0  }
0x12c: {  	s22 =	simm.s32 @!p2 $0x7F;
	s24 =	smin.u32 s24, $0x3F  }
0x12d: {  	v59 =	vadd.s32 s22, v1;
	s24 =	sshll.u32 s24, $0x7  }
0x12e: {  	v60 =	vor.u32 s24, v0;
	_ =	sdelay $0x1  }
0x12f: {  	[sflag:s12] =	ssyncset.done $0x0  }
0x130: {  	[sflag:s12] =	ssyncadd.s32 $0xFFFFE000  }
0x131: {  	v10 =	vld.idx.msk [tilespmem:v59+s18+$0x0], $0xffff  }
0x132: {  	s12 =	sor.u32 $0x300, s7;
	v11 =	vld.idx.msk [tilespmem:v60+s9+$0x0], $0xffff  }
0x133: {  	v61 =	vor.u32 s12, v0  }
0x134: {  	v62 =	vadd.s32 s22, v2  }
0x135: {  	v63 =	vor.u32 s24, v3  }
0x136: {  	p2 =	sgt.s32 s25, $0xF41FF  }
0x137: {  	v10 =	vpsel p2, v11, v10  }
0x138: {  	[tilespmem:v61+s21+$0x0] =	vst.idx.msk $0xffff, v10  }
0x139: {  	v10 =	vld.idx.msk [tilespmem:v62+s18+$0x0], $0xffff  }
0x13a: {  	v16 =	vld.idx.msk [tilespmem:v63+s9+$0x0], $0xffff  }
0x13b: {  	v17 =	vor.u32 s12, v3  }
0x13c: {  	v18 =	vadd.s32 s22, v4  }
0x13d: {  	v19 =	vor.u32 s24, v5;
	_ =	sdelay $0x1  }
0x13e: {  	v10 =	vpsel p2, v16, v10  }
0x13f: {  	(v2sf) =	vpush v9, $0xE;
	[tilespmem:v17+s21+$0x0] =	vst.idx.msk $0xffff, v10  }
0x140: {  	v10 =	vld.idx.msk [tilespmem:v18+s18+$0x0], $0xffff  }
0x141: {  	v20 =	vld.idx.msk [tilespmem:v19+s9+$0x0], $0xffff  }
0x142: {  	v21 =	vor.u32 s12, v5  }
0x143: {  	v22 =	vadd.s32 s22, v6  }
0x144: {  	v23 =	vor.u32 s24, v7;
	_ =	sdelay $0x1  }
0x145: {  	v10 =	vpsel p2, v20, v10  }
0x146: {  	[tilespmem:v21+s21+$0x0] =	vst.idx.msk $0xffff, v10  }
0x147: {  	v10 =	vld.idx.msk [tilespmem:v22+s18+$0x0], $0xffff  }
0x148: {  	v24 =	vld.idx.msk [tilespmem:v23+s9+$0x0], $0xffff  }
0x149: {  	v25 =	vor.u32 s12, v7;
	_ =	sdelay $0x3  }
0x14a: {  	s22 =	spop (v2sf);
	v10 =	vpsel p2, v24, v10  }
0x14b: {  	s25 =	simm.s32 $0x8;
	s24 =	sadd.s32 s1, s22;
	[tilespmem:v25+s21+$0x0] =	vst.idx.msk $0xffff, v10  }
0x14c: {  	[tilespmem:s18], [sflag:$0x7] =	stream.strided.gather [hbm4b:s24+s10], $0x2000, s11, s10, $0x38;
	[tilespmem:$0x1A200] =	vst v63  }
0x14d: {  	_ =	swait.ge [sflag:s25], $0x2000  }
0x14e: {  	(v2sf) =	vpush v8, $0x7;
	_ =	sdelay $0xe  }
0x14f: {  	s23 =	spop (v2sf)  }
0x150: {  	s24 =	sadd.s32 $0xFFF0BE00, s23  }
0x151: {  	s25 =	ssub.s32 s23, s30;
	p1 =	sgt.s32 s24, $0x0  }
0x152: {  	p2 =	slt.s32 s25, $0x7F;
	s24 =	simm.s32 @!p1 $0x0  }
0x153: {  	s25 =	simm.s32 @!p2 $0x7F;
	s24 =	smin.u32 s24, $0x3F  }
0x154: {  	v26 =	vadd.s32 s25, v1;
	s24 =	sshll.u32 s24, $0x7  }
0x155: {  	v27 =	vor.u32 s24, v0  }
0x156: {  	s30 =	simm.s32 $0x8  }
0x157: {  	[sflag:s30] =	ssyncset.done $0x0;
	s30 =	simm.s32 $0x8  }
0x158: {  	[sflag:s30] =	ssyncadd.s32 $0xFFFFE000  }
0x159: {  	v10 =	vld.idx.msk [tilespmem:v26+s19+$0x0], $0xffff  }
0x15a: {  	s12 =	sor.u32 $0x380, s7;
	v11 =	vld.idx.msk [tilespmem:v27+s9+$0x0], $0xffff  }
0x15b: {  	v28 =	vor.u32 s12, v0  }
0x15c: {  	v29 =	vadd.s32 s25, v2  }
0x15d: {  	v30 =	vor.u32 s24, v3  }
0x15e: {  	p3 =	sgt.s32 s23, $0xF41FF  }
0x15f: {  	v10 =	vpsel p3, v11, v10  }
0x160: {  	[tilespmem:v28+s21+$0x0] =	vst.idx.msk $0xffff, v10  }
0x161: {  	v10 =	vld.idx.msk [tilespmem:v29+s19+$0x0], $0xffff  }
0x162: {  	v31 =	vld.idx.msk [tilespmem:v30+s9+$0x0], $0xffff  }
0x163: {  	v32 =	vor.u32 s12, v3  }
0x164: {  	v33 =	vadd.s32 s25, v4  }
0x165: {  	v34 =	vor.u32 s24, v5;
	_ =	sdelay $0x1  }
0x166: {  	v10 =	vpsel p3, v31, v10  }
0x167: {  	(v2sf) =	vpush v9, $0xF;
	[tilespmem:v32+s21+$0x0] =	vst.idx.msk $0xffff, v10  }
0x168: {  	v35 =	vld.idx.msk [tilespmem:v33+s19+$0x0], $0xffff  }
0x169: {  	v10 =	vld.idx.msk [tilespmem:v34+s9+$0x0], $0xffff  }
0x16a: {  	v36 =	vor.u32 s12, v5  }
0x16b: {  	v37 =	vadd.s32 s25, v6  }
0x16c: {  	v38 =	vor.u32 s24, v7;
	_ =	sdelay $0x1  }
0x16d: {  	v9 =	vpsel p3, v10, v35  }
0x16e: {  	[tilespmem:v36+s21+$0x0] =	vst.idx.msk $0xffff, v9  }
0x16f: {  	v9 =	vld.idx.msk [tilespmem:v37+s19+$0x0], $0xffff  }
0x170: {  	v39 =	vld.idx.msk [tilespmem:v38+s9+$0x0], $0xffff  }
0x171: {  	v40 =	vor.u32 s12, v7;
	_ =	sdelay $0x3  }
0x172: {  	s30 =	spop (v2sf);
	v9 =	vpsel p3, v39, v9  }
0x173: {  	s24 =	sadd.s32 s1, s30;
	[tilespmem:v40+s21+$0x0] =	vst.idx.msk $0xffff, v9  }
0x174: {  	[tilespmem:s19], [sflag:$0x8] =	stream.strided.gather [hbm4b:s24+s10], $0x2000, s11, s10, $0x38;
	[tilespmem:$0x1A200] =	vst v63  }
0x175: {  	_ =	swait.ge [sflag:s26], $0x2000  }
0x176: {  	(v2sf) =	vpush v8, $0x8;
	_ =	sdelay $0xe  }
0x177: {  	s25 =	spop (v2sf)  }
0x178: {  	s24 =	sadd.s32 $0xFFF0BE00, s25  }
0x179: {  	s3 =	ssub.s32 s25, s3;
	p1 =	sgt.s32 s24, $0x0  }
0x17a: {  	p2 =	slt.s32 s3, $0x7F;
	s24 =	simm.s32 @!p1 $0x0  }
0x17b: {  	s3 =	simm.s32 @!p2 $0x7F;
	s24 =	smin.u32 s24, $0x3F  }
0x17c: {  	v41 =	vadd.s32 s3, v1;
	s24 =	sshll.u32 s24, $0x7  }
0x17d: {  	v42 =	vor.u32 s24, v0;
	_ =	sdelay $0x1  }
0x17e: {  	[sflag:s26] =	ssyncset.done $0x0  }
0x17f: {  	[sflag:s26] =	ssyncadd.s32 $0xFFFFE000;
	s26 =	simm.s32 $0x200  }
0x180: {  	v9 =	vld.idx.msk [tilespmem:v41+s26+$0x0], $0xffff  }
0x181: {  	s12 =	sor.u32 $0x400, s7;
	v10 =	vld.idx.msk [tilespmem:v42+s9+$0x0], $0xffff  }
0x182: {  	v43 =	vor.u32 s12, v0  }
0x183: {  	v44 =	vadd.s32 s3, v2  }
0x184: {  	v45 =	vor.u32 s24, v3  }
0x185: {  	p4 =	sgt.s32 s25, $0xF41FF  }
0x186: {  	v9 =	vpsel p4, v10, v9  }
0x187: {  	[tilespmem:v43+s21+$0x0] =	vst.idx.msk $0xffff, v9  }
0x188: {  	v9 =	vld.idx.msk [tilespmem:v44+s26+$0x0], $0xffff  }
0x189: {  	v46 =	vld.idx.msk [tilespmem:v45+s9+$0x0], $0xffff  }
0x18a: {  	v47 =	vor.u32 s12, v3  }
0x18b: {  	v48 =	vadd.s32 s3, v4  }
0x18c: {  	v49 =	vor.u32 s24, v5;
	_ =	sdelay $0x1  }
0x18d: {  	v9 =	vpsel p4, v46, v9  }
0x18e: {  	[tilespmem:v47+s21+$0x0] =	vst.idx.msk $0xffff, v9  }
0x18f: {  	v9 =	vld.idx.msk [tilespmem:v48+s26+$0x0], $0xffff  }
0x190: {  	v50 =	vld.idx.msk [tilespmem:v49+s9+$0x0], $0xffff  }
0x191: {  	v51 =	vor.u32 s12, v5  }
0x192: {  	v52 =	vadd.s32 s3, v6  }
0x193: {  	v53 =	vor.u32 s24, v7;
	_ =	sdelay $0x1  }
0x194: {  	v9 =	vpsel p4, v50, v9  }
0x195: {  	[tilespmem:v51+s21+$0x0] =	vst.idx.msk $0xffff, v9  }
0x196: {  	v9 =	vld.idx.msk [tilespmem:v52+s26+$0x0], $0xffff  }
0x197: {  	v54 =	vld.idx.msk [tilespmem:v53+s9+$0x0], $0xffff  }
0x198: {  	v55 =	vor.u32 s12, v7;
	_ =	sdelay $0x3  }
0x199: {  	v9 =	vpsel p4, v54, v9  }
0x19a: {  	s25 =	simm.s32 $0x2;
	[tilespmem:v55+s21+$0x0] =	vst.idx.msk $0xffff, v9  }
0x19b: {  	_ =	swait.ge [sflag:s25], $0x2000  }
0x19c: {  	(v2sf) =	vpush v8, $0x9;
	_ =	sdelay $0xe  }
0x19d: {  	s24 =	spop (v2sf)  }
0x19e: {  	s23 =	sadd.s32 $0xFFF0BE00, s24  }
0x19f: {  	s6 =	ssub.s32 s24, s6;
	p1 =	sgt.s32 s23, $0x0  }
0x1a0: {  	p2 =	slt.s32 s6, $0x7F;
	s23 =	simm.s32 @!p1 $0x0  }
0x1a1: {  	s6 =	simm.s32 @!p2 $0x7F;
	s23 =	smin.u32 s23, $0x3F  }
0x1a2: {  	v56 =	vadd.s32 s6, v1;
	s23 =	sshll.u32 s23, $0x7  }
0x1a3: {  	v57 =	vor.u32 s23, v0;
	_ =	sdelay $0x1  }
0x1a4: {  	[sflag:s25] =	ssyncset.done $0x0  }
0x1a5: {  	[sflag:s25] =	ssyncadd.s32 $0xFFFFE000  }
0x1a6: {  	v9 =	vld.idx.msk [tilespmem:v56+s13+$0x0], $0xffff  }
0x1a7: {  	s12 =	sor.u32 $0x480, s7;
	v10 =	vld.idx.msk [tilespmem:v57+s9+$0x0], $0xffff  }
0x1a8: {  	v58 =	vor.u32 s12, v0  }
0x1a9: {  	v59 =	vadd.s32 s6, v2  }
0x1aa: {  	v60 =	vor.u32 s23, v3  }
0x1ab: {  	p5 =	sgt.s32 s24, $0xF41FF  }
0x1ac: {  	v9 =	vpsel p5, v10, v9  }
0x1ad: {  	[tilespmem:v58+s21+$0x0] =	vst.idx.msk $0xffff, v9  }
0x1ae: {  	v9 =	vld.idx.msk [tilespmem:v59+s13+$0x0], $0xffff  }
0x1af: {  	v61 =	vld.idx.msk [tilespmem:v60+s9+$0x0], $0xffff  }
0x1b0: {  	v62 =	vor.u32 s12, v3  }
0x1b1: {  	v63 =	vadd.s32 s6, v4  }
0x1b2: {  	v16 =	vor.u32 s23, v5;
	_ =	sdelay $0x1  }
0x1b3: {  	v9 =	vpsel p5, v61, v9  }
0x1b4: {  	[tilespmem:v62+s21+$0x0] =	vst.idx.msk $0xffff, v9  }
0x1b5: {  	v9 =	vld.idx.msk [tilespmem:v63+s13+$0x0], $0xffff  }
0x1b6: {  	v17 =	vld.idx.msk [tilespmem:v16+s9+$0x0], $0xffff  }
0x1b7: {  	v18 =	vor.u32 s12, v5  }
0x1b8: {  	v19 =	vadd.s32 s6, v6  }
0x1b9: {  	v20 =	vor.u32 s23, v7;
	_ =	sdelay $0x1  }
0x1ba: {  	v9 =	vpsel p5, v17, v9  }
0x1bb: {  	[tilespmem:v18+s21+$0x0] =	vst.idx.msk $0xffff, v9  }
0x1bc: {  	v9 =	vld.idx.msk [tilespmem:v19+s13+$0x0], $0xffff  }
0x1bd: {  	v21 =	vld.idx.msk [tilespmem:v20+s9+$0x0], $0xffff  }
0x1be: {  	v22 =	vor.u32 s12, v7;
	_ =	sdelay $0x3  }
0x1bf: {  	v9 =	vpsel p5, v21, v9  }
0x1c0: {  	s12 =	simm.s32 $0x3;
	[tilespmem:v22+s21+$0x0] =	vst.idx.msk $0xffff, v9  }
0x1c1: {  	_ =	swait.ge [sflag:s12], $0x2000  }
0x1c2: {  	(v2sf) =	vpush v8, $0xA;
	_ =	sdelay $0xe  }
0x1c3: {  	s3 =	spop (v2sf)  }
0x1c4: {  	s6 =	sadd.s32 $0xFFF0BE00, s3  }
0x1c5: {  	s8 =	ssub.s32 s3, s8;
	p1 =	sgt.s32 s6, $0x0  }
0x1c6: {  	p2 =	slt.s32 s8, $0x7F;
	s6 =	simm.s32 @!p1 $0x0  }
0x1c7: {  	s8 =	simm.s32 @!p2 $0x7F;
	s6 =	smin.u32 s6, $0x3F  }
0x1c8: {  	v23 =	vadd.s32 s8, v1;
	s6 =	sshll.u32 s6, $0x7  }
0x1c9: {  	v24 =	vor.u32 s6, v0;
	_ =	sdelay $0x1  }
0x1ca: {  	[sflag:s12] =	ssyncset.done $0x0  }
0x1cb: {  	[sflag:s12] =	ssyncadd.s32 $0xFFFFE000  }
0x1cc: {  	v9 =	vld.idx.msk [tilespmem:v23+s14+$0x0], $0xffff  }
0x1cd: {  	s12 =	sor.u32 $0x500, s7;
	v10 =	vld.idx.msk [tilespmem:v24+s9+$0x0], $0xffff  }
0x1ce: {  	v25 =	vor.u32 s12, v0  }
0x1cf: {  	v26 =	vadd.s32 s8, v2  }
0x1d0: {  	v27 =	vor.u32 s6, v3  }
0x1d1: {  	p6 =	sgt.s32 s3, $0xF41FF  }
0x1d2: {  	v9 =	vpsel p6, v10, v9  }
0x1d3: {  	[tilespmem:v25+s21+$0x0] =	vst.idx.msk $0xffff, v9  }
0x1d4: {  	v9 =	vld.idx.msk [tilespmem:v26+s14+$0x0], $0xffff  }
0x1d5: {  	v28 =	vld.idx.msk [tilespmem:v27+s9+$0x0], $0xffff  }
0x1d6: {  	v29 =	vor.u32 s12, v3  }
0x1d7: {  	v30 =	vadd.s32 s8, v4  }
0x1d8: {  	v31 =	vor.u32 s6, v5;
	_ =	sdelay $0x1  }
0x1d9: {  	v9 =	vpsel p6, v28, v9  }
0x1da: {  	[tilespmem:v29+s21+$0x0] =	vst.idx.msk $0xffff, v9  }
0x1db: {  	v9 =	vld.idx.msk [tilespmem:v30+s14+$0x0], $0xffff  }
0x1dc: {  	v32 =	vld.idx.msk [tilespmem:v31+s9+$0x0], $0xffff  }
0x1dd: {  	v33 =	vor.u32 s12, v5  }
0x1de: {  	v34 =	vadd.s32 s8, v6  }
0x1df: {  	v35 =	vor.u32 s6, v7;
	_ =	sdelay $0x1  }
0x1e0: {  	v9 =	vpsel p6, v32, v9  }
0x1e1: {  	[tilespmem:v33+s21+$0x0] =	vst.idx.msk $0xffff, v9  }
0x1e2: {  	v9 =	vld.idx.msk [tilespmem:v34+s14+$0x0], $0xffff  }
0x1e3: {  	v36 =	vld.idx.msk [tilespmem:v35+s9+$0x0], $0xffff  }
0x1e4: {  	v37 =	vor.u32 s12, v7;
	_ =	sdelay $0x3  }
0x1e5: {  	v9 =	vpsel p6, v36, v9  }
0x1e6: {  	[tilespmem:v37+s21+$0x0] =	vst.idx.msk $0xffff, v9  }
0x1e7: {  	_ =	swait.ge [sflag:s28], $0x2000  }
0x1e8: {  	(v2sf) =	vpush v8, $0xB;
	_ =	sdelay $0xe  }
0x1e9: {  	s12 =	spop (v2sf)  }
0x1ea: {  	s6 =	sadd.s32 $0xFFF0BE00, s12  }
0x1eb: {  	s0 =	ssub.s32 s12, s0;
	p1 =	sgt.s32 s6, $0x0  }
0x1ec: {  	p2 =	slt.s32 s0, $0x7F;
	s6 =	simm.s32 @!p1 $0x0  }
0x1ed: {  	s0 =	simm.s32 @!p2 $0x7F;
	s6 =	smin.u32 s6, $0x3F  }
0x1ee: {  	v38 =	vadd.s32 s0, v1;
	s6 =	sshll.u32 s6, $0x7  }
0x1ef: {  	v39 =	vor.u32 s6, v0;
	_ =	sdelay $0x1  }
0x1f0: {  	[sflag:s28] =	ssyncset.done $0x0  }
0x1f1: {  	[sflag:s28] =	ssyncadd.s32 $0xFFFFE000  }
0x1f2: {  	v9 =	vld.idx.msk [tilespmem:v38+s15+$0x0], $0xffff  }
0x1f3: {  	s28 =	sor.u32 $0x580, s7;
	v10 =	vld.idx.msk [tilespmem:v39+s9+$0x0], $0xffff  }
0x1f4: {  	v40 =	vor.u32 s28, v0  }
0x1f5: {  	v41 =	vadd.s32 s0, v2  }
0x1f6: {  	v42 =	vor.u32 s6, v3  }
0x1f7: {  	p2 =	sgt.s32 s12, $0xF41FF  }
0x1f8: {  	v9 =	vpsel p2, v10, v9  }
0x1f9: {  	[tilespmem:v40+s21+$0x0] =	vst.idx.msk $0xffff, v9  }
0x1fa: {  	v9 =	vld.idx.msk [tilespmem:v41+s15+$0x0], $0xffff  }
0x1fb: {  	v43 =	vld.idx.msk [tilespmem:v42+s9+$0x0], $0xffff  }
0x1fc: {  	v44 =	vor.u32 s28, v3  }
0x1fd: {  	v45 =	vadd.s32 s0, v4  }
0x1fe: {  	v46 =	vor.u32 s6, v5;
	_ =	sdelay $0x1  }
0x1ff: {  	v9 =	vpsel p2, v43, v9  }
0x200: {  	[tilespmem:v44+s21+$0x0] =	vst.idx.msk $0xffff, v9  }
0x201: {  	v9 =	vld.idx.msk [tilespmem:v45+s15+$0x0], $0xffff  }
0x202: {  	v47 =	vld.idx.msk [tilespmem:v46+s9+$0x0], $0xffff  }
0x203: {  	v48 =	vor.u32 s28, v5  }
0x204: {  	v49 =	vadd.s32 s0, v6  }
0x205: {  	v50 =	vor.u32 s6, v7;
	_ =	sdelay $0x1  }
0x206: {  	v9 =	vpsel p2, v47, v9  }
0x207: {  	[tilespmem:v48+s21+$0x0] =	vst.idx.msk $0xffff, v9  }
0x208: {  	v9 =	vld.idx.msk [tilespmem:v49+s15+$0x0], $0xffff  }
0x209: {  	v51 =	vld.idx.msk [tilespmem:v50+s9+$0x0], $0xffff  }
0x20a: {  	v52 =	vor.u32 s28, v7;
	_ =	sdelay $0x3  }
0x20b: {  	v9 =	vpsel p2, v51, v9  }
0x20c: {  	s24 =	simm.s32 $0x5;
	[tilespmem:v52+s21+$0x0] =	vst.idx.msk $0xffff, v9  }
0x20d: {  	_ =	swait.ge [sflag:s24], $0x2000  }
0x20e: {  	(v2sf) =	vpush v8, $0xC;
	_ =	sdelay $0xe  }
0x20f: {  	s12 =	spop (v2sf)  }
0x210: {  	s3 =	sadd.s32 $0xFFF0BE00, s12  }
0x211: {  	s6 =	ssub.s32 s12, s31;
	p1 =	sgt.s32 s3, $0x0  }
0x212: {  	p2 =	slt.s32 s6, $0x7F;
	s3 =	simm.s32 @!p1 $0x0  }
0x213: {  	s6 =	simm.s32 @!p2 $0x7F;
	s3 =	smin.u32 s3, $0x3F  }
0x214: {  	v53 =	vadd.s32 s6, v1;
	s3 =	sshll.u32 s3, $0x7  }
0x215: {  	v54 =	vor.u32 s3, v0;
	_ =	sdelay $0x1  }
0x216: {  	[sflag:s24] =	ssyncset.done $0x0  }
0x217: {  	[sflag:s24] =	ssyncadd.s32 $0xFFFFE000  }
0x218: {  	v9 =	vld.idx.msk [tilespmem:v53+s16+$0x0], $0xffff  }
0x219: {  	s24 =	sor.u32 $0x600, s7;
	v10 =	vld.idx.msk [tilespmem:v54+s9+$0x0], $0xffff  }
0x21a: {  	v55 =	vor.u32 s24, v0  }
0x21b: {  	v56 =	vadd.s32 s6, v2  }
0x21c: {  	v57 =	vor.u32 s3, v3  }
0x21d: {  	p3 =	sgt.s32 s12, $0xF41FF  }
0x21e: {  	v9 =	vpsel p3, v10, v9  }
0x21f: {  	[tilespmem:v55+s21+$0x0] =	vst.idx.msk $0xffff, v9  }
0x220: {  	v9 =	vld.idx.msk [tilespmem:v56+s16+$0x0], $0xffff  }
0x221: {  	v58 =	vld.idx.msk [tilespmem:v57+s9+$0x0], $0xffff  }
0x222: {  	v59 =	vor.u32 s24, v3  }
0x223: {  	v60 =	vadd.s32 s6, v4  }
0x224: {  	v61 =	vor.u32 s3, v5;
	_ =	sdelay $0x1  }
0x225: {  	v9 =	vpsel p3, v58, v9  }
0x226: {  	[tilespmem:v59+s21+$0x0] =	vst.idx.msk $0xffff, v9  }
0x227: {  	v9 =	vld.idx.msk [tilespmem:v60+s16+$0x0], $0xffff  }
0x228: {  	v62 =	vld.idx.msk [tilespmem:v61+s9+$0x0], $0xffff  }
0x229: {  	v63 =	vor.u32 s24, v5  }
0x22a: {  	v16 =	vadd.s32 s6, v6  }
0x22b: {  	v17 =	vor.u32 s3, v7;
	_ =	sdelay $0x1  }
0x22c: {  	v9 =	vpsel p3, v62, v9  }
0x22d: {  	[tilespmem:v63+s21+$0x0] =	vst.idx.msk $0xffff, v9  }
0x22e: {  	v9 =	vld.idx.msk [tilespmem:v16+s16+$0x0], $0xffff  }
0x22f: {  	v18 =	vld.idx.msk [tilespmem:v17+s9+$0x0], $0xffff  }
0x230: {  	v19 =	vor.u32 s24, v7;
	_ =	sdelay $0x3  }
0x231: {  	v9 =	vpsel p3, v18, v9  }
0x232: {  	[tilespmem:v19+s21+$0x0] =	vst.idx.msk $0xffff, v9  }
0x233: {  	_ =	swait.ge [sflag:s29], $0x2000  }
0x234: {  	(v2sf) =	vpush v8, $0xD;
	_ =	sdelay $0xe  }
0x235: {  	s28 =	spop (v2sf)  }
0x236: {  	s3 =	sadd.s32 $0xFFF0BE00, s28  }
0x237: {  	s6 =	ssub.s32 s28, s20;
	p1 =	sgt.s32 s3, $0x0  }
0x238: {  	p2 =	slt.s32 s6, $0x7F;
	s3 =	simm.s32 @!p1 $0x0  }
0x239: {  	s6 =	simm.s32 @!p2 $0x7F;
	s3 =	smin.u32 s3, $0x3F  }
0x23a: {  	v20 =	vadd.s32 s6, v1;
	s3 =	sshll.u32 s3, $0x7  }
0x23b: {  	v21 =	vor.u32 s3, v0;
	_ =	sdelay $0x1  }
0x23c: {  	[sflag:s29] =	ssyncset.done $0x0  }
0x23d: {  	[sflag:s29] =	ssyncadd.s32 $0xFFFFE000  }
0x23e: {  	v9 =	vld.idx.msk [tilespmem:v20+s17+$0x0], $0xffff  }
0x23f: {  	s20 =	sor.u32 $0x680, s7;
	v10 =	vld.idx.msk [tilespmem:v21+s9+$0x0], $0xffff  }
0x240: {  	v22 =	vor.u32 s20, v0  }
0x241: {  	v23 =	vadd.s32 s6, v2  }
0x242: {  	v24 =	vor.u32 s3, v3  }
0x243: {  	p4 =	sgt.s32 s28, $0xF41FF  }
0x244: {  	v9 =	vpsel p4, v10, v9  }
0x245: {  	[tilespmem:v22+s21+$0x0] =	vst.idx.msk $0xffff, v9  }
0x246: {  	v9 =	vld.idx.msk [tilespmem:v23+s17+$0x0], $0xffff  }
0x247: {  	v25 =	vld.idx.msk [tilespmem:v24+s9+$0x0], $0xffff  }
0x248: {  	v26 =	vor.u32 s20, v3  }
0x249: {  	v27 =	vadd.s32 s6, v4  }
0x24a: {  	v28 =	vor.u32 s3, v5;
	_ =	sdelay $0x1  }
0x24b: {  	v9 =	vpsel p4, v25, v9  }
0x24c: {  	[tilespmem:v26+s21+$0x0] =	vst.idx.msk $0xffff, v9  }
0x24d: {  	v9 =	vld.idx.msk [tilespmem:v27+s17+$0x0], $0xffff  }
0x24e: {  	v29 =	vld.idx.msk [tilespmem:v28+s9+$0x0], $0xffff  }
0x24f: {  	v30 =	vor.u32 s20, v5  }
0x250: {  	v31 =	vadd.s32 s6, v6  }
0x251: {  	v32 =	vor.u32 s3, v7;
	_ =	sdelay $0x1  }
0x252: {  	v9 =	vpsel p4, v29, v9  }
0x253: {  	[tilespmem:v30+s21+$0x0] =	vst.idx.msk $0xffff, v9  }
0x254: {  	v9 =	vld.idx.msk [tilespmem:v31+s17+$0x0], $0xffff  }
0x255: {  	v33 =	vld.idx.msk [tilespmem:v32+s9+$0x0], $0xffff  }
0x256: {  	v34 =	vor.u32 s20, v7;
	_ =	sdelay $0x3  }
0x257: {  	v9 =	vpsel p4, v33, v9  }
0x258: {  	s31 =	simm.s32 $0x7;
	[tilespmem:v34+s21+$0x0] =	vst.idx.msk $0xffff, v9  }
0x259: {  	_ =	swait.ge [sflag:s31], $0x2000  }
0x25a: {  	(v2sf) =	vpush v8, $0xE;
	_ =	sdelay $0xe  }
0x25b: {  	s24 =	spop (v2sf)  }
0x25c: {  	s3 =	sadd.s32 $0xFFF0BE00, s24  }
0x25d: {  	s6 =	ssub.s32 s24, s22;
	p1 =	sgt.s32 s3, $0x0  }
0x25e: {  	p2 =	slt.s32 s6, $0x7F;
	s3 =	simm.s32 @!p1 $0x0  }
0x25f: {  	s6 =	simm.s32 @!p2 $0x7F;
	s3 =	smin.u32 s3, $0x3F  }
0x260: {  	v35 =	vadd.s32 s6, v1;
	s3 =	sshll.u32 s3, $0x7  }
0x261: {  	v36 =	vor.u32 s3, v0;
	_ =	sdelay $0x1  }
0x262: {  	[sflag:s31] =	ssyncset.done $0x0  }
0x263: {  	[sflag:s31] =	ssyncadd.s32 $0xFFFFE000  }
0x264: {  	v9 =	vld.idx.msk [tilespmem:v35+s18+$0x0], $0xffff  }
0x265: {  	s28 =	sor.u32 $0x700, s7;
	v10 =	vld.idx.msk [tilespmem:v36+s9+$0x0], $0xffff  }
0x266: {  	v37 =	vor.u32 s28, v0  }
0x267: {  	v38 =	vadd.s32 s6, v2  }
0x268: {  	v39 =	vor.u32 s3, v3  }
0x269: {  	p5 =	sgt.s32 s24, $0xF41FF  }
0x26a: {  	v9 =	vpsel p5, v10, v9  }
0x26b: {  	[tilespmem:v37+s21+$0x0] =	vst.idx.msk $0xffff, v9  }
0x26c: {  	v9 =	vld.idx.msk [tilespmem:v38+s18+$0x0], $0xffff  }
0x26d: {  	v40 =	vld.idx.msk [tilespmem:v39+s9+$0x0], $0xffff  }
0x26e: {  	v41 =	vor.u32 s28, v3  }
0x26f: {  	v42 =	vadd.s32 s6, v4  }
0x270: {  	v43 =	vor.u32 s3, v5;
	_ =	sdelay $0x1  }
0x271: {  	v9 =	vpsel p5, v40, v9  }
0x272: {  	[tilespmem:v41+s21+$0x0] =	vst.idx.msk $0xffff, v9  }
0x273: {  	v9 =	vld.idx.msk [tilespmem:v42+s18+$0x0], $0xffff  }
0x274: {  	v44 =	vld.idx.msk [tilespmem:v43+s9+$0x0], $0xffff  }
0x275: {  	v45 =	vor.u32 s28, v5  }
0x276: {  	v46 =	vadd.s32 s6, v6  }
0x277: {  	v47 =	vor.u32 s3, v7;
	_ =	sdelay $0x1  }
0x278: {  	v9 =	vpsel p5, v44, v9  }
0x279: {  	[tilespmem:v45+s21+$0x0] =	vst.idx.msk $0xffff, v9  }
0x27a: {  	v9 =	vld.idx.msk [tilespmem:v46+s18+$0x0], $0xffff  }
0x27b: {  	v48 =	vld.idx.msk [tilespmem:v47+s9+$0x0], $0xffff  }
0x27c: {  	v49 =	vor.u32 s28, v7;
	_ =	sdelay $0x3  }
0x27d: {  	v9 =	vpsel p5, v48, v9  }
0x27e: {  	s29 =	simm.s32 $0x8;
	[tilespmem:v49+s21+$0x0] =	vst.idx.msk $0xffff, v9  }
0x27f: {  	_ =	swait.ge [sflag:s29], $0x2000  }
0x280: {  	(v2sf) =	vpush v8, $0xF;
	_ =	sdelay $0xe  }
0x281: {  	s31 =	spop (v2sf)  }
0x282: {  	s3 =	sadd.s32 $0xFFF0BE00, s31  }
0x283: {  	s6 =	ssub.s32 s31, s30;
	p1 =	sgt.s32 s3, $0x0  }
0x284: {  	p2 =	slt.s32 s6, $0x7F;
	s3 =	simm.s32 @!p1 $0x0  }
0x285: {  	s6 =	simm.s32 @!p2 $0x7F;
	s3 =	smin.u32 s3, $0x3F  }
0x286: {  	v8 =	vadd.s32 s6, v1;
	s3 =	sshll.u32 s3, $0x7  }
0x287: {  	v50 =	vor.u32 s3, v0;
	_ =	sdelay $0x1  }
0x288: {  	[sflag:s29] =	ssyncset.done $0x0  }
0x289: {  	[sflag:s29] =	ssyncadd.s32 $0xFFFFE000  }
0x28a: {  	v8 =	vld.idx.msk [tilespmem:v8+s19+$0x0], $0xffff  }
0x28b: {  	s7 =	sor.u32 $0x780, s7;
	v9 =	vld.idx.msk [tilespmem:v50+s9+$0x0], $0xffff  }
0x28c: {  	v51 =	vor.u32 s7, v0  }
0x28d: {  	v52 =	vadd.s32 s6, v2  }
0x28e: {  	v53 =	vor.u32 s3, v3  }
0x28f: {  	p6 =	sgt.s32 s31, $0xF41FF  }
0x290: {  	v8 =	vpsel p6, v9, v8  }
0x291: {  	[tilespmem:v51+s21+$0x0] =	vst.idx.msk $0xffff, v8  }
0x292: {  	v8 =	vld.idx.msk [tilespmem:v52+s19+$0x0], $0xffff  }
0x293: {  	v54 =	vld.idx.msk [tilespmem:v53+s9+$0x0], $0xffff  }
0x294: {  	v55 =	vor.u32 s7, v3  }
0x295: {  	v56 =	vadd.s32 s6, v4  }
0x296: {  	v57 =	vor.u32 s3, v5;
	_ =	sdelay $0x1  }
0x297: {  	v8 =	vpsel p6, v54, v8  }
0x298: {  	[tilespmem:v55+s21+$0x0] =	vst.idx.msk $0xffff, v8  }
0x299: {  	v8 =	vld.idx.msk [tilespmem:v56+s19+$0x0], $0xffff  }
0x29a: {  	v58 =	vld.idx.msk [tilespmem:v57+s9+$0x0], $0xffff  }
0x29b: {  	v59 =	vor.u32 s7, v5  }
0x29c: {  	v60 =	vadd.s32 s6, v6  }
0x29d: {  	v61 =	vor.u32 s3, v7;
	_ =	sdelay $0x1  }
0x29e: {  	v8 =	vpsel p6, v58, v8  }
0x29f: {  	[tilespmem:v59+s21+$0x0] =	vst.idx.msk $0xffff, v8  }
0x2a0: {  	v8 =	vld.idx.msk [tilespmem:v60+s19+$0x0], $0xffff  }
0x2a1: {  	v62 =	vld.idx.msk [tilespmem:v61+s9+$0x0], $0xffff  }
0x2a2: {  	v63 =	vor.u32 s7, v7;
	p1 =	sne.s32 s4, $0x1  }
.Ltmp0:
0x2a3: {  	_ = 	snop;
	(pc) =	sbr.rel @p1 .LBB2_3-.Ltmp0, $3  }
0x2a4: {  	_ =	sdelay $0x1  }
0x2a5: {  	s5 =	sadd.s32 $0x10, s5;
	v8 =	vpsel p6, v62, v8  }
0x2a6: {  	s2 =	sadd.s32 $0x10, s2;
	s23 =	simm.s32 $0x1;
	s4 =	sadd.s32 $0xFFFFFFFF, s4;
	[tilespmem:v63+s21+$0x0] =	vst.idx.msk $0xffff, v8  }
0x2a7: {  	s0 =	rddreg [dreg:$0xb]  }
0x2a8: {  	s2 =	rddreg [dreg:$0x7];
	s30 =	simm.s32 $0x0;
	s0 =	sshll.u32 s0, $0xC  }
.Ltmp1:
0x2a9: {  	s31 =	simm.s32 $0x9;
	s0 =	sadd.s32 s0, s2;
	(pc) =	sbr.rel @p0 .LBB2_2-.Ltmp1, $4  }
0x2aa: {  	[hbm4b:s0+s30] =	stream.linear.scatter [tilespmem:s21], [sflag:$0x9], $0x8000, $0x38;
	[tilespmem:$0x1A200] =	vst v63  }
0x2ab: {  	_ =	swait.ge [sflag:s31], $0x8000  }
0x2ac: {  	p1 =	por $0x0, $0x0;
	[sflag:s31] =	ssyncset.done $0x0;
	s3 =	rddreg [dreg:$0xa]  }
0x2ad: {  	s2 =	simm.s32 $0x1;
	[sflag:s31] =	ssyncadd.s32 $0xFFFF8000;
	s3 =	sadd.s32 $0x10, s3  }
0x2ae: {  	s2 =	rddreg [dreg:$0x9]  }
0x2af: {  	s0 =	rddreg [dreg:$0x8];
	s2 =	sadd.s32 $0x1, s2  }
0x2b0: {  	p0 =	sne.s32 s2, s0  }
.Ltmp2:
0x2b1: {  	_ = 	snop;
	(pc) =	sbr.rel @p0 .LBB2_1-.Ltmp2, $1  }
0x2b2: {  	_ =	sdelay $0x3  }
0x2b3: {  	_ =	sfence.sel $0x180000  }
0x2b4: {  	[bflag:$0x0] =	sbarrier.arrive $0xFFFF  }
0x2b5: {  	_ =	strace $0x90000047  }
0x2b6: {  	s0 =	stileid.u32;
	[bflag:$0x2] =	sbarrier.arrive $0xFFFF  }
0x2b7: {  	p0 =	sne.s32 s0, $0x0;
	s0 =	rddreg [dreg:$0x4]  }
0x2b8: {  	s0 =	sadd.s32 @!p0 $0x100000, s0  }
0x2b9: {  	[sflag:s0] =	ssyncadd.tile.s32 @!p0 $0x1;
	_ =	shalt  }
.Lfunc_end2:
_tile_overlayer_lowered:
.L_overlay_start_2:
0x2ba: {  	(tag) =	ssettag $0x2  }
0x2bb: {  	s0 =	rddreg [dreg:$0x0];
	s2 =	stileid.u32  }
0x2bc: {  	s1 =	rddreg [dreg:$0x1];
	p0 =	sne.s32 s2, $0x0  }
0x2bd: {  	s3 =	rddreg [dreg:$0x2];
	[bflag:$0x3] =	sbarrier.arrive $0xFFFF;
	s2 =	simm.s32 @!p0 $0x1C09  }
0x2be: {  	[timem:s3], [sflag:s2] =	dma.local @!p0 [hbm:s0], s1  }
0x2bf: {  	s0 =	simm.s32 @!p0 $0x9  }
0x2c0: {  	_ =	swait.ge @!p0 [sflag:s0], s1  }
0x2c1: {  	s1 =	ssub.s32 @!p0 $0x0, s1;
	[sflag:s0] =	ssyncset.done @!p0 $0x0  }
0x2c2: {  	[sflag:s0] =	ssyncadd.s32 @!p0 s1  }
0x2c3: {  	[bflag:$0x3] =	sbarrier.arrive $0xFFFF  }
0x2c4: {  	_ =	shalt  }

</sc_bundles>
